<compile_context>
chip_gen: v7x
topology: tpu7x:2x2x1
jax: 0.10.2.dev20260603
libtpu: 0.0.44.dev20260713+nightly
codegen_flags: <defaults>
</compile_context>

<pallas_src>
import functools

import jax
import jax.numpy as jnp
from jax import lax
from jax.experimental import pallas as pl
from jax.experimental.pallas import tpu as pltpu
from jax.experimental.pallas import tpu_sc as plsc

_WIDTH = 1024
_LUT = 2048
_NC = 2
_NS = 16
_NW = _NC * _NS


def _lut_body(w_ref, uh_ref, bl_ref, lpi_ref, out_ref):
    w0, w1, w2 = w_ref[0], w_ref[1], w_ref[2]
    e0 = jnp.exp(uh_ref[0])
    e1 = jnp.exp(uh_ref[1])
    e2 = jnp.exp(uh_ref[2])
    e3 = jnp.exp(uh_ref[3])
    area = (e0 + e1) * 0.5 * w0 + (e1 + e2) * 0.5 * w1 + (e2 + e3) * 0.5 * w2
    h0, h1, h2, h3 = e0 / area, e1 / area, e2 / area, e3 / area
    b0, b1, b2, b3 = bl_ref[0], bl_ref[1], bl_ref[2], bl_ref[3]
    lpi = lpi_ref[0]

    rows, cols = out_ref.shape
    s = (lax.broadcasted_iota(jnp.int32, (rows, cols), 0) * cols
         + lax.broadcasted_iota(jnp.int32, (rows, cols), 1))
    x = s.astype(jnp.float32) / float(_WIDTH)
    cnt = ((b0 <= x).astype(jnp.int32) + (b1 <= x).astype(jnp.int32)
           + (b2 <= x).astype(jnp.int32) + (b3 <= x).astype(jnp.int32))
    idx = jnp.clip(cnt - 1, 0, 2)
    is0 = idx == 0
    is1 = idx == 1
    in_loc = jnp.where(is0, b0, jnp.where(is1, b1, b2))
    w = jnp.where(is0, w0, jnp.where(is1, w1, w2))
    h_l = jnp.where(is0, h0, jnp.where(is1, h1, h2))
    h_r = jnp.where(is0, h1, jnp.where(is1, h2, h3))
    alpha = (x - in_loc) / w
    darg = alpha * (h_r - h_l) + h_l
    lad = jnp.log(jnp.maximum(darg, 1e-35))
    outside = s.astype(jnp.float32) > float(_WIDTH)
    lad = jnp.where(outside, jnp.log(1.0 - jnp.exp(lpi)), lad)
    out_ref[...] = lad + lpi


def _build_lut(widths, unnormalized_heights, bin_locations, logprob_inside):
    lut2d = pl.pallas_call(
        _lut_body,
        out_shape=jax.ShapeDtypeStruct((8, _LUT // 8), jnp.float32),
        in_specs=[pl.BlockSpec(memory_space=pltpu.SMEM)] * 4,
    )(widths, unnormalized_heights, bin_locations,
      jnp.reshape(logprob_inside, (1,)))
    return lut2d.reshape(_LUT)


@functools.partial(jax.jit, static_argnames=("n", "cb"))
def _sc_lookup(coords, lut, *, n, cb):
    nb = n // 128
    per_w = nb // _NW
    n_chunks = per_w // cb
    n_pairs = n_chunks // 2
    mesh = plsc.VectorSubcoreMesh(core_axis_name="c", subcore_axis_name="s")

    @functools.partial(
        pl.kernel,
        out_type=jax.ShapeDtypeStruct((n,), jnp.float32),
        mesh=mesh,
        compiler_params=pltpu.CompilerParams(
            needs_layout_passes=False, use_tc_tiling_on_sc=False),
        scratch_types=[
            pltpu.VMEM((_LUT,), jnp.float32),
            pltpu.VMEM((2, cb, 2, 128), jnp.int32),
            pltpu.VMEM((2, cb * 128), jnp.float32),
            pltpu.SemaphoreType.DMA,
            pltpu.SemaphoreType.DMA,
            pltpu.SemaphoreType.DMA,
            pltpu.SemaphoreType.DMA,
        ],
    )
    def sc(coords_hbm, lut_hbm, out_hbm, lut_v, cbuf, obuf,
           si0, si1, so0, so1):
        wid = lax.axis_index("s") * _NC + lax.axis_index("c")
        base = wid * per_w
        sin = (si0, si1)
        sout = (so0, so1)

        def copy_in(c, p):
            return pltpu.async_copy(
                coords_hbm.at[pl.ds(base + c * cb, cb)], cbuf.at[p], sin[p])

        def copy_out(c, p):
            return pltpu.async_copy(
                obuf.at[p],
                out_hbm.at[pl.ds((base + c * cb) * 128, cb * 128)], sout[p])

        def compute(p):
            @plsc.parallel_loop(0, cb, unroll=4)
            def blk(i):
                for k in range(8):
                    s = cbuf[p, i, 0, pl.ds(k * 16, 16)]
                    e = cbuf[p, i, 1, pl.ds(k * 16, 16)]
                    d = jnp.minimum(jnp.maximum(e - s, 0), _LUT - 1)
                    obuf[p, pl.ds(i * 128 + k * 16, 16)] = (
                        plsc.load_gather(lut_v, [d]))

        h0 = copy_in(0, 0)
        h1 = copy_in(1, 1)
        pltpu.sync_copy(lut_hbm, lut_v)
        h0.wait()
        compute(0)
        copy_out(0, 0)
        copy_in(2, 0)
        h1.wait()
        compute(1)
        copy_out(1, 1)
        copy_in(3, 1)

        def pair(j, carry):
            for p in range(2):
                c = 2 * j + p
                pltpu.make_async_copy(
                    coords_hbm.at[pl.ds(0, cb)], cbuf.at[p], sin[p]).wait()
                pltpu.make_async_copy(
                    obuf.at[p], out_hbm.at[pl.ds(0, cb * 128)],
                    sout[p]).wait()
                compute(p)
                copy_out(c, p)

                @pl.when(j < n_pairs - 1)
                def _():
                    copy_in(c + 2, p)
            return carry

        lax.fori_loop(1, n_pairs, pair, 0)
        pltpu.make_async_copy(
            obuf.at[0], out_hbm.at[pl.ds(0, cb * 128)], sout[0]).wait()
        pltpu.make_async_copy(
            obuf.at[1], out_hbm.at[pl.ds(0, cb * 128)], sout[1]).wait()

    return sc(coords, lut)


def kernel(coordinates, widths, unnormalized_heights, bin_locations,
           logprob_inside):
    lut = _build_lut(widths, unnormalized_heights, bin_locations,
                     logprob_inside)
    n = coordinates.shape[0]
    coords = (coordinates.astype(jnp.int32)
              .reshape(n // 128, 128, 2).transpose(0, 2, 1))
    return _sc_lookup(coords, lut, n=n, cb=128)

# --- scband reference (transcript-rebuilt; emitter-appended) ---
"""Pipeline reference for scband-fragmentsize-distribution-64802466562898 (READ-ONLY COPY).

The authoritative reference and input builder live on the scoring server;
editing this copy changes nothing except your own understanding.
"""

import jax, jax.numpy as jnp
import numpy as np

WIDTH = 1024
N_BINS = 4  # width // bin_width = 1024 // 256
N_FRAGMENTS = 8388608


def _calculate_widths(unnormalized_widths):
    return jax.nn.softmax(unnormalized_widths, axis=-1)


def _calculate_bin_locations(widths):
    bl = jnp.cumsum(widths, axis=-1)
    bl = bl.at[-1].set(1.0)
    return jnp.concatenate([jnp.zeros(1, dtype=widths.dtype), bl])


def _quadratic_spline(inputs, widths, unnormalized_heights, bin_locations):
    # nflows-style quadratic spline: piecewise-linear PDF (heights at K+1 knots),
    # piecewise-quadratic CDF over K bins with given widths.
    uhe = jnp.exp(unnormalized_heights)
    area = jnp.sum(((uhe[:-1] + uhe[1:]) / 2.0) * widths)
    heights = uhe / area
    bin_left_cdf = jnp.cumsum(((heights[:-1] + heights[1:]) / 2.0) * widths)
    bin_left_cdf = bin_left_cdf.at[-1].set(1.0)
    bin_left_cdf = jnp.concatenate([jnp.zeros(1, dtype=bin_left_cdf.dtype), bin_left_cdf])
    num_bins = widths.shape[0]
    bin_idx = jnp.clip(jnp.searchsorted(bin_locations, inputs, side='right') - 1, 0, num_bins - 1)
    in_loc = bin_locations[bin_idx]
    in_cdf = bin_left_cdf[bin_idx]
    h_l = heights[bin_idx]
    h_r = heights[bin_idx + 1]
    w = widths[bin_idx]
    alpha = (inputs - in_loc) / w
    a = 0.5 * (h_r - h_l) * w
    b = h_l * w
    outputs = a * alpha ** 2 + b * alpha + in_cdf
    darg = alpha * (h_r - h_l) + h_l
    # clamp only guards out-of-domain entries whose logabsdet is overwritten below
    logabsdet = jnp.log(jnp.maximum(darg, 1e-35))
    return outputs, logabsdet


def _log_prob(coordinates, widths, unnormalized_heights, bin_locations, logprob_inside):
    fragment_size = (coordinates[:, 1] - coordinates[:, 0]).astype(jnp.float32)
    x = fragment_size / float(WIDTH)
    _, logabsdet = _quadratic_spline(x, widths, unnormalized_heights, bin_locations)
    outside = fragment_size > WIDTH
    logabsdet = jnp.where(outside, jnp.log(1.0 - jnp.exp(logprob_inside)), logabsdet)
    # faithful to original: logprob_inside added to ALL entries (incl. outside ones)
    return logabsdet + logprob_inside


def setup_inputs(seed: int = 0):
    key = jax.random.key(seed)
    k1, k2, k3 = jax.random.split(key, 3)
    starts = jax.random.randint(k1, (N_FRAGMENTS,), 0, 1000000)
    sizes = jax.random.randint(k2, (N_FRAGMENTS,), 1, 2048)
    coordinates = jnp.stack([starts, starts + sizes], axis=1)
    unnormalized_widths = jnp.ones((N_BINS - 1,), dtype=jnp.float32)
    widths = _calculate_widths(unnormalized_widths)  # buffer
    bin_locations = _calculate_bin_locations(widths)  # buffer, [0, 1/3, 2/3, 1]
    # mimic init: unnormalized_heights = log(per-bin fractions + 1e-10), 4 knot values
    counts = jnp.array([1e-10, 0.35, 0.25, 0.15], dtype=jnp.float32)
    unnormalized_heights = jnp.log(counts + 1e-10)  # learned parameter
    logprob_inside = jnp.log(jnp.asarray(0.25, dtype=jnp.float32))  # learned scalar parameter
    return {
        'coordinates': coordinates,
        'widths': widths,
        'unnormalized_heights': unnormalized_heights,
        'bin_locations': bin_locations,
        'logprob_inside': logprob_inside,
    }


def reference(coordinates, widths, unnormalized_heights, bin_locations, logprob_inside):
    return _log_prob(coordinates, widths, unnormalized_heights, bin_locations, logprob_inside)

if __name__ == "__main__":
    import jax
    _d = setup_inputs()
    print(jax.jit(kernel)(*tuple(_d.values())))

</pallas_src>

<mosaic_0001>
#map = affine_map<(d0, d1) -> (0, 0, 0)>
#map1 = affine_map<(d0, d1) -> (0)>
module attributes {stable_mosaic.version = 14 : i64} {
  func.func @sc(%arg0: i32, %arg1: i32, %arg2: memref<65536x2x128xi32, #tpu.memory_space<hbm>>, %arg3: memref<2048xf32, #tpu.memory_space<hbm>>, %arg4: memref<8388608xf32, #tpu.memory_space<hbm>>, %arg5: memref<2048xf32, #tpu.memory_space<vmem>>, %arg6: memref<2x128x2x128xi32, #tpu.memory_space<vmem>>, %arg7: memref<2x16384xf32, #tpu.memory_space<vmem>>, %arg8: memref<!tpu.dma_semaphore, #tpu.memory_space<semaphore_mem>>, %arg9: memref<!tpu.dma_semaphore, #tpu.memory_space<semaphore_mem>>, %arg10: memref<!tpu.dma_semaphore, #tpu.memory_space<semaphore_mem>>, %arg11: memref<!tpu.dma_semaphore, #tpu.memory_space<semaphore_mem>>) attributes {dimension_semantics = [#tpu.dimension_semantics<core_parallel>, #tpu.dimension_semantics<subcore_parallel>], iteration_bounds = array<i64: 2, 16>, scalar_prefetch = 0 : i64, scratch_operands = 7 : i64, tpu.core_type = #tpu.core_type<sc_vector_subcore>, window_params = [{transform_indices = #map}, {transform_indices = #map1}, {transform_indices = #map1}]} {
    %mul3A = arith.constant 2 : i32
    %mul3A_0 = arith.muli %arg1, %mul3A : i32
    %add3A = arith.addi %mul3A_0, %arg0 : i32
    %mul3A_1 = arith.constant 2048 : i32
    %mul3A_2 = arith.muli %add3A, %mul3A_1 : i32
    %add3A_3 = arith.constant 0 : i32
    %add3A_4 = arith.addi %mul3A_2, %add3A_3 : i32
    %dma_start3A = arith.constant 0 : i32
    %dma_start3A_5 = arith.constant 0 : i32
    %dma_start3A_6 = arith.constant 0 : i32
    %dma_start3A_7 = arith.constant 0 : i32
    %dma_start3A_8 = tpu.memref_slice %arg6[%dma_start3A, %dma_start3A_5, %dma_start3A_6, %dma_start3A_7] : memref<2x128x2x128xi32, #tpu.memory_space<vmem>> -> memref<1x128x2x128xi32, #tpu.memory_space<vmem>>
    %dma_start3A_9 = tpu.memref_squeeze %dma_start3A_8 : memref<1x128x2x128xi32, #tpu.memory_space<vmem>> -> memref<128x2x128xi32, #tpu.memory_space<vmem>>
    %dma_start3A_10 = arith.constant 0 : i32
    %dma_start3A_11 = arith.constant 0 : i32
    %dma_start3A_12 = tpu.memref_slice %arg2[%add3A_4, %dma_start3A_10, %dma_start3A_11] : memref<65536x2x128xi32, #tpu.memory_space<hbm>> -> memref<128x2x128xi32, #tpu.memory_space<hbm>>
    %dma_start3A_13 = arith.constant 0 : i32
    %dma_start3A_14 = arith.constant 0 : i32
    %dma_start3A_15 = arith.constant 0 : i32
    %dma_start3A_16 = tpu.memref_slice %arg6[%dma_start3A, %dma_start3A_13, %dma_start3A_14, %dma_start3A_15] : memref<2x128x2x128xi32, #tpu.memory_space<vmem>> -> memref<1x128x2x128xi32, #tpu.memory_space<vmem>>
    %dma_start3A_17 = tpu.memref_squeeze %dma_start3A_16 : memref<1x128x2x128xi32, #tpu.memory_space<vmem>> -> memref<128x2x128xi32, #tpu.memory_space<vmem>>
    %dma_start3A_18 = arith.constant 0 : i32
    %dma_start3A_19 = arith.constant 0 : i32
    %dma_start3A_20 = tpu.memref_slice %arg2[%add3A_4, %dma_start3A_18, %dma_start3A_19] : memref<65536x2x128xi32, #tpu.memory_space<hbm>> -> memref<128x2x128xi32, #tpu.memory_space<hbm>>
    tpu.enqueue_dma source(%dma_start3A_20 : memref<128x2x128xi32, #tpu.memory_space<hbm>>) target(%dma_start3A_17 : memref<128x2x128xi32, #tpu.memory_space<vmem>>) target_semaphore(%arg8 : memref<!tpu.dma_semaphore, #tpu.memory_space<semaphore_mem>>)
    %add3A_21 = arith.constant 128 : i32
    %add3A_22 = arith.addi %mul3A_2, %add3A_21 : i32
    %dma_start3A_23 = arith.constant 1 : i32
    %dma_start3A_24 = arith.constant 0 : i32
    %dma_start3A_25 = arith.constant 0 : i32
    %dma_start3A_26 = arith.constant 0 : i32
    %dma_start3A_27 = tpu.memref_slice %arg6[%dma_start3A_23, %dma_start3A_24, %dma_start3A_25, %dma_start3A_26] : memref<2x128x2x128xi32, #tpu.memory_space<vmem>> -> memref<1x128x2x128xi32, #tpu.memory_space<vmem>>
    %dma_start3A_28 = tpu.memref_squeeze %dma_start3A_27 : memref<1x128x2x128xi32, #tpu.memory_space<vmem>> -> memref<128x2x128xi32, #tpu.memory_space<vmem>>
    %dma_start3A_29 = arith.constant 0 : i32
    %dma_start3A_30 = arith.constant 0 : i32
    %dma_start3A_31 = tpu.memref_slice %arg2[%add3A_22, %dma_start3A_29, %dma_start3A_30] : memref<65536x2x128xi32, #tpu.memory_space<hbm>> -> memref<128x2x128xi32, #tpu.memory_space<hbm>>
    %dma_start3A_32 = arith.constant 0 : i32
    %dma_start3A_33 = arith.constant 0 : i32
    %dma_start3A_34 = arith.constant 0 : i32
    %dma_start3A_35 = tpu.memref_slice %arg6[%dma_start3A_23, %dma_start3A_32, %dma_start3A_33, %dma_start3A_34] : memref<2x128x2x128xi32, #tpu.memory_space<vmem>> -> memref<1x128x2x128xi32, #tpu.memory_space<vmem>>
    %dma_start3A_36 = tpu.memref_squeeze %dma_start3A_35 : memref<1x128x2x128xi32, #tpu.memory_space<vmem>> -> memref<128x2x128xi32, #tpu.memory_space<vmem>>
    %dma_start3A_37 = arith.constant 0 : i32
    %dma_start3A_38 = arith.constant 0 : i32
    %dma_start3A_39 = tpu.memref_slice %arg2[%add3A_22, %dma_start3A_37, %dma_start3A_38] : memref<65536x2x128xi32, #tpu.memory_space<hbm>> -> memref<128x2x128xi32, #tpu.memory_space<hbm>>
    tpu.enqueue_dma source(%dma_start3A_39 : memref<128x2x128xi32, #tpu.memory_space<hbm>>) target(%dma_start3A_36 : memref<128x2x128xi32, #tpu.memory_space<vmem>>) target_semaphore(%arg9 : memref<!tpu.dma_semaphore, #tpu.memory_space<semaphore_mem>>)
    "tpu.region"() ({
      %run_scoped3A = tpu.sem_alloc : memref<!tpu.dma_semaphore, #tpu.memory_space<semaphore_mem>>
      tpu.enqueue_dma source(%arg3 : memref<2048xf32, #tpu.memory_space<hbm>>) target(%arg5 : memref<2048xf32, #tpu.memory_space<vmem>>) target_semaphore(%run_scoped3A : memref<!tpu.dma_semaphore, #tpu.memory_space<semaphore_mem>>)
      tpu.wait_dma2 semaphore(%run_scoped3A : memref<!tpu.dma_semaphore, #tpu.memory_space<semaphore_mem>>) src(%arg3 : memref<2048xf32, #tpu.memory_space<hbm>>) dst(%arg5 : memref<2048xf32, #tpu.memory_space<vmem>>)
      tpu.yield
    }) : () -> ()
    %dma_wait3A = arith.constant 0 : i32
    %dma_wait3A_40 = arith.constant 0 : i32
    %dma_wait3A_41 = arith.constant 0 : i32
    %dma_wait3A_42 = arith.constant 0 : i32
    %dma_wait3A_43 = tpu.memref_slice %arg6[%dma_wait3A, %dma_wait3A_40, %dma_wait3A_41, %dma_wait3A_42] : memref<2x128x2x128xi32, #tpu.memory_space<vmem>> -> memref<1x128x2x128xi32, #tpu.memory_space<vmem>>
    %dma_wait3A_44 = tpu.memref_squeeze %dma_wait3A_43 : memref<1x128x2x128xi32, #tpu.memory_space<vmem>> -> memref<128x2x128xi32, #tpu.memory_space<vmem>>
    %dma_wait3A_45 = arith.constant 0 : i32
    %dma_wait3A_46 = arith.constant 0 : i32
    %dma_wait3A_47 = tpu.memref_slice %arg2[%add3A_4, %dma_wait3A_45, %dma_wait3A_46] : memref<65536x2x128xi32, #tpu.memory_space<hbm>> -> memref<128x2x128xi32, #tpu.memory_space<hbm>>
    %dma_wait3A_48 = arith.constant 0 : i32
    %dma_wait3A_49 = arith.constant 0 : i32
    %dma_wait3A_50 = arith.constant 0 : i32
    %dma_wait3A_51 = tpu.memref_slice %arg6[%dma_wait3A, %dma_wait3A_48, %dma_wait3A_49, %dma_wait3A_50] : memref<2x128x2x128xi32, #tpu.memory_space<vmem>> -> memref<1x128x2x128xi32, #tpu.memory_space<vmem>>
    %dma_wait3A_52 = tpu.memref_squeeze %dma_wait3A_51 : memref<1x128x2x128xi32, #tpu.memory_space<vmem>> -> memref<128x2x128xi32, #tpu.memory_space<vmem>>
    %dma_wait3A_53 = arith.constant 0 : i32
    %dma_wait3A_54 = arith.constant 0 : i32
    %dma_wait3A_55 = tpu.memref_slice %arg2[%add3A_4, %dma_wait3A_53, %dma_wait3A_54] : memref<65536x2x128xi32, #tpu.memory_space<hbm>> -> memref<128x2x128xi32, #tpu.memory_space<hbm>>
    tpu.wait_dma2 semaphore(%arg8 : memref<!tpu.dma_semaphore, #tpu.memory_space<semaphore_mem>>) src(%dma_wait3A_55 : memref<128x2x128xi32, #tpu.memory_space<hbm>>) dst(%dma_wait3A_52 : memref<128x2x128xi32, #tpu.memory_space<vmem>>)
    %parallel_loop3A = arith.constant 0 : i32
    %parallel_loop3A_56 = arith.constant 128 : i32
    %parallel_loop3A_57 = arith.constant 1 : i32
    scf.for %parallel_loop3A_169 = %parallel_loop3A to %parallel_loop3A_56 step %parallel_loop3A_57  : i32 {
      %parallel_loop3A_170 = arith.constant 0 : i32
      %parallel_loop3A_171 = arith.constant 0 : i32
      %parallel_loop3A_172 = arith.index_cast %parallel_loop3A_170 : i32 to index
      %parallel_loop3A_173 = arith.index_cast %parallel_loop3A_169 : i32 to index
      %parallel_loop3A_174 = arith.index_cast %parallel_loop3A_171 : i32 to index
      %parallel_loop3A_175 = arith.constant 0 : index
      %parallel_loop3A_176 = tpu.vector_load %arg6[%parallel_loop3A_172, %parallel_loop3A_173, %parallel_loop3A_174, %parallel_loop3A_175] {strides = array<i32>} : memref<2x128x2x128xi32, #tpu.memory_space<vmem>>, vector<16xi32>,
      %parallel_loop3A_177 = arith.constant 0 : i32
      %parallel_loop3A_178 = arith.constant 1 : i32
      %parallel_loop3A_179 = arith.index_cast %parallel_loop3A_177 : i32 to index
      %parallel_loop3A_180 = arith.index_cast %parallel_loop3A_169 : i32 to index
      %parallel_loop3A_181 = arith.index_cast %parallel_loop3A_178 : i32 to index
      %parallel_loop3A_182 = arith.constant 0 : index
      %parallel_loop3A_183 = tpu.vector_load %arg6[%parallel_loop3A_179, %parallel_loop3A_180, %parallel_loop3A_181, %parallel_loop3A_182] {strides = array<i32>} : memref<2x128x2x128xi32, #tpu.memory_space<vmem>>, vector<16xi32>,
      %parallel_loop3A_184 = arith.subi %parallel_loop3A_183, %parallel_loop3A_176 : vector<16xi32>
      %parallel_loop3A_185 = arith.constant 0 : i32
      %parallel_loop3A_186 = vector.broadcast %parallel_loop3A_185 : i32 to vector<16xi32>
      %parallel_loop3A_187 = arith.maxsi %parallel_loop3A_184, %parallel_loop3A_186 : vector<16xi32>
      %parallel_loop3A_188 = arith.constant 2047 : i32
      %parallel_loop3A_189 = vector.broadcast %parallel_loop3A_188 : i32 to vector<16xi32>
      %parallel_loop3A_190 = arith.minsi %parallel_loop3A_187, %parallel_loop3A_189 : vector<16xi32>
      %parallel_loop3A_191 = tpu.vector_load_idx %arg5[%parallel_loop3A_190] : memref<2048xf32, #tpu.memory_space<vmem>>[vector<16xi32>], vector<16xf32>,
      %parallel_loop3A_192 = arith.constant 128 : i32
      %parallel_loop3A_193 = arith.muli %parallel_loop3A_169, %parallel_loop3A_192 : i32
      %parallel_loop3A_194 = arith.constant 0 : i32
      %parallel_loop3A_195 = arith.addi %parallel_loop3A_193, %parallel_loop3A_194 : i32
      %parallel_loop3A_196 = arith.constant 0 : i32
      %parallel_loop3A_197 = arith.index_cast %parallel_loop3A_196 : i32 to index
      %parallel_loop3A_198 = arith.index_cast %parallel_loop3A_195 : i32 to index
      %parallel_loop3A_199 = tpu.vector_load %arg7[%parallel_loop3A_197, %parallel_loop3A_198] {strides = array<i32>} : memref<2x16384xf32, #tpu.memory_space<vmem>>, vector<16xf32>,
      tpu.vector_store %arg7[%parallel_loop3A_197, %parallel_loop3A_198], %parallel_loop3A_191 {strides = array<i32>} : memref<2x16384xf32, #tpu.memory_space<vmem>>, vector<16xf32>,
      %parallel_loop3A_200 = arith.constant 0 : i32
      %parallel_loop3A_201 = arith.constant 0 : i32
      %parallel_loop3A_202 = arith.index_cast %parallel_loop3A_200 : i32 to index
      %parallel_loop3A_203 = arith.index_cast %parallel_loop3A_169 : i32 to index
      %parallel_loop3A_204 = arith.index_cast %parallel_loop3A_201 : i32 to index
      %parallel_loop3A_205 = arith.constant 16 : index
      %parallel_loop3A_206 = tpu.vector_load %arg6[%parallel_loop3A_202, %parallel_loop3A_203, %parallel_loop3A_204, %parallel_loop3A_205] {strides = array<i32>} : memref<2x128x2x128xi32, #tpu.memory_space<vmem>>, vector<16xi32>,
      %parallel_loop3A_207 = arith.constant 0 : i32
      %parallel_loop3A_208 = arith.constant 1 : i32
      %parallel_loop3A_209 = arith.index_cast %parallel_loop3A_207 : i32 to index
      %parallel_loop3A_210 = arith.index_cast %parallel_loop3A_169 : i32 to index
      %parallel_loop3A_211 = arith.index_cast %parallel_loop3A_208 : i32 to index
      %parallel_loop3A_212 = arith.constant 16 : index
      %parallel_loop3A_213 = tpu.vector_load %arg6[%parallel_loop3A_209, %parallel_loop3A_210, %parallel_loop3A_211, %parallel_loop3A_212] {strides = array<i32>} : memref<2x128x2x128xi32, #tpu.memory_space<vmem>>, vector<16xi32>,
      %parallel_loop3A_214 = arith.subi %parallel_loop3A_213, %parallel_loop3A_206 : vector<16xi32>
      %parallel_loop3A_215 = arith.constant 0 : i32
      %parallel_loop3A_216 = vector.broadcast %parallel_loop3A_215 : i32 to vector<16xi32>
      %parallel_loop3A_217 = arith.maxsi %parallel_loop3A_214, %parallel_loop3A_216 : vector<16xi32>
      %parallel_loop3A_218 = arith.constant 2047 : i32
      %parallel_loop3A_219 = vector.broadcast %parallel_loop3A_218 : i32 to vector<16xi32>
      %parallel_loop3A_220 = arith.minsi %parallel_loop3A_217, %parallel_loop3A_219 : vector<16xi32>
      %parallel_loop3A_221 = tpu.vector_load_idx %arg5[%parallel_loop3A_220] : memref<2048xf32, #tpu.memory_space<vmem>>[vector<16xi32>], vector<16xf32>,
      %parallel_loop3A_222 = arith.constant 128 : i32
      %parallel_loop3A_223 = arith.muli %parallel_loop3A_169, %parallel_loop3A_222 : i32
      %parallel_loop3A_224 = arith.constant 16 : i32
      %parallel_loop3A_225 = arith.addi %parallel_loop3A_223, %parallel_loop3A_224 : i32
      %parallel_loop3A_226 = arith.constant 0 : i32
      %parallel_loop3A_227 = arith.index_cast %parallel_loop3A_226 : i32 to index
      %parallel_loop3A_228 = arith.index_cast %parallel_loop3A_225 : i32 to index
      %parallel_loop3A_229 = tpu.vector_load %arg7[%parallel_loop3A_227, %parallel_loop3A_228] {strides = array<i32>} : memref<2x16384xf32, #tpu.memory_space<vmem>>, vector<16xf32>,
      tpu.vector_store %arg7[%parallel_loop3A_227, %parallel_loop3A_228], %parallel_loop3A_221 {strides = array<i32>} : memref<2x16384xf32, #tpu.memory_space<vmem>>, vector<16xf32>,
      %parallel_loop3A_230 = arith.constant 0 : i32
      %parallel_loop3A_231 = arith.constant 0 : i32
      %parallel_loop3A_232 = arith.index_cast %parallel_loop3A_230 : i32 to index
      %parallel_loop3A_233 = arith.index_cast %parallel_loop3A_169 : i32 to index
      %parallel_loop3A_234 = arith.index_cast %parallel_loop3A_231 : i32 to index
      %parallel_loop3A_235 = arith.constant 32 : index
      %parallel_loop3A_236 = tpu.vector_load %arg6[%parallel_loop3A_232, %parallel_loop3A_233, %parallel_loop3A_234, %parallel_loop3A_235] {strides = array<i32>} : memref<2x128x2x128xi32, #tpu.memory_space<vmem>>, vector<16xi32>,
      %parallel_loop3A_237 = arith.constant 0 : i32
      %parallel_loop3A_238 = arith.constant 1 : i32
      %parallel_loop3A_239 = arith.index_cast %parallel_loop3A_237 : i32 to index
      %parallel_loop3A_240 = arith.index_cast %parallel_loop3A_169 : i32 to index
      %parallel_loop3A_241 = arith.index_cast %parallel_loop3A_238 : i32 to index
      %parallel_loop3A_242 = arith.constant 32 : index
      %parallel_loop3A_243 = tpu.vector_load %arg6[%parallel_loop3A_239, %parallel_loop3A_240, %parallel_loop3A_241, %parallel_loop3A_242] {strides = array<i32>} : memref<2x128x2x128xi32, #tpu.memory_space<vmem>>, vector<16xi32>,
      %parallel_loop3A_244 = arith.subi %parallel_loop3A_243, %parallel_loop3A_236 : vector<16xi32>
      %parallel_loop3A_245 = arith.constant 0 : i32
      %parallel_loop3A_246 = vector.broadcast %parallel_loop3A_245 : i32 to vector<16xi32>
      %parallel_loop3A_247 = arith.maxsi %parallel_loop3A_244, %parallel_loop3A_246 : vector<16xi32>
      %parallel_loop3A_248 = arith.constant 2047 : i32
      %parallel_loop3A_249 = vector.broadcast %parallel_loop3A_248 : i32 to vector<16xi32>
      %parallel_loop3A_250 = arith.minsi %parallel_loop3A_247, %parallel_loop3A_249 : vector<16xi32>
      %parallel_loop3A_251 = tpu.vector_load_idx %arg5[%parallel_loop3A_250] : memref<2048xf32, #tpu.memory_space<vmem>>[vector<16xi32>], vector<16xf32>,
      %parallel_loop3A_252 = arith.constant 128 : i32
      %parallel_loop3A_253 = arith.muli %parallel_loop3A_169, %parallel_loop3A_252 : i32
      %parallel_loop3A_254 = arith.constant 32 : i32
      %parallel_loop3A_255 = arith.addi %parallel_loop3A_253, %parallel_loop3A_254 : i32
      %parallel_loop3A_256 = arith.constant 0 : i32
      %parallel_loop3A_257 = arith.index_cast %parallel_loop3A_256 : i32 to index
      %parallel_loop3A_258 = arith.index_cast %parallel_loop3A_255 : i32 to index
      %parallel_loop3A_259 = tpu.vector_load %arg7[%parallel_loop3A_257, %parallel_loop3A_258] {strides = array<i32>} : memref<2x16384xf32, #tpu.memory_space<vmem>>, vector<16xf32>,
      tpu.vector_store %arg7[%parallel_loop3A_257, %parallel_loop3A_258], %parallel_loop3A_251 {strides = array<i32>} : memref<2x16384xf32, #tpu.memory_space<vmem>>, vector<16xf32>,
      %parallel_loop3A_260 = arith.constant 0 : i32
      %parallel_loop3A_261 = arith.constant 0 : i32
      %parallel_loop3A_262 = arith.index_cast %parallel_loop3A_260 : i32 to index
      %parallel_loop3A_263 = arith.index_cast %parallel_loop3A_169 : i32 to index
      %parallel_loop3A_264 = arith.index_cast %parallel_loop3A_261 : i32 to index
      %parallel_loop3A_265 = arith.constant 48 : index
      %parallel_loop3A_266 = tpu.vector_load %arg6[%parallel_loop3A_262, %parallel_loop3A_263, %parallel_loop3A_264, %parallel_loop3A_265] {strides = array<i32>} : memref<2x128x2x128xi32, #tpu.memory_space<vmem>>, vector<16xi32>,
      %parallel_loop3A_267 = arith.constant 0 : i32
      %parallel_loop3A_268 = arith.constant 1 : i32
      %parallel_loop3A_269 = arith.index_cast %parallel_loop3A_267 : i32 to index
      %parallel_loop3A_270 = arith.index_cast %parallel_loop3A_169 : i32 to index
      %parallel_loop3A_271 = arith.index_cast %parallel_loop3A_268 : i32 to index
      %parallel_loop3A_272 = arith.constant 48 : index
      %parallel_loop3A_273 = tpu.vector_load %arg6[%parallel_loop3A_269, %parallel_loop3A_270, %parallel_loop3A_271, %parallel_loop3A_272] {strides = array<i32>} : memref<2x128x2x128xi32, #tpu.memory_space<vmem>>, vector<16xi32>,
      %parallel_loop3A_274 = arith.subi %parallel_loop3A_273, %parallel_loop3A_266 : vector<16xi32>
      %parallel_loop3A_275 = arith.constant 0 : i32
      %parallel_loop3A_276 = vector.broadcast %parallel_loop3A_275 : i32 to vector<16xi32>
      %parallel_loop3A_277 = arith.maxsi %parallel_loop3A_274, %parallel_loop3A_276 : vector<16xi32>
      %parallel_loop3A_278 = arith.constant 2047 : i32
      %parallel_loop3A_279 = vector.broadcast %parallel_loop3A_278 : i32 to vector<16xi32>
      %parallel_loop3A_280 = arith.minsi %parallel_loop3A_277, %parallel_loop3A_279 : vector<16xi32>
      %parallel_loop3A_281 = tpu.vector_load_idx %arg5[%parallel_loop3A_280] : memref<2048xf32, #tpu.memory_space<vmem>>[vector<16xi32>], vector<16xf32>,
      %parallel_loop3A_282 = arith.constant 128 : i32
      %parallel_loop3A_283 = arith.muli %parallel_loop3A_169, %parallel_loop3A_282 : i32
      %parallel_loop3A_284 = arith.constant 48 : i32
      %parallel_loop3A_285 = arith.addi %parallel_loop3A_283, %parallel_loop3A_284 : i32
      %parallel_loop3A_286 = arith.constant 0 : i32
      %parallel_loop3A_287 = arith.index_cast %parallel_loop3A_286 : i32 to index
      %parallel_loop3A_288 = arith.index_cast %parallel_loop3A_285 : i32 to index
      %parallel_loop3A_289 = tpu.vector_load %arg7[%parallel_loop3A_287, %parallel_loop3A_288] {strides = array<i32>} : memref<2x16384xf32, #tpu.memory_space<vmem>>, vector<16xf32>,
      tpu.vector_store %arg7[%parallel_loop3A_287, %parallel_loop3A_288], %parallel_loop3A_281 {strides = array<i32>} : memref<2x16384xf32, #tpu.memory_space<vmem>>, vector<16xf32>,
      %parallel_loop3A_290 = arith.constant 0 : i32
      %parallel_loop3A_291 = arith.constant 0 : i32
      %parallel_loop3A_292 = arith.index_cast %parallel_loop3A_290 : i32 to index
      %parallel_loop3A_293 = arith.index_cast %parallel_loop3A_169 : i32 to index
      %parallel_loop3A_294 = arith.index_cast %parallel_loop3A_291 : i32 to index
      %parallel_loop3A_295 = arith.constant 64 : index
      %parallel_loop3A_296 = tpu.vector_load %arg6[%parallel_loop3A_292, %parallel_loop3A_293, %parallel_loop3A_294, %parallel_loop3A_295] {strides = array<i32>} : memref<2x128x2x128xi32, #tpu.memory_space<vmem>>, vector<16xi32>,
      %parallel_loop3A_297 = arith.constant 0 : i32
      %parallel_loop3A_298 = arith.constant 1 : i32
      %parallel_loop3A_299 = arith.index_cast %parallel_loop3A_297 : i32 to index
      %parallel_loop3A_300 = arith.index_cast %parallel_loop3A_169 : i32 to index
      %parallel_loop3A_301 = arith.index_cast %parallel_loop3A_298 : i32 to index
      %parallel_loop3A_302 = arith.constant 64 : index
      %parallel_loop3A_303 = tpu.vector_load %arg6[%parallel_loop3A_299, %parallel_loop3A_300, %parallel_loop3A_301, %parallel_loop3A_302] {strides = array<i32>} : memref<2x128x2x128xi32, #tpu.memory_space<vmem>>, vector<16xi32>,
      %parallel_loop3A_304 = arith.subi %parallel_loop3A_303, %parallel_loop3A_296 : vector<16xi32>
      %parallel_loop3A_305 = arith.constant 0 : i32
      %parallel_loop3A_306 = vector.broadcast %parallel_loop3A_305 : i32 to vector<16xi32>
      %parallel_loop3A_307 = arith.maxsi %parallel_loop3A_304, %parallel_loop3A_306 : vector<16xi32>
      %parallel_loop3A_308 = arith.constant 2047 : i32
      %parallel_loop3A_309 = vector.broadcast %parallel_loop3A_308 : i32 to vector<16xi32>
      %parallel_loop3A_310 = arith.minsi %parallel_loop3A_307, %parallel_loop3A_309 : vector<16xi32>
      %parallel_loop3A_311 = tpu.vector_load_idx %arg5[%parallel_loop3A_310] : memref<2048xf32, #tpu.memory_space<vmem>>[vector<16xi32>], vector<16xf32>,
      %parallel_loop3A_312 = arith.constant 128 : i32
      %parallel_loop3A_313 = arith.muli %parallel_loop3A_169, %parallel_loop3A_312 : i32
      %parallel_loop3A_314 = arith.constant 64 : i32
      %parallel_loop3A_315 = arith.addi %parallel_loop3A_313, %parallel_loop3A_314 : i32
      %parallel_loop3A_316 = arith.constant 0 : i32
      %parallel_loop3A_317 = arith.index_cast %parallel_loop3A_316 : i32 to index
      %parallel_loop3A_318 = arith.index_cast %parallel_loop3A_315 : i32 to index
      %parallel_loop3A_319 = tpu.vector_load %arg7[%parallel_loop3A_317, %parallel_loop3A_318] {strides = array<i32>} : memref<2x16384xf32, #tpu.memory_space<vmem>>, vector<16xf32>,
      tpu.vector_store %arg7[%parallel_loop3A_317, %parallel_loop3A_318], %parallel_loop3A_311 {strides = array<i32>} : memref<2x16384xf32, #tpu.memory_space<vmem>>, vector<16xf32>,
      %parallel_loop3A_320 = arith.constant 0 : i32
      %parallel_loop3A_321 = arith.constant 0 : i32
      %parallel_loop3A_322 = arith.index_cast %parallel_loop3A_320 : i32 to index
      %parallel_loop3A_323 = arith.index_cast %parallel_loop3A_169 : i32 to index
      %parallel_loop3A_324 = arith.index_cast %parallel_loop3A_321 : i32 to index
      %parallel_loop3A_325 = arith.constant 80 : index
      %parallel_loop3A_326 = tpu.vector_load %arg6[%parallel_loop3A_322, %parallel_loop3A_323, %parallel_loop3A_324, %parallel_loop3A_325] {strides = array<i32>} : memref<2x128x2x128xi32, #tpu.memory_space<vmem>>, vector<16xi32>,
      %parallel_loop3A_327 = arith.constant 0 : i32
      %parallel_loop3A_328 = arith.constant 1 : i32
      %parallel_loop3A_329 = arith.index_cast %parallel_loop3A_327 : i32 to index
      %parallel_loop3A_330 = arith.index_cast %parallel_loop3A_169 : i32 to index
      %parallel_loop3A_331 = arith.index_cast %parallel_loop3A_328 : i32 to index
      %parallel_loop3A_332 = arith.constant 80 : index
      %parallel_loop3A_333 = tpu.vector_load %arg6[%parallel_loop3A_329, %parallel_loop3A_330, %parallel_loop3A_331, %parallel_loop3A_332] {strides = array<i32>} : memref<2x128x2x128xi32, #tpu.memory_space<vmem>>, vector<16xi32>,
      %parallel_loop3A_334 = arith.subi %parallel_loop3A_333, %parallel_loop3A_326 : vector<16xi32>
      %parallel_loop3A_335 = arith.constant 0 : i32
      %parallel_loop3A_336 = vector.broadcast %parallel_loop3A_335 : i32 to vector<16xi32>
      %parallel_loop3A_337 = arith.maxsi %parallel_loop3A_334, %parallel_loop3A_336 : vector<16xi32>
      %parallel_loop3A_338 = arith.constant 2047 : i32
      %parallel_loop3A_339 = vector.broadcast %parallel_loop3A_338 : i32 to vector<16xi32>
      %parallel_loop3A_340 = arith.minsi %parallel_loop3A_337, %parallel_loop3A_339 : vector<16xi32>
      %parallel_loop3A_341 = tpu.vector_load_idx %arg5[%parallel_loop3A_340] : memref<2048xf32, #tpu.memory_space<vmem>>[vector<16xi32>], vector<16xf32>,
      %parallel_loop3A_342 = arith.constant 128 : i32
      %parallel_loop3A_343 = arith.muli %parallel_loop3A_169, %parallel_loop3A_342 : i32
      %parallel_loop3A_344 = arith.constant 80 : i32
      %parallel_loop3A_345 = arith.addi %parallel_loop3A_343, %parallel_loop3A_344 : i32
      %parallel_loop3A_346 = arith.constant 0 : i32
      %parallel_loop3A_347 = arith.index_cast %parallel_loop3A_346 : i32 to index
      %parallel_loop3A_348 = arith.index_cast %parallel_loop3A_345 : i32 to index
      %parallel_loop3A_349 = tpu.vector_load %arg7[%parallel_loop3A_347, %parallel_loop3A_348] {strides = array<i32>} : memref<2x16384xf32, #tpu.memory_space<vmem>>, vector<16xf32>,
      tpu.vector_store %arg7[%parallel_loop3A_347, %parallel_loop3A_348], %parallel_loop3A_341 {strides = array<i32>} : memref<2x16384xf32, #tpu.memory_space<vmem>>, vector<16xf32>,
      %parallel_loop3A_350 = arith.constant 0 : i32
      %parallel_loop3A_351 = arith.constant 0 : i32
      %parallel_loop3A_352 = arith.index_cast %parallel_loop3A_350 : i32 to index
      %parallel_loop3A_353 = arith.index_cast %parallel_loop3A_169 : i32 to index
      %parallel_loop3A_354 = arith.index_cast %parallel_loop3A_351 : i32 to index
      %parallel_loop3A_355 = arith.constant 96 : index
      %parallel_loop3A_356 = tpu.vector_load %arg6[%parallel_loop3A_352, %parallel_loop3A_353, %parallel_loop3A_354, %parallel_loop3A_355] {strides = array<i32>} : memref<2x128x2x128xi32, #tpu.memory_space<vmem>>, vector<16xi32>,
      %parallel_loop3A_357 = arith.constant 0 : i32
      %parallel_loop3A_358 = arith.constant 1 : i32
      %parallel_loop3A_359 = arith.index_cast %parallel_loop3A_357 : i32 to index
      %parallel_loop3A_360 = arith.index_cast %parallel_loop3A_169 : i32 to index
      %parallel_loop3A_361 = arith.index_cast %parallel_loop3A_358 : i32 to index
      %parallel_loop3A_362 = arith.constant 96 : index
      %parallel_loop3A_363 = tpu.vector_load %arg6[%parallel_loop3A_359, %parallel_loop3A_360, %parallel_loop3A_361, %parallel_loop3A_362] {strides = array<i32>} : memref<2x128x2x128xi32, #tpu.memory_space<vmem>>, vector<16xi32>,
      %parallel_loop3A_364 = arith.subi %parallel_loop3A_363, %parallel_loop3A_356 : vector<16xi32>
      %parallel_loop3A_365 = arith.constant 0 : i32
      %parallel_loop3A_366 = vector.broadcast %parallel_loop3A_365 : i32 to vector<16xi32>
      %parallel_loop3A_367 = arith.maxsi %parallel_loop3A_364, %parallel_loop3A_366 : vector<16xi32>
      %parallel_loop3A_368 = arith.constant 2047 : i32
      %parallel_loop3A_369 = vector.broadcast %parallel_loop3A_368 : i32 to vector<16xi32>
      %parallel_loop3A_370 = arith.minsi %parallel_loop3A_367, %parallel_loop3A_369 : vector<16xi32>
      %parallel_loop3A_371 = tpu.vector_load_idx %arg5[%parallel_loop3A_370] : memref<2048xf32, #tpu.memory_space<vmem>>[vector<16xi32>], vector<16xf32>,
      %parallel_loop3A_372 = arith.constant 128 : i32
      %parallel_loop3A_373 = arith.muli %parallel_loop3A_169, %parallel_loop3A_372 : i32
      %parallel_loop3A_374 = arith.constant 96 : i32
      %parallel_loop3A_375 = arith.addi %parallel_loop3A_373, %parallel_loop3A_374 : i32
      %parallel_loop3A_376 = arith.constant 0 : i32
      %parallel_loop3A_377 = arith.index_cast %parallel_loop3A_376 : i32 to index
      %parallel_loop3A_378 = arith.index_cast %parallel_loop3A_375 : i32 to index
      %parallel_loop3A_379 = tpu.vector_load %arg7[%parallel_loop3A_377, %parallel_loop3A_378] {strides = array<i32>} : memref<2x16384xf32, #tpu.memory_space<vmem>>, vector<16xf32>,
      tpu.vector_store %arg7[%parallel_loop3A_377, %parallel_loop3A_378], %parallel_loop3A_371 {strides = array<i32>} : memref<2x16384xf32, #tpu.memory_space<vmem>>, vector<16xf32>,
      %parallel_loop3A_380 = arith.constant 0 : i32
      %parallel_loop3A_381 = arith.constant 0 : i32
      %parallel_loop3A_382 = arith.index_cast %parallel_loop3A_380 : i32 to index
      %parallel_loop3A_383 = arith.index_cast %parallel_loop3A_169 : i32 to index
      %parallel_loop3A_384 = arith.index_cast %parallel_loop3A_381 : i32 to index
      %parallel_loop3A_385 = arith.constant 112 : index
      %parallel_loop3A_386 = tpu.vector_load %arg6[%parallel_loop3A_382, %parallel_loop3A_383, %parallel_loop3A_384, %parallel_loop3A_385] {strides = array<i32>} : memref<2x128x2x128xi32, #tpu.memory_space<vmem>>, vector<16xi32>,
      %parallel_loop3A_387 = arith.constant 0 : i32
      %parallel_loop3A_388 = arith.constant 1 : i32
      %parallel_loop3A_389 = arith.index_cast %parallel_loop3A_387 : i32 to index
      %parallel_loop3A_390 = arith.index_cast %parallel_loop3A_169 : i32 to index
      %parallel_loop3A_391 = arith.index_cast %parallel_loop3A_388 : i32 to index
      %parallel_loop3A_392 = arith.constant 112 : index
      %parallel_loop3A_393 = tpu.vector_load %arg6[%parallel_loop3A_389, %parallel_loop3A_390, %parallel_loop3A_391, %parallel_loop3A_392] {strides = array<i32>} : memref<2x128x2x128xi32, #tpu.memory_space<vmem>>, vector<16xi32>,
      %parallel_loop3A_394 = arith.subi %parallel_loop3A_393, %parallel_loop3A_386 : vector<16xi32>
      %parallel_loop3A_395 = arith.constant 0 : i32
      %parallel_loop3A_396 = vector.broadcast %parallel_loop3A_395 : i32 to vector<16xi32>
      %parallel_loop3A_397 = arith.maxsi %parallel_loop3A_394, %parallel_loop3A_396 : vector<16xi32>
      %parallel_loop3A_398 = arith.constant 2047 : i32
      %parallel_loop3A_399 = vector.broadcast %parallel_loop3A_398 : i32 to vector<16xi32>
      %parallel_loop3A_400 = arith.minsi %parallel_loop3A_397, %parallel_loop3A_399 : vector<16xi32>
      %parallel_loop3A_401 = tpu.vector_load_idx %arg5[%parallel_loop3A_400] : memref<2048xf32, #tpu.memory_space<vmem>>[vector<16xi32>], vector<16xf32>,
      %parallel_loop3A_402 = arith.constant 128 : i32
      %parallel_loop3A_403 = arith.muli %parallel_loop3A_169, %parallel_loop3A_402 : i32
      %parallel_loop3A_404 = arith.constant 112 : i32
      %parallel_loop3A_405 = arith.addi %parallel_loop3A_403, %parallel_loop3A_404 : i32
      %parallel_loop3A_406 = arith.constant 0 : i32
      %parallel_loop3A_407 = arith.index_cast %parallel_loop3A_406 : i32 to index
      %parallel_loop3A_408 = arith.index_cast %parallel_loop3A_405 : i32 to index
      %parallel_loop3A_409 = tpu.vector_load %arg7[%parallel_loop3A_407, %parallel_loop3A_408] {strides = array<i32>} : memref<2x16384xf32, #tpu.memory_space<vmem>>, vector<16xf32>,
      tpu.vector_store %arg7[%parallel_loop3A_407, %parallel_loop3A_408], %parallel_loop3A_401 {strides = array<i32>} : memref<2x16384xf32, #tpu.memory_space<vmem>>, vector<16xf32>,
    } {sc.loop_unroll_factor = 4 : i64, sc.parallel_access}
    %add3A_58 = arith.constant 0 : i32
    %add3A_59 = arith.addi %mul3A_2, %add3A_58 : i32
    %mul3A_60 = arith.constant 128 : i32
    %mul3A_61 = arith.muli %add3A_59, %mul3A_60 : i32
    %dma_start3A_62 = arith.constant 0 : i32
    %dma_start3A_63 = arith.constant 0 : i32
    %dma_start3A_64 = tpu.memref_slice %arg7[%dma_start3A_62, %dma_start3A_63] : memref<2x16384xf32, #tpu.memory_space<vmem>> -> memref<1x16384xf32, #tpu.memory_space<vmem>>
    %dma_start3A_65 = tpu.memref_squeeze %dma_start3A_64 : memref<1x16384xf32, #tpu.memory_space<vmem>> -> memref<16384xf32, #tpu.memory_space<vmem>>
    %dma_start3A_66 = tpu.memref_slice %arg4[%mul3A_61] : memref<8388608xf32, #tpu.memory_space<hbm>> -> memref<16384xf32, #tpu.memory_space<hbm>>
    %dma_start3A_67 = tpu.memref_slice %arg4[%mul3A_61] : memref<8388608xf32, #tpu.memory_space<hbm>> -> memref<16384xf32, #tpu.memory_space<hbm>>
    %dma_start3A_68 = arith.constant 0 : i32
    %dma_start3A_69 = tpu.memref_slice %arg7[%dma_start3A_62, %dma_start3A_68] : memref<2x16384xf32, #tpu.memory_space<vmem>> -> memref<1x16384xf32, #tpu.memory_space<vmem>>
    %dma_start3A_70 = tpu.memref_squeeze %dma_start3A_69 : memref<1x16384xf32, #tpu.memory_space<vmem>> -> memref<16384xf32, #tpu.memory_space<vmem>>
    tpu.enqueue_dma source(%dma_start3A_70 : memref<16384xf32, #tpu.memory_space<vmem>>) target(%dma_start3A_67 : memref<16384xf32, #tpu.memory_space<hbm>>) target_semaphore(%arg10 : memref<!tpu.dma_semaphore, #tpu.memory_space<semaphore_mem>>)
    %add3A_71 = arith.constant 256 : i32
    %add3A_72 = arith.addi %mul3A_2, %add3A_71 : i32
    %dma_start3A_73 = arith.constant 0 : i32
    %dma_start3A_74 = arith.constant 0 : i32
    %dma_start3A_75 = arith.constant 0 : i32
    %dma_start3A_76 = arith.constant 0 : i32
    %dma_start3A_77 = tpu.memref_slice %arg6[%dma_start3A_73, %dma_start3A_74, %dma_start3A_75, %dma_start3A_76] : memref<2x128x2x128xi32, #tpu.memory_space<vmem>> -> memref<1x128x2x128xi32, #tpu.memory_space<vmem>>
    %dma_start3A_78 = tpu.memref_squeeze %dma_start3A_77 : memref<1x128x2x128xi32, #tpu.memory_space<vmem>> -> memref<128x2x128xi32, #tpu.memory_space<vmem>>
    %dma_start3A_79 = arith.constant 0 : i32
    %dma_start3A_80 = arith.constant 0 : i32
    %dma_start3A_81 = tpu.memref_slice %arg2[%add3A_72, %dma_start3A_79, %dma_start3A_80] : memref<65536x2x128xi32, #tpu.memory_space<hbm>> -> memref<128x2x128xi32, #tpu.memory_space<hbm>>
    %dma_start3A_82 = arith.constant 0 : i32
    %dma_start3A_83 = arith.constant 0 : i32
    %dma_start3A_84 = arith.constant 0 : i32
    %dma_start3A_85 = tpu.memref_slice %arg6[%dma_start3A_73, %dma_start3A_82, %dma_start3A_83, %dma_start3A_84] : memref<2x128x2x128xi32, #tpu.memory_space<vmem>> -> memref<1x128x2x128xi32, #tpu.memory_space<vmem>>
    %dma_start3A_86 = tpu.memref_squeeze %dma_start3A_85 : memref<1x128x2x128xi32, #tpu.memory_space<vmem>> -> memref<128x2x128xi32, #tpu.memory_space<vmem>>
    %dma_start3A_87 = arith.constant 0 : i32
    %dma_start3A_88 = arith.constant 0 : i32
    %dma_start3A_89 = tpu.memref_slice %arg2[%add3A_72, %dma_start3A_87, %dma_start3A_88] : memref<65536x2x128xi32, #tpu.memory_space<hbm>> -> memref<128x2x128xi32, #tpu.memory_space<hbm>>
    tpu.enqueue_dma source(%dma_start3A_89 : memref<128x2x128xi32, #tpu.memory_space<hbm>>) target(%dma_start3A_86 : memref<128x2x128xi32, #tpu.memory_space<vmem>>) target_semaphore(%arg8 : memref<!tpu.dma_semaphore, #tpu.memory_space<semaphore_mem>>)
    %dma_wait3A_90 = arith.constant 1 : i32
    %dma_wait3A_91 = arith.constant 0 : i32
    %dma_wait3A_92 = arith.constant 0 : i32
    %dma_wait3A_93 = arith.constant 0 : i32
    %dma_wait3A_94 = tpu.memref_slice %arg6[%dma_wait3A_90, %dma_wait3A_91, %dma_wait3A_92, %dma_wait3A_93] : memref<2x128x2x128xi32, #tpu.memory_space<vmem>> -> memref<1x128x2x128xi32, #tpu.memory_space<vmem>>
    %dma_wait3A_95 = tpu.memref_squeeze %dma_wait3A_94 : memref<1x128x2x128xi32, #tpu.memory_space<vmem>> -> memref<128x2x128xi32, #tpu.memory_space<vmem>>
    %dma_wait3A_96 = arith.constant 0 : i32
    %dma_wait3A_97 = arith.constant 0 : i32
    %dma_wait3A_98 = tpu.memref_slice %arg2[%add3A_22, %dma_wait3A_96, %dma_wait3A_97] : memref<65536x2x128xi32, #tpu.memory_space<hbm>> -> memref<128x2x128xi32, #tpu.memory_space<hbm>>
    %dma_wait3A_99 = arith.constant 0 : i32
    %dma_wait3A_100 = arith.constant 0 : i32
    %dma_wait3A_101 = arith.constant 0 : i32
    %dma_wait3A_102 = tpu.memref_slice %arg6[%dma_wait3A_90, %dma_wait3A_99, %dma_wait3A_100, %dma_wait3A_101] : memref<2x128x2x128xi32, #tpu.memory_space<vmem>> -> memref<1x128x2x128xi32, #tpu.memory_space<vmem>>
    %dma_wait3A_103 = tpu.memref_squeeze %dma_wait3A_102 : memref<1x128x2x128xi32, #tpu.memory_space<vmem>> -> memref<128x2x128xi32, #tpu.memory_space<vmem>>
    %dma_wait3A_104 = arith.constant 0 : i32
    %dma_wait3A_105 = arith.constant 0 : i32
    %dma_wait3A_106 = tpu.memref_slice %arg2[%add3A_22, %dma_wait3A_104, %dma_wait3A_105] : memref<65536x2x128xi32, #tpu.memory_space<hbm>> -> memref<128x2x128xi32, #tpu.memory_space<hbm>>
    tpu.wait_dma2 semaphore(%arg9 : memref<!tpu.dma_semaphore, #tpu.memory_space<semaphore_mem>>) src(%dma_wait3A_106 : memref<128x2x128xi32, #tpu.memory_space<hbm>>) dst(%dma_wait3A_103 : memref<128x2x128xi32, #tpu.memory_space<vmem>>)
    %parallel_loop3A_107 = arith.constant 0 : i32
    %parallel_loop3A_108 = arith.constant 128 : i32
    %parallel_loop3A_109 = arith.constant 1 : i32
    scf.for %parallel_loop3A_169 = %parallel_loop3A_107 to %parallel_loop3A_108 step %parallel_loop3A_109  : i32 {
      %parallel_loop3A_170 = arith.constant 1 : i32
      %parallel_loop3A_171 = arith.constant 0 : i32
      %parallel_loop3A_172 = arith.index_cast %parallel_loop3A_170 : i32 to index
      %parallel_loop3A_173 = arith.index_cast %parallel_loop3A_169 : i32 to index
      %parallel_loop3A_174 = arith.index_cast %parallel_loop3A_171 : i32 to index
      %parallel_loop3A_175 = arith.constant 0 : index
      %parallel_loop3A_176 = tpu.vector_load %arg6[%parallel_loop3A_172, %parallel_loop3A_173, %parallel_loop3A_174, %parallel_loop3A_175] {strides = array<i32>} : memref<2x128x2x128xi32, #tpu.memory_space<vmem>>, vector<16xi32>,
      %parallel_loop3A_177 = arith.constant 1 : i32
      %parallel_loop3A_178 = arith.constant 1 : i32
      %parallel_loop3A_179 = arith.index_cast %parallel_loop3A_177 : i32 to index
      %parallel_loop3A_180 = arith.index_cast %parallel_loop3A_169 : i32 to index
      %parallel_loop3A_181 = arith.index_cast %parallel_loop3A_178 : i32 to index
      %parallel_loop3A_182 = arith.constant 0 : index
      %parallel_loop3A_183 = tpu.vector_load %arg6[%parallel_loop3A_179, %parallel_loop3A_180, %parallel_loop3A_181, %parallel_loop3A_182] {strides = array<i32>} : memref<2x128x2x128xi32, #tpu.memory_space<vmem>>, vector<16xi32>,
      %parallel_loop3A_184 = arith.subi %parallel_loop3A_183, %parallel_loop3A_176 : vector<16xi32>
      %parallel_loop3A_185 = arith.constant 0 : i32
      %parallel_loop3A_186 = vector.broadcast %parallel_loop3A_185 : i32 to vector<16xi32>
      %parallel_loop3A_187 = arith.maxsi %parallel_loop3A_184, %parallel_loop3A_186 : vector<16xi32>
      %parallel_loop3A_188 = arith.constant 2047 : i32
      %parallel_loop3A_189 = vector.broadcast %parallel_loop3A_188 : i32 to vector<16xi32>
      %parallel_loop3A_190 = arith.minsi %parallel_loop3A_187, %parallel_loop3A_189 : vector<16xi32>
      %parallel_loop3A_191 = tpu.vector_load_idx %arg5[%parallel_loop3A_190] : memref<2048xf32, #tpu.memory_space<vmem>>[vector<16xi32>], vector<16xf32>,
      %parallel_loop3A_192 = arith.constant 128 : i32
      %parallel_loop3A_193 = arith.muli %parallel_loop3A_169, %parallel_loop3A_192 : i32
      %parallel_loop3A_194 = arith.constant 0 : i32
      %parallel_loop3A_195 = arith.addi %parallel_loop3A_193, %parallel_loop3A_194 : i32
      %parallel_loop3A_196 = arith.constant 1 : i32
      %parallel_loop3A_197 = arith.index_cast %parallel_loop3A_196 : i32 to index
      %parallel_loop3A_198 = arith.index_cast %parallel_loop3A_195 : i32 to index
      %parallel_loop3A_199 = tpu.vector_load %arg7[%parallel_loop3A_197, %parallel_loop3A_198] {strides = array<i32>} : memref<2x16384xf32, #tpu.memory_space<vmem>>, vector<16xf32>,
      tpu.vector_store %arg7[%parallel_loop3A_197, %parallel_loop3A_198], %parallel_loop3A_191 {strides = array<i32>} : memref<2x16384xf32, #tpu.memory_space<vmem>>, vector<16xf32>,
      %parallel_loop3A_200 = arith.constant 1 : i32
      %parallel_loop3A_201 = arith.constant 0 : i32
      %parallel_loop3A_202 = arith.index_cast %parallel_loop3A_200 : i32 to index
      %parallel_loop3A_203 = arith.index_cast %parallel_loop3A_169 : i32 to index
      %parallel_loop3A_204 = arith.index_cast %parallel_loop3A_201 : i32 to index
      %parallel_loop3A_205 = arith.constant 16 : index
      %parallel_loop3A_206 = tpu.vector_load %arg6[%parallel_loop3A_202, %parallel_loop3A_203, %parallel_loop3A_204, %parallel_loop3A_205] {strides = array<i32>} : memref<2x128x2x128xi32, #tpu.memory_space<vmem>>, vector<16xi32>,
      %parallel_loop3A_207 = arith.constant 1 : i32
      %parallel_loop3A_208 = arith.constant 1 : i32
      %parallel_loop3A_209 = arith.index_cast %parallel_loop3A_207 : i32 to index
      %parallel_loop3A_210 = arith.index_cast %parallel_loop3A_169 : i32 to index
      %parallel_loop3A_211 = arith.index_cast %parallel_loop3A_208 : i32 to index
      %parallel_loop3A_212 = arith.constant 16 : index
      %parallel_loop3A_213 = tpu.vector_load %arg6[%parallel_loop3A_209, %parallel_loop3A_210, %parallel_loop3A_211, %parallel_loop3A_212] {strides = array<i32>} : memref<2x128x2x128xi32, #tpu.memory_space<vmem>>, vector<16xi32>,
      %parallel_loop3A_214 = arith.subi %parallel_loop3A_213, %parallel_loop3A_206 : vector<16xi32>
      %parallel_loop3A_215 = arith.constant 0 : i32
      %parallel_loop3A_216 = vector.broadcast %parallel_loop3A_215 : i32 to vector<16xi32>
      %parallel_loop3A_217 = arith.maxsi %parallel_loop3A_214, %parallel_loop3A_216 : vector<16xi32>
      %parallel_loop3A_218 = arith.constant 2047 : i32
      %parallel_loop3A_219 = vector.broadcast %parallel_loop3A_218 : i32 to vector<16xi32>
      %parallel_loop3A_220 = arith.minsi %parallel_loop3A_217, %parallel_loop3A_219 : vector<16xi32>
      %parallel_loop3A_221 = tpu.vector_load_idx %arg5[%parallel_loop3A_220] : memref<2048xf32, #tpu.memory_space<vmem>>[vector<16xi32>], vector<16xf32>,
      %parallel_loop3A_222 = arith.constant 128 : i32
      %parallel_loop3A_223 = arith.muli %parallel_loop3A_169, %parallel_loop3A_222 : i32
      %parallel_loop3A_224 = arith.constant 16 : i32
      %parallel_loop3A_225 = arith.addi %parallel_loop3A_223, %parallel_loop3A_224 : i32
      %parallel_loop3A_226 = arith.constant 1 : i32
      %parallel_loop3A_227 = arith.index_cast %parallel_loop3A_226 : i32 to index
      %parallel_loop3A_228 = arith.index_cast %parallel_loop3A_225 : i32 to index
      %parallel_loop3A_229 = tpu.vector_load %arg7[%parallel_loop3A_227, %parallel_loop3A_228] {strides = array<i32>} : memref<2x16384xf32, #tpu.memory_space<vmem>>, vector<16xf32>,
      tpu.vector_store %arg7[%parallel_loop3A_227, %parallel_loop3A_228], %parallel_loop3A_221 {strides = array<i32>} : memref<2x16384xf32, #tpu.memory_space<vmem>>, vector<16xf32>,
      %parallel_loop3A_230 = arith.constant 1 : i32
      %parallel_loop3A_231 = arith.constant 0 : i32
      %parallel_loop3A_232 = arith.index_cast %parallel_loop3A_230 : i32 to index
      %parallel_loop3A_233 = arith.index_cast %parallel_loop3A_169 : i32 to index
      %parallel_loop3A_234 = arith.index_cast %parallel_loop3A_231 : i32 to index
      %parallel_loop3A_235 = arith.constant 32 : index
      %parallel_loop3A_236 = tpu.vector_load %arg6[%parallel_loop3A_232, %parallel_loop3A_233, %parallel_loop3A_234, %parallel_loop3A_235] {strides = array<i32>} : memref<2x128x2x128xi32, #tpu.memory_space<vmem>>, vector<16xi32>,
      %parallel_loop3A_237 = arith.constant 1 : i32
      %parallel_loop3A_238 = arith.constant 1 : i32
      %parallel_loop3A_239 = arith.index_cast %parallel_loop3A_237 : i32 to index
      %parallel_loop3A_240 = arith.index_cast %parallel_loop3A_169 : i32 to index
      %parallel_loop3A_241 = arith.index_cast %parallel_loop3A_238 : i32 to index
      %parallel_loop3A_242 = arith.constant 32 : index
      %parallel_loop3A_243 = tpu.vector_load %arg6[%parallel_loop3A_239, %parallel_loop3A_240, %parallel_loop3A_241, %parallel_loop3A_242] {strides = array<i32>} : memref<2x128x2x128xi32, #tpu.memory_space<vmem>>, vector<16xi32>,
      %parallel_loop3A_244 = arith.subi %parallel_loop3A_243, %parallel_loop3A_236 : vector<16xi32>
      %parallel_loop3A_245 = arith.constant 0 : i32
      %parallel_loop3A_246 = vector.broadcast %parallel_loop3A_245 : i32 to vector<16xi32>
      %parallel_loop3A_247 = arith.maxsi %parallel_loop3A_244, %parallel_loop3A_246 : vector<16xi32>
      %parallel_loop3A_248 = arith.constant 2047 : i32
      %parallel_loop3A_249 = vector.broadcast %parallel_loop3A_248 : i32 to vector<16xi32>
      %parallel_loop3A_250 = arith.minsi %parallel_loop3A_247, %parallel_loop3A_249 : vector<16xi32>
      %parallel_loop3A_251 = tpu.vector_load_idx %arg5[%parallel_loop3A_250] : memref<2048xf32, #tpu.memory_space<vmem>>[vector<16xi32>], vector<16xf32>,
      %parallel_loop3A_252 = arith.constant 128 : i32
      %parallel_loop3A_253 = arith.muli %parallel_loop3A_169, %parallel_loop3A_252 : i32
      %parallel_loop3A_254 = arith.constant 32 : i32
      %parallel_loop3A_255 = arith.addi %parallel_loop3A_253, %parallel_loop3A_254 : i32
      %parallel_loop3A_256 = arith.constant 1 : i32
      %parallel_loop3A_257 = arith.index_cast %parallel_loop3A_256 : i32 to index
      %parallel_loop3A_258 = arith.index_cast %parallel_loop3A_255 : i32 to index
      %parallel_loop3A_259 = tpu.vector_load %arg7[%parallel_loop3A_257, %parallel_loop3A_258] {strides = array<i32>} : memref<2x16384xf32, #tpu.memory_space<vmem>>, vector<16xf32>,
      tpu.vector_store %arg7[%parallel_loop3A_257, %parallel_loop3A_258], %parallel_loop3A_251 {strides = array<i32>} : memref<2x16384xf32, #tpu.memory_space<vmem>>, vector<16xf32>,
      %parallel_loop3A_260 = arith.constant 1 : i32
      %parallel_loop3A_261 = arith.constant 0 : i32
      %parallel_loop3A_262 = arith.index_cast %parallel_loop3A_260 : i32 to index
      %parallel_loop3A_263 = arith.index_cast %parallel_loop3A_169 : i32 to index
      %parallel_loop3A_264 = arith.index_cast %parallel_loop3A_261 : i32 to index
      %parallel_loop3A_265 = arith.constant 48 : index
      %parallel_loop3A_266 = tpu.vector_load %arg6[%parallel_loop3A_262, %parallel_loop3A_263, %parallel_loop3A_264, %parallel_loop3A_265] {strides = array<i32>} : memref<2x128x2x128xi32, #tpu.memory_space<vmem>>, vector<16xi32>,
      %parallel_loop3A_267 = arith.constant 1 : i32
      %parallel_loop3A_268 = arith.constant 1 : i32
      %parallel_loop3A_269 = arith.index_cast %parallel_loop3A_267 : i32 to index
      %parallel_loop3A_270 = arith.index_cast %parallel_loop3A_169 : i32 to index
      %parallel_loop3A_271 = arith.index_cast %parallel_loop3A_268 : i32 to index
      %parallel_loop3A_272 = arith.constant 48 : index
      %parallel_loop3A_273 = tpu.vector_load %arg6[%parallel_loop3A_269, %parallel_loop3A_270, %parallel_loop3A_271, %parallel_loop3A_272] {strides = array<i32>} : memref<2x128x2x128xi32, #tpu.memory_space<vmem>>, vector<16xi32>,
      %parallel_loop3A_274 = arith.subi %parallel_loop3A_273, %parallel_loop3A_266 : vector<16xi32>
      %parallel_loop3A_275 = arith.constant 0 : i32
      %parallel_loop3A_276 = vector.broadcast %parallel_loop3A_275 : i32 to vector<16xi32>
      %parallel_loop3A_277 = arith.maxsi %parallel_loop3A_274, %parallel_loop3A_276 : vector<16xi32>
      %parallel_loop3A_278 = arith.constant 2047 : i32
      %parallel_loop3A_279 = vector.broadcast %parallel_loop3A_278 : i32 to vector<16xi32>
      %parallel_loop3A_280 = arith.minsi %parallel_loop3A_277, %parallel_loop3A_279 : vector<16xi32>
      %parallel_loop3A_281 = tpu.vector_load_idx %arg5[%parallel_loop3A_280] : memref<2048xf32, #tpu.memory_space<vmem>>[vector<16xi32>], vector<16xf32>,
      %parallel_loop3A_282 = arith.constant 128 : i32
      %parallel_loop3A_283 = arith.muli %parallel_loop3A_169, %parallel_loop3A_282 : i32
      %parallel_loop3A_284 = arith.constant 48 : i32
      %parallel_loop3A_285 = arith.addi %parallel_loop3A_283, %parallel_loop3A_284 : i32
      %parallel_loop3A_286 = arith.constant 1 : i32
      %parallel_loop3A_287 = arith.index_cast %parallel_loop3A_286 : i32 to index
      %parallel_loop3A_288 = arith.index_cast %parallel_loop3A_285 : i32 to index
      %parallel_loop3A_289 = tpu.vector_load %arg7[%parallel_loop3A_287, %parallel_loop3A_288] {strides = array<i32>} : memref<2x16384xf32, #tpu.memory_space<vmem>>, vector<16xf32>,
      tpu.vector_store %arg7[%parallel_loop3A_287, %parallel_loop3A_288], %parallel_loop3A_281 {strides = array<i32>} : memref<2x16384xf32, #tpu.memory_space<vmem>>, vector<16xf32>,
      %parallel_loop3A_290 = arith.constant 1 : i32
      %parallel_loop3A_291 = arith.constant 0 : i32
      %parallel_loop3A_292 = arith.index_cast %parallel_loop3A_290 : i32 to index
      %parallel_loop3A_293 = arith.index_cast %parallel_loop3A_169 : i32 to index
      %parallel_loop3A_294 = arith.index_cast %parallel_loop3A_291 : i32 to index
      %parallel_loop3A_295 = arith.constant 64 : index
      %parallel_loop3A_296 = tpu.vector_load %arg6[%parallel_loop3A_292, %parallel_loop3A_293, %parallel_loop3A_294, %parallel_loop3A_295] {strides = array<i32>} : memref<2x128x2x128xi32, #tpu.memory_space<vmem>>, vector<16xi32>,
      %parallel_loop3A_297 = arith.constant 1 : i32
      %parallel_loop3A_298 = arith.constant 1 : i32
      %parallel_loop3A_299 = arith.index_cast %parallel_loop3A_297 : i32 to index
      %parallel_loop3A_300 = arith.index_cast %parallel_loop3A_169 : i32 to index
      %parallel_loop3A_301 = arith.index_cast %parallel_loop3A_298 : i32 to index
      %parallel_loop3A_302 = arith.constant 64 : index
      %parallel_loop3A_303 = tpu.vector_load %arg6[%parallel_loop3A_299, %parallel_loop3A_300, %parallel_loop3A_301, %parallel_loop3A_302] {strides = array<i32>} : memref<2x128x2x128xi32, #tpu.memory_space<vmem>>, vector<16xi32>,
      %parallel_loop3A_304 = arith.subi %parallel_loop3A_303, %parallel_loop3A_296 : vector<16xi32>
      %parallel_loop3A_305 = arith.constant 0 : i32
      %parallel_loop3A_306 = vector.broadcast %parallel_loop3A_305 : i32 to vector<16xi32>
      %parallel_loop3A_307 = arith.maxsi %parallel_loop3A_304, %parallel_loop3A_306 : vector<16xi32>
      %parallel_loop3A_308 = arith.constant 2047 : i32
      %parallel_loop3A_309 = vector.broadcast %parallel_loop3A_308 : i32 to vector<16xi32>
      %parallel_loop3A_310 = arith.minsi %parallel_loop3A_307, %parallel_loop3A_309 : vector<16xi32>
      %parallel_loop3A_311 = tpu.vector_load_idx %arg5[%parallel_loop3A_310] : memref<2048xf32, #tpu.memory_space<vmem>>[vector<16xi32>], vector<16xf32>,
      %parallel_loop3A_312 = arith.constant 128 : i32
      %parallel_loop3A_313 = arith.muli %parallel_loop3A_169, %parallel_loop3A_312 : i32
      %parallel_loop3A_314 = arith.constant 64 : i32
      %parallel_loop3A_315 = arith.addi %parallel_loop3A_313, %parallel_loop3A_314 : i32
      %parallel_loop3A_316 = arith.constant 1 : i32
      %parallel_loop3A_317 = arith.index_cast %parallel_loop3A_316 : i32 to index
      %parallel_loop3A_318 = arith.index_cast %parallel_loop3A_315 : i32 to index
      %parallel_loop3A_319 = tpu.vector_load %arg7[%parallel_loop3A_317, %parallel_loop3A_318] {strides = array<i32>} : memref<2x16384xf32, #tpu.memory_space<vmem>>, vector<16xf32>,
      tpu.vector_store %arg7[%parallel_loop3A_317, %parallel_loop3A_318], %parallel_loop3A_311 {strides = array<i32>} : memref<2x16384xf32, #tpu.memory_space<vmem>>, vector<16xf32>,
      %parallel_loop3A_320 = arith.constant 1 : i32
      %parallel_loop3A_321 = arith.constant 0 : i32
      %parallel_loop3A_322 = arith.index_cast %parallel_loop3A_320 : i32 to index
      %parallel_loop3A_323 = arith.index_cast %parallel_loop3A_169 : i32 to index
      %parallel_loop3A_324 = arith.index_cast %parallel_loop3A_321 : i32 to index
      %parallel_loop3A_325 = arith.constant 80 : index
      %parallel_loop3A_326 = tpu.vector_load %arg6[%parallel_loop3A_322, %parallel_loop3A_323, %parallel_loop3A_324, %parallel_loop3A_325] {strides = array<i32>} : memref<2x128x2x128xi32, #tpu.memory_space<vmem>>, vector<16xi32>,
      %parallel_loop3A_327 = arith.constant 1 : i32
      %parallel_loop3A_328 = arith.constant 1 : i32
      %parallel_loop3A_329 = arith.index_cast %parallel_loop3A_327 : i32 to index
      %parallel_loop3A_330 = arith.index_cast %parallel_loop3A_169 : i32 to index
      %parallel_loop3A_331 = arith.index_cast %parallel_loop3A_328 : i32 to index
      %parallel_loop3A_332 = arith.constant 80 : index
      %parallel_loop3A_333 = tpu.vector_load %arg6[%parallel_loop3A_329, %parallel_loop3A_330, %parallel_loop3A_331, %parallel_loop3A_332] {strides = array<i32>} : memref<2x128x2x128xi32, #tpu.memory_space<vmem>>, vector<16xi32>,
      %parallel_loop3A_334 = arith.subi %parallel_loop3A_333, %parallel_loop3A_326 : vector<16xi32>
      %parallel_loop3A_335 = arith.constant 0 : i32
      %parallel_loop3A_336 = vector.broadcast %parallel_loop3A_335 : i32 to vector<16xi32>
      %parallel_loop3A_337 = arith.maxsi %parallel_loop3A_334, %parallel_loop3A_336 : vector<16xi32>
      %parallel_loop3A_338 = arith.constant 2047 : i32
      %parallel_loop3A_339 = vector.broadcast %parallel_loop3A_338 : i32 to vector<16xi32>
      %parallel_loop3A_340 = arith.minsi %parallel_loop3A_337, %parallel_loop3A_339 : vector<16xi32>
      %parallel_loop3A_341 = tpu.vector_load_idx %arg5[%parallel_loop3A_340] : memref<2048xf32, #tpu.memory_space<vmem>>[vector<16xi32>], vector<16xf32>,
      %parallel_loop3A_342 = arith.constant 128 : i32
      %parallel_loop3A_343 = arith.muli %parallel_loop3A_169, %parallel_loop3A_342 : i32
      %parallel_loop3A_344 = arith.constant 80 : i32
      %parallel_loop3A_345 = arith.addi %parallel_loop3A_343, %parallel_loop3A_344 : i32
      %parallel_loop3A_346 = arith.constant 1 : i32
      %parallel_loop3A_347 = arith.index_cast %parallel_loop3A_346 : i32 to index
      %parallel_loop3A_348 = arith.index_cast %parallel_loop3A_345 : i32 to index
      %parallel_loop3A_349 = tpu.vector_load %arg7[%parallel_loop3A_347, %parallel_loop3A_348] {strides = array<i32>} : memref<2x16384xf32, #tpu.memory_space<vmem>>, vector<16xf32>,
      tpu.vector_store %arg7[%parallel_loop3A_347, %parallel_loop3A_348], %parallel_loop3A_341 {strides = array<i32>} : memref<2x16384xf32, #tpu.memory_space<vmem>>, vector<16xf32>,
      %parallel_loop3A_350 = arith.constant 1 : i32
      %parallel_loop3A_351 = arith.constant 0 : i32
      %parallel_loop3A_352 = arith.index_cast %parallel_loop3A_350 : i32 to index
      %parallel_loop3A_353 = arith.index_cast %parallel_loop3A_169 : i32 to index
      %parallel_loop3A_354 = arith.index_cast %parallel_loop3A_351 : i32 to index
      %parallel_loop3A_355 = arith.constant 96 : index
      %parallel_loop3A_356 = tpu.vector_load %arg6[%parallel_loop3A_352, %parallel_loop3A_353, %parallel_loop3A_354, %parallel_loop3A_355] {strides = array<i32>} : memref<2x128x2x128xi32, #tpu.memory_space<vmem>>, vector<16xi32>,
      %parallel_loop3A_357 = arith.constant 1 : i32
      %parallel_loop3A_358 = arith.constant 1 : i32
      %parallel_loop3A_359 = arith.index_cast %parallel_loop3A_357 : i32 to index
      %parallel_loop3A_360 = arith.index_cast %parallel_loop3A_169 : i32 to index
      %parallel_loop3A_361 = arith.index_cast %parallel_loop3A_358 : i32 to index
      %parallel_loop3A_362 = arith.constant 96 : index
      %parallel_loop3A_363 = tpu.vector_load %arg6[%parallel_loop3A_359, %parallel_loop3A_360, %parallel_loop3A_361, %parallel_loop3A_362] {strides = array<i32>} : memref<2x128x2x128xi32, #tpu.memory_space<vmem>>, vector<16xi32>,
      %parallel_loop3A_364 = arith.subi %parallel_loop3A_363, %parallel_loop3A_356 : vector<16xi32>
      %parallel_loop3A_365 = arith.constant 0 : i32
      %parallel_loop3A_366 = vector.broadcast %parallel_loop3A_365 : i32 to vector<16xi32>
      %parallel_loop3A_367 = arith.maxsi %parallel_loop3A_364, %parallel_loop3A_366 : vector<16xi32>
      %parallel_loop3A_368 = arith.constant 2047 : i32
      %parallel_loop3A_369 = vector.broadcast %parallel_loop3A_368 : i32 to vector<16xi32>
      %parallel_loop3A_370 = arith.minsi %parallel_loop3A_367, %parallel_loop3A_369 : vector<16xi32>
      %parallel_loop3A_371 = tpu.vector_load_idx %arg5[%parallel_loop3A_370] : memref<2048xf32, #tpu.memory_space<vmem>>[vector<16xi32>], vector<16xf32>,
      %parallel_loop3A_372 = arith.constant 128 : i32
      %parallel_loop3A_373 = arith.muli %parallel_loop3A_169, %parallel_loop3A_372 : i32
      %parallel_loop3A_374 = arith.constant 96 : i32
      %parallel_loop3A_375 = arith.addi %parallel_loop3A_373, %parallel_loop3A_374 : i32
      %parallel_loop3A_376 = arith.constant 1 : i32
      %parallel_loop3A_377 = arith.index_cast %parallel_loop3A_376 : i32 to index
      %parallel_loop3A_378 = arith.index_cast %parallel_loop3A_375 : i32 to index
      %parallel_loop3A_379 = tpu.vector_load %arg7[%parallel_loop3A_377, %parallel_loop3A_378] {strides = array<i32>} : memref<2x16384xf32, #tpu.memory_space<vmem>>, vector<16xf32>,
      tpu.vector_store %arg7[%parallel_loop3A_377, %parallel_loop3A_378], %parallel_loop3A_371 {strides = array<i32>} : memref<2x16384xf32, #tpu.memory_space<vmem>>, vector<16xf32>,
      %parallel_loop3A_380 = arith.constant 1 : i32
      %parallel_loop3A_381 = arith.constant 0 : i32
      %parallel_loop3A_382 = arith.index_cast %parallel_loop3A_380 : i32 to index
      %parallel_loop3A_383 = arith.index_cast %parallel_loop3A_169 : i32 to index
      %parallel_loop3A_384 = arith.index_cast %parallel_loop3A_381 : i32 to index
      %parallel_loop3A_385 = arith.constant 112 : index
      %parallel_loop3A_386 = tpu.vector_load %arg6[%parallel_loop3A_382, %parallel_loop3A_383, %parallel_loop3A_384, %parallel_loop3A_385] {strides = array<i32>} : memref<2x128x2x128xi32, #tpu.memory_space<vmem>>, vector<16xi32>,
      %parallel_loop3A_387 = arith.constant 1 : i32
      %parallel_loop3A_388 = arith.constant 1 : i32
      %parallel_loop3A_389 = arith.index_cast %parallel_loop3A_387 : i32 to index
      %parallel_loop3A_390 = arith.index_cast %parallel_loop3A_169 : i32 to index
      %parallel_loop3A_391 = arith.index_cast %parallel_loop3A_388 : i32 to index
      %parallel_loop3A_392 = arith.constant 112 : index
      %parallel_loop3A_393 = tpu.vector_load %arg6[%parallel_loop3A_389, %parallel_loop3A_390, %parallel_loop3A_391, %parallel_loop3A_392] {strides = array<i32>} : memref<2x128x2x128xi32, #tpu.memory_space<vmem>>, vector<16xi32>,
      %parallel_loop3A_394 = arith.subi %parallel_loop3A_393, %parallel_loop3A_386 : vector<16xi32>
      %parallel_loop3A_395 = arith.constant 0 : i32
      %parallel_loop3A_396 = vector.broadcast %parallel_loop3A_395 : i32 to vector<16xi32>
      %parallel_loop3A_397 = arith.maxsi %parallel_loop3A_394, %parallel_loop3A_396 : vector<16xi32>
      %parallel_loop3A_398 = arith.constant 2047 : i32
      %parallel_loop3A_399 = vector.broadcast %parallel_loop3A_398 : i32 to vector<16xi32>
      %parallel_loop3A_400 = arith.minsi %parallel_loop3A_397, %parallel_loop3A_399 : vector<16xi32>
      %parallel_loop3A_401 = tpu.vector_load_idx %arg5[%parallel_loop3A_400] : memref<2048xf32, #tpu.memory_space<vmem>>[vector<16xi32>], vector<16xf32>,
      %parallel_loop3A_402 = arith.constant 128 : i32
      %parallel_loop3A_403 = arith.muli %parallel_loop3A_169, %parallel_loop3A_402 : i32
      %parallel_loop3A_404 = arith.constant 112 : i32
      %parallel_loop3A_405 = arith.addi %parallel_loop3A_403, %parallel_loop3A_404 : i32
      %parallel_loop3A_406 = arith.constant 1 : i32
      %parallel_loop3A_407 = arith.index_cast %parallel_loop3A_406 : i32 to index
      %parallel_loop3A_408 = arith.index_cast %parallel_loop3A_405 : i32 to index
      %parallel_loop3A_409 = tpu.vector_load %arg7[%parallel_loop3A_407, %parallel_loop3A_408] {strides = array<i32>} : memref<2x16384xf32, #tpu.memory_space<vmem>>, vector<16xf32>,
      tpu.vector_store %arg7[%parallel_loop3A_407, %parallel_loop3A_408], %parallel_loop3A_401 {strides = array<i32>} : memref<2x16384xf32, #tpu.memory_space<vmem>>, vector<16xf32>,
    } {sc.loop_unroll_factor = 4 : i64, sc.parallel_access}
    %add3A_110 = arith.constant 128 : i32
    %add3A_111 = arith.addi %mul3A_2, %add3A_110 : i32
    %mul3A_112 = arith.constant 128 : i32
    %mul3A_113 = arith.muli %add3A_111, %mul3A_112 : i32
    %dma_start3A_114 = arith.constant 1 : i32
    %dma_start3A_115 = arith.constant 0 : i32
    %dma_start3A_116 = tpu.memref_slice %arg7[%dma_start3A_114, %dma_start3A_115] : memref<2x16384xf32, #tpu.memory_space<vmem>> -> memref<1x16384xf32, #tpu.memory_space<vmem>>
    %dma_start3A_117 = tpu.memref_squeeze %dma_start3A_116 : memref<1x16384xf32, #tpu.memory_space<vmem>> -> memref<16384xf32, #tpu.memory_space<vmem>>
    %dma_start3A_118 = tpu.memref_slice %arg4[%mul3A_113] : memref<8388608xf32, #tpu.memory_space<hbm>> -> memref<16384xf32, #tpu.memory_space<hbm>>
    %dma_start3A_119 = tpu.memref_slice %arg4[%mul3A_113] : memref<8388608xf32, #tpu.memory_space<hbm>> -> memref<16384xf32, #tpu.memory_space<hbm>>
    %dma_start3A_120 = arith.constant 0 : i32
    %dma_start3A_121 = tpu.memref_slice %arg7[%dma_start3A_114, %dma_start3A_120] : memref<2x16384xf32, #tpu.memory_space<vmem>> -> memref<1x16384xf32, #tpu.memory_space<vmem>>
    %dma_start3A_122 = tpu.memref_squeeze %dma_start3A_121 : memref<1x16384xf32, #tpu.memory_space<vmem>> -> memref<16384xf32, #tpu.memory_space<vmem>>
    tpu.enqueue_dma source(%dma_start3A_122 : memref<16384xf32, #tpu.memory_space<vmem>>) target(%dma_start3A_119 : memref<16384xf32, #tpu.memory_space<hbm>>) target_semaphore(%arg11 : memref<!tpu.dma_semaphore, #tpu.memory_space<semaphore_mem>>)
    %add3A_123 = arith.constant 384 : i32
    %add3A_124 = arith.addi %mul3A_2, %add3A_123 : i32
    %dma_start3A_125 = arith.constant 1 : i32
    %dma_start3A_126 = arith.constant 0 : i32
    %dma_start3A_127 = arith.constant 0 : i32
    %dma_start3A_128 = arith.constant 0 : i32
    %dma_start3A_129 = tpu.memref_slice %arg6[%dma_start3A_125, %dma_start3A_126, %dma_start3A_127, %dma_start3A_128] : memref<2x128x2x128xi32, #tpu.memory_space<vmem>> -> memref<1x128x2x128xi32, #tpu.memory_space<vmem>>
    %dma_start3A_130 = tpu.memref_squeeze %dma_start3A_129 : memref<1x128x2x128xi32, #tpu.memory_space<vmem>> -> memref<128x2x128xi32, #tpu.memory_space<vmem>>
    %dma_start3A_131 = arith.constant 0 : i32
    %dma_start3A_132 = arith.constant 0 : i32
    %dma_start3A_133 = tpu.memref_slice %arg2[%add3A_124, %dma_start3A_131, %dma_start3A_132] : memref<65536x2x128xi32, #tpu.memory_space<hbm>> -> memref<128x2x128xi32, #tpu.memory_space<hbm>>
    %dma_start3A_134 = arith.constant 0 : i32
    %dma_start3A_135 = arith.constant 0 : i32
    %dma_start3A_136 = arith.constant 0 : i32
    %dma_start3A_137 = tpu.memref_slice %arg6[%dma_start3A_125, %dma_start3A_134, %dma_start3A_135, %dma_start3A_136] : memref<2x128x2x128xi32, #tpu.memory_space<vmem>> -> memref<1x128x2x128xi32, #tpu.memory_space<vmem>>
    %dma_start3A_138 = tpu.memref_squeeze %dma_start3A_137 : memref<1x128x2x128xi32, #tpu.memory_space<vmem>> -> memref<128x2x128xi32, #tpu.memory_space<vmem>>
    %dma_start3A_139 = arith.constant 0 : i32
    %dma_start3A_140 = arith.constant 0 : i32
    %dma_start3A_141 = tpu.memref_slice %arg2[%add3A_124, %dma_start3A_139, %dma_start3A_140] : memref<65536x2x128xi32, #tpu.memory_space<hbm>> -> memref<128x2x128xi32, #tpu.memory_space<hbm>>
    tpu.enqueue_dma source(%dma_start3A_141 : memref<128x2x128xi32, #tpu.memory_space<hbm>>) target(%dma_start3A_138 : memref<128x2x128xi32, #tpu.memory_space<vmem>>) target_semaphore(%arg9 : memref<!tpu.dma_semaphore, #tpu.memory_space<semaphore_mem>>)
    %scan3A = arith.constant 0 : i32
    %scan3A_142 = arith.constant 1 : i32
    %scan3A_143 = arith.constant 7 : i32
    %scan3A_144 = arith.addi %scan3A_142, %scan3A_143 : i32
    %scan3A_145 = arith.constant 1 : i32
    scf.for %scan3A_169 = %scan3A_142 to %scan3A_144 step %scan3A_145  : i32 {
      %mul3A_170 = arith.constant 2 : i32
      %mul3A_171 = arith.muli %mul3A_170, %scan3A_169 : i32
      %add3A_172 = arith.constant 0 : i32
      %add3A_173 = arith.addi %mul3A_171, %add3A_172 : i32
      %dma_wait3A_174 = arith.constant 0 : i32
      %dma_wait3A_175 = arith.constant 0 : i32
      %dma_wait3A_176 = arith.constant 0 : i32
      %dma_wait3A_177 = arith.constant 0 : i32
      %dma_wait3A_178 = tpu.memref_slice %arg6[%dma_wait3A_174, %dma_wait3A_175, %dma_wait3A_176, %dma_wait3A_177] : memref<2x128x2x128xi32, #tpu.memory_space<vmem>> -> memref<1x128x2x128xi32, #tpu.memory_space<vmem>>
      %dma_wait3A_179 = tpu.memref_squeeze %dma_wait3A_178 : memref<1x128x2x128xi32, #tpu.memory_space<vmem>> -> memref<128x2x128xi32, #tpu.memory_space<vmem>>
      %dma_wait3A_180 = arith.constant 0 : i32
      %dma_wait3A_181 = arith.constant 0 : i32
      %dma_wait3A_182 = arith.constant 0 : i32
      %dma_wait3A_183 = tpu.memref_slice %arg2[%dma_wait3A_180, %dma_wait3A_181, %dma_wait3A_182] : memref<65536x2x128xi32, #tpu.memory_space<hbm>> -> memref<128x2x128xi32, #tpu.memory_space<hbm>>
      %dma_wait3A_184 = arith.constant 0 : i32
      %dma_wait3A_185 = arith.constant 0 : i32
      %dma_wait3A_186 = arith.constant 0 : i32
      %dma_wait3A_187 = tpu.memref_slice %arg6[%dma_wait3A_174, %dma_wait3A_184, %dma_wait3A_185, %dma_wait3A_186] : memref<2x128x2x128xi32, #tpu.memory_space<vmem>> -> memref<1x128x2x128xi32, #tpu.memory_space<vmem>>
      %dma_wait3A_188 = tpu.memref_squeeze %dma_wait3A_187 : memref<1x128x2x128xi32, #tpu.memory_space<vmem>> -> memref<128x2x128xi32, #tpu.memory_space<vmem>>
      %dma_wait3A_189 = arith.constant 0 : i32
      %dma_wait3A_190 = arith.constant 0 : i32
      %dma_wait3A_191 = arith.constant 0 : i32
      %dma_wait3A_192 = tpu.memref_slice %arg2[%dma_wait3A_189, %dma_wait3A_190, %dma_wait3A_191] : memref<65536x2x128xi32, #tpu.memory_space<hbm>> -> memref<128x2x128xi32, #tpu.memory_space<hbm>>
      tpu.wait_dma2 semaphore(%arg8 : memref<!tpu.dma_semaphore, #tpu.memory_space<semaphore_mem>>) src(%dma_wait3A_192 : memref<128x2x128xi32, #tpu.memory_space<hbm>>) dst(%dma_wait3A_188 : memref<128x2x128xi32, #tpu.memory_space<vmem>>)
      %dma_wait3A_193 = arith.constant 0 : i32
      %dma_wait3A_194 = arith.constant 0 : i32
      %dma_wait3A_195 = tpu.memref_slice %arg7[%dma_wait3A_193, %dma_wait3A_194] : memref<2x16384xf32, #tpu.memory_space<vmem>> -> memref<1x16384xf32, #tpu.memory_space<vmem>>
      %dma_wait3A_196 = tpu.memref_squeeze %dma_wait3A_195 : memref<1x16384xf32, #tpu.memory_space<vmem>> -> memref<16384xf32, #tpu.memory_space<vmem>>
      %dma_wait3A_197 = arith.constant 0 : i32
      %dma_wait3A_198 = tpu.memref_slice %arg4[%dma_wait3A_197] : memref<8388608xf32, #tpu.memory_space<hbm>> -> memref<16384xf32, #tpu.memory_space<hbm>>
      %dma_wait3A_199 = arith.constant 0 : i32
      %dma_wait3A_200 = tpu.memref_slice %arg4[%dma_wait3A_199] : memref<8388608xf32, #tpu.memory_space<hbm>> -> memref<16384xf32, #tpu.memory_space<hbm>>
      %dma_wait3A_201 = arith.constant 0 : i32
      %dma_wait3A_202 = tpu.memref_slice %arg7[%dma_wait3A_193, %dma_wait3A_201] : memref<2x16384xf32, #tpu.memory_space<vmem>> -> memref<1x16384xf32, #tpu.memory_space<vmem>>
      %dma_wait3A_203 = tpu.memref_squeeze %dma_wait3A_202 : memref<1x16384xf32, #tpu.memory_space<vmem>> -> memref<16384xf32, #tpu.memory_space<vmem>>
      tpu.wait_dma2 semaphore(%arg10 : memref<!tpu.dma_semaphore, #tpu.memory_space<semaphore_mem>>) src(%dma_wait3A_203 : memref<16384xf32, #tpu.memory_space<vmem>>) dst(%dma_wait3A_200 : memref<16384xf32, #tpu.memory_space<hbm>>)
      %parallel_loop3A_204 = arith.constant 0 : i32
      %parallel_loop3A_205 = arith.constant 128 : i32
      %parallel_loop3A_206 = arith.constant 1 : i32
      scf.for %parallel_loop3A_279 = %parallel_loop3A_204 to %parallel_loop3A_205 step %parallel_loop3A_206  : i32 {
        %parallel_loop3A_280 = arith.constant 0 : i32
        %parallel_loop3A_281 = arith.constant 0 : i32
        %parallel_loop3A_282 = arith.index_cast %parallel_loop3A_280 : i32 to index
        %parallel_loop3A_283 = arith.index_cast %parallel_loop3A_279 : i32 to index
        %parallel_loop3A_284 = arith.index_cast %parallel_loop3A_281 : i32 to index
        %parallel_loop3A_285 = arith.constant 0 : index
        %parallel_loop3A_286 = tpu.vector_load %arg6[%parallel_loop3A_282, %parallel_loop3A_283, %parallel_loop3A_284, %parallel_loop3A_285] {strides = array<i32>} : memref<2x128x2x128xi32, #tpu.memory_space<vmem>>, vector<16xi32>,
        %parallel_loop3A_287 = arith.constant 0 : i32
        %parallel_loop3A_288 = arith.constant 1 : i32
        %parallel_loop3A_289 = arith.index_cast %parallel_loop3A_287 : i32 to index
        %parallel_loop3A_290 = arith.index_cast %parallel_loop3A_279 : i32 to index
        %parallel_loop3A_291 = arith.index_cast %parallel_loop3A_288 : i32 to index
        %parallel_loop3A_292 = arith.constant 0 : index
        %parallel_loop3A_293 = tpu.vector_load %arg6[%parallel_loop3A_289, %parallel_loop3A_290, %parallel_loop3A_291, %parallel_loop3A_292] {strides = array<i32>} : memref<2x128x2x128xi32, #tpu.memory_space<vmem>>, vector<16xi32>,
        %parallel_loop3A_294 = arith.subi %parallel_loop3A_293, %parallel_loop3A_286 : vector<16xi32>
        %parallel_loop3A_295 = arith.constant 0 : i32
        %parallel_loop3A_296 = vector.broadcast %parallel_loop3A_295 : i32 to vector<16xi32>
        %parallel_loop3A_297 = arith.maxsi %parallel_loop3A_294, %parallel_loop3A_296 : vector<16xi32>
        %parallel_loop3A_298 = arith.constant 2047 : i32
        %parallel_loop3A_299 = vector.broadcast %parallel_loop3A_298 : i32 to vector<16xi32>
        %parallel_loop3A_300 = arith.minsi %parallel_loop3A_297, %parallel_loop3A_299 : vector<16xi32>
        %parallel_loop3A_301 = tpu.vector_load_idx %arg5[%parallel_loop3A_300] : memref<2048xf32, #tpu.memory_space<vmem>>[vector<16xi32>], vector<16xf32>,
        %parallel_loop3A_302 = arith.constant 128 : i32
        %parallel_loop3A_303 = arith.muli %parallel_loop3A_279, %parallel_loop3A_302 : i32
        %parallel_loop3A_304 = arith.constant 0 : i32
        %parallel_loop3A_305 = arith.addi %parallel_loop3A_303, %parallel_loop3A_304 : i32
        %parallel_loop3A_306 = arith.constant 0 : i32
        %parallel_loop3A_307 = arith.index_cast %parallel_loop3A_306 : i32 to index
        %parallel_loop3A_308 = arith.index_cast %parallel_loop3A_305 : i32 to index
        %parallel_loop3A_309 = tpu.vector_load %arg7[%parallel_loop3A_307, %parallel_loop3A_308] {strides = array<i32>} : memref<2x16384xf32, #tpu.memory_space<vmem>>, vector<16xf32>,
        tpu.vector_store %arg7[%parallel_loop3A_307, %parallel_loop3A_308], %parallel_loop3A_301 {strides = array<i32>} : memref<2x16384xf32, #tpu.memory_space<vmem>>, vector<16xf32>,
        %parallel_loop3A_310 = arith.constant 0 : i32
        %parallel_loop3A_311 = arith.constant 0 : i32
        %parallel_loop3A_312 = arith.index_cast %parallel_loop3A_310 : i32 to index
        %parallel_loop3A_313 = arith.index_cast %parallel_loop3A_279 : i32 to index
        %parallel_loop3A_314 = arith.index_cast %parallel_loop3A_311 : i32 to index
        %parallel_loop3A_315 = arith.constant 16 : index
        %parallel_loop3A_316 = tpu.vector_load %arg6[%parallel_loop3A_312, %parallel_loop3A_313, %parallel_loop3A_314, %parallel_loop3A_315] {strides = array<i32>} : memref<2x128x2x128xi32, #tpu.memory_space<vmem>>, vector<16xi32>,
        %parallel_loop3A_317 = arith.constant 0 : i32
        %parallel_loop3A_318 = arith.constant 1 : i32
        %parallel_loop3A_319 = arith.index_cast %parallel_loop3A_317 : i32 to index
        %parallel_loop3A_320 = arith.index_cast %parallel_loop3A_279 : i32 to index
        %parallel_loop3A_321 = arith.index_cast %parallel_loop3A_318 : i32 to index
        %parallel_loop3A_322 = arith.constant 16 : index
        %parallel_loop3A_323 = tpu.vector_load %arg6[%parallel_loop3A_319, %parallel_loop3A_320, %parallel_loop3A_321, %parallel_loop3A_322] {strides = array<i32>} : memref<2x128x2x128xi32, #tpu.memory_space<vmem>>, vector<16xi32>,
        %parallel_loop3A_324 = arith.subi %parallel_loop3A_323, %parallel_loop3A_316 : vector<16xi32>
        %parallel_loop3A_325 = arith.constant 0 : i32
        %parallel_loop3A_326 = vector.broadcast %parallel_loop3A_325 : i32 to vector<16xi32>
        %parallel_loop3A_327 = arith.maxsi %parallel_loop3A_324, %parallel_loop3A_326 : vector<16xi32>
        %parallel_loop3A_328 = arith.constant 2047 : i32
        %parallel_loop3A_329 = vector.broadcast %parallel_loop3A_328 : i32 to vector<16xi32>
        %parallel_loop3A_330 = arith.minsi %parallel_loop3A_327, %parallel_loop3A_329 : vector<16xi32>
        %parallel_loop3A_331 = tpu.vector_load_idx %arg5[%parallel_loop3A_330] : memref<2048xf32, #tpu.memory_space<vmem>>[vector<16xi32>], vector<16xf32>,
        %parallel_loop3A_332 = arith.constant 128 : i32
        %parallel_loop3A_333 = arith.muli %parallel_loop3A_279, %parallel_loop3A_332 : i32
        %parallel_loop3A_334 = arith.constant 16 : i32
        %parallel_loop3A_335 = arith.addi %parallel_loop3A_333, %parallel_loop3A_334 : i32
        %parallel_loop3A_336 = arith.constant 0 : i32
        %parallel_loop3A_337 = arith.index_cast %parallel_loop3A_336 : i32 to index
        %parallel_loop3A_338 = arith.index_cast %parallel_loop3A_335 : i32 to index
        %parallel_loop3A_339 = tpu.vector_load %arg7[%parallel_loop3A_337, %parallel_loop3A_338] {strides = array<i32>} : memref<2x16384xf32, #tpu.memory_space<vmem>>, vector<16xf32>,
        tpu.vector_store %arg7[%parallel_loop3A_337, %parallel_loop3A_338], %parallel_loop3A_331 {strides = array<i32>} : memref<2x16384xf32, #tpu.memory_space<vmem>>, vector<16xf32>,
        %parallel_loop3A_340 = arith.constant 0 : i32
        %parallel_loop3A_341 = arith.constant 0 : i32
        %parallel_loop3A_342 = arith.index_cast %parallel_loop3A_340 : i32 to index
        %parallel_loop3A_343 = arith.index_cast %parallel_loop3A_279 : i32 to index
        %parallel_loop3A_344 = arith.index_cast %parallel_loop3A_341 : i32 to index
        %parallel_loop3A_345 = arith.constant 32 : index
        %parallel_loop3A_346 = tpu.vector_load %arg6[%parallel_loop3A_342, %parallel_loop3A_343, %parallel_loop3A_344, %parallel_loop3A_345] {strides = array<i32>} : memref<2x128x2x128xi32, #tpu.memory_space<vmem>>, vector<16xi32>,
        %parallel_loop3A_347 = arith.constant 0 : i32
        %parallel_loop3A_348 = arith.constant 1 : i32
        %parallel_loop3A_349 = arith.index_cast %parallel_loop3A_347 : i32 to index
        %parallel_loop3A_350 = arith.index_cast %parallel_loop3A_279 : i32 to index
        %parallel_loop3A_351 = arith.index_cast %parallel_loop3A_348 : i32 to index
        %parallel_loop3A_352 = arith.constant 32 : index
        %parallel_loop3A_353 = tpu.vector_load %arg6[%parallel_loop3A_349, %parallel_loop3A_350, %parallel_loop3A_351, %parallel_loop3A_352] {strides = array<i32>} : memref<2x128x2x128xi32, #tpu.memory_space<vmem>>, vector<16xi32>,
        %parallel_loop3A_354 = arith.subi %parallel_loop3A_353, %parallel_loop3A_346 : vector<16xi32>
        %parallel_loop3A_355 = arith.constant 0 : i32
        %parallel_loop3A_356 = vector.broadcast %parallel_loop3A_355 : i32 to vector<16xi32>
        %parallel_loop3A_357 = arith.maxsi %parallel_loop3A_354, %parallel_loop3A_356 : vector<16xi32>
        %parallel_loop3A_358 = arith.constant 2047 : i32
        %parallel_loop3A_359 = vector.broadcast %parallel_loop3A_358 : i32 to vector<16xi32>
        %parallel_loop3A_360 = arith.minsi %parallel_loop3A_357, %parallel_loop3A_359 : vector<16xi32>
        %parallel_loop3A_361 = tpu.vector_load_idx %arg5[%parallel_loop3A_360] : memref<2048xf32, #tpu.memory_space<vmem>>[vector<16xi32>], vector<16xf32>,
        %parallel_loop3A_362 = arith.constant 128 : i32
        %parallel_loop3A_363 = arith.muli %parallel_loop3A_279, %parallel_loop3A_362 : i32
        %parallel_loop3A_364 = arith.constant 32 : i32
        %parallel_loop3A_365 = arith.addi %parallel_loop3A_363, %parallel_loop3A_364 : i32
        %parallel_loop3A_366 = arith.constant 0 : i32
        %parallel_loop3A_367 = arith.index_cast %parallel_loop3A_366 : i32 to index
        %parallel_loop3A_368 = arith.index_cast %parallel_loop3A_365 : i32 to index
        %parallel_loop3A_369 = tpu.vector_load %arg7[%parallel_loop3A_367, %parallel_loop3A_368] {strides = array<i32>} : memref<2x16384xf32, #tpu.memory_space<vmem>>, vector<16xf32>,
        tpu.vector_store %arg7[%parallel_loop3A_367, %parallel_loop3A_368], %parallel_loop3A_361 {strides = array<i32>} : memref<2x16384xf32, #tpu.memory_space<vmem>>, vector<16xf32>,
        %parallel_loop3A_370 = arith.constant 0 : i32
        %parallel_loop3A_371 = arith.constant 0 : i32
        %parallel_loop3A_372 = arith.index_cast %parallel_loop3A_370 : i32 to index
        %parallel_loop3A_373 = arith.index_cast %parallel_loop3A_279 : i32 to index
        %parallel_loop3A_374 = arith.index_cast %parallel_loop3A_371 : i32 to index
        %parallel_loop3A_375 = arith.constant 48 : index
        %parallel_loop3A_376 = tpu.vector_load %arg6[%parallel_loop3A_372, %parallel_loop3A_373, %parallel_loop3A_374, %parallel_loop3A_375] {strides = array<i32>} : memref<2x128x2x128xi32, #tpu.memory_space<vmem>>, vector<16xi32>,
        %parallel_loop3A_377 = arith.constant 0 : i32
        %parallel_loop3A_378 = arith.constant 1 : i32
        %parallel_loop3A_379 = arith.index_cast %parallel_loop3A_377 : i32 to index
        %parallel_loop3A_380 = arith.index_cast %parallel_loop3A_279 : i32 to index
        %parallel_loop3A_381 = arith.index_cast %parallel_loop3A_378 : i32 to index
        %parallel_loop3A_382 = arith.constant 48 : index
        %parallel_loop3A_383 = tpu.vector_load %arg6[%parallel_loop3A_379, %parallel_loop3A_380, %parallel_loop3A_381, %parallel_loop3A_382] {strides = array<i32>} : memref<2x128x2x128xi32, #tpu.memory_space<vmem>>, vector<16xi32>,
        %parallel_loop3A_384 = arith.subi %parallel_loop3A_383, %parallel_loop3A_376 : vector<16xi32>
        %parallel_loop3A_385 = arith.constant 0 : i32
        %parallel_loop3A_386 = vector.broadcast %parallel_loop3A_385 : i32 to vector<16xi32>
        %parallel_loop3A_387 = arith.maxsi %parallel_loop3A_384, %parallel_loop3A_386 : vector<16xi32>
        %parallel_loop3A_388 = arith.constant 2047 : i32
        %parallel_loop3A_389 = vector.broadcast %parallel_loop3A_388 : i32 to vector<16xi32>
        %parallel_loop3A_390 = arith.minsi %parallel_loop3A_387, %parallel_loop3A_389 : vector<16xi32>
        %parallel_loop3A_391 = tpu.vector_load_idx %arg5[%parallel_loop3A_390] : memref<2048xf32, #tpu.memory_space<vmem>>[vector<16xi32>], vector<16xf32>,
        %parallel_loop3A_392 = arith.constant 128 : i32
        %parallel_loop3A_393 = arith.muli %parallel_loop3A_279, %parallel_loop3A_392 : i32
        %parallel_loop3A_394 = arith.constant 48 : i32
        %parallel_loop3A_395 = arith.addi %parallel_loop3A_393, %parallel_loop3A_394 : i32
        %parallel_loop3A_396 = arith.constant 0 : i32
        %parallel_loop3A_397 = arith.index_cast %parallel_loop3A_396 : i32 to index
        %parallel_loop3A_398 = arith.index_cast %parallel_loop3A_395 : i32 to index
        %parallel_loop3A_399 = tpu.vector_load %arg7[%parallel_loop3A_397, %parallel_loop3A_398] {strides = array<i32>} : memref<2x16384xf32, #tpu.memory_space<vmem>>, vector<16xf32>,
        tpu.vector_store %arg7[%parallel_loop3A_397, %parallel_loop3A_398], %parallel_loop3A_391 {strides = array<i32>} : memref<2x16384xf32, #tpu.memory_space<vmem>>, vector<16xf32>,
        %parallel_loop3A_400 = arith.constant 0 : i32
        %parallel_loop3A_401 = arith.constant 0 : i32
        %parallel_loop3A_402 = arith.index_cast %parallel_loop3A_400 : i32 to index
        %parallel_loop3A_403 = arith.index_cast %parallel_loop3A_279 : i32 to index
        %parallel_loop3A_404 = arith.index_cast %parallel_loop3A_401 : i32 to index
        %parallel_loop3A_405 = arith.constant 64 : index
        %parallel_loop3A_406 = tpu.vector_load %arg6[%parallel_loop3A_402, %parallel_loop3A_403, %parallel_loop3A_404, %parallel_loop3A_405] {strides = array<i32>} : memref<2x128x2x128xi32, #tpu.memory_space<vmem>>, vector<16xi32>,
        %parallel_loop3A_407 = arith.constant 0 : i32
        %parallel_loop3A_408 = arith.constant 1 : i32
        %parallel_loop3A_409 = arith.index_cast %parallel_loop3A_407 : i32 to index
        %parallel_loop3A_410 = arith.index_cast %parallel_loop3A_279 : i32 to index
        %parallel_loop3A_411 = arith.index_cast %parallel_loop3A_408 : i32 to index
        %parallel_loop3A_412 = arith.constant 64 : index
        %parallel_loop3A_413 = tpu.vector_load %arg6[%parallel_loop3A_409, %parallel_loop3A_410, %parallel_loop3A_411, %parallel_loop3A_412] {strides = array<i32>} : memref<2x128x2x128xi32, #tpu.memory_space<vmem>>, vector<16xi32>,
        %parallel_loop3A_414 = arith.subi %parallel_loop3A_413, %parallel_loop3A_406 : vector<16xi32>
        %parallel_loop3A_415 = arith.constant 0 : i32
        %parallel_loop3A_416 = vector.broadcast %parallel_loop3A_415 : i32 to vector<16xi32>
        %parallel_loop3A_417 = arith.maxsi %parallel_loop3A_414, %parallel_loop3A_416 : vector<16xi32>
        %parallel_loop3A_418 = arith.constant 2047 : i32
        %parallel_loop3A_419 = vector.broadcast %parallel_loop3A_418 : i32 to vector<16xi32>
        %parallel_loop3A_420 = arith.minsi %parallel_loop3A_417, %parallel_loop3A_419 : vector<16xi32>
        %parallel_loop3A_421 = tpu.vector_load_idx %arg5[%parallel_loop3A_420] : memref<2048xf32, #tpu.memory_space<vmem>>[vector<16xi32>], vector<16xf32>,
        %parallel_loop3A_422 = arith.constant 128 : i32
        %parallel_loop3A_423 = arith.muli %parallel_loop3A_279, %parallel_loop3A_422 : i32
        %parallel_loop3A_424 = arith.constant 64 : i32
        %parallel_loop3A_425 = arith.addi %parallel_loop3A_423, %parallel_loop3A_424 : i32
        %parallel_loop3A_426 = arith.constant 0 : i32
        %parallel_loop3A_427 = arith.index_cast %parallel_loop3A_426 : i32 to index
        %parallel_loop3A_428 = arith.index_cast %parallel_loop3A_425 : i32 to index
        %parallel_loop3A_429 = tpu.vector_load %arg7[%parallel_loop3A_427, %parallel_loop3A_428] {strides = array<i32>} : memref<2x16384xf32, #tpu.memory_space<vmem>>, vector<16xf32>,
        tpu.vector_store %arg7[%parallel_loop3A_427, %parallel_loop3A_428], %parallel_loop3A_421 {strides = array<i32>} : memref<2x16384xf32, #tpu.memory_space<vmem>>, vector<16xf32>,
        %parallel_loop3A_430 = arith.constant 0 : i32
        %parallel_loop3A_431 = arith.constant 0 : i32
        %parallel_loop3A_432 = arith.index_cast %parallel_loop3A_430 : i32 to index
        %parallel_loop3A_433 = arith.index_cast %parallel_loop3A_279 : i32 to index
        %parallel_loop3A_434 = arith.index_cast %parallel_loop3A_431 : i32 to index
        %parallel_loop3A_435 = arith.constant 80 : index
        %parallel_loop3A_436 = tpu.vector_load %arg6[%parallel_loop3A_432, %parallel_loop3A_433, %parallel_loop3A_434, %parallel_loop3A_435] {strides = array<i32>} : memref<2x128x2x128xi32, #tpu.memory_space<vmem>>, vector<16xi32>,
        %parallel_loop3A_437 = arith.constant 0 : i32
        %parallel_loop3A_438 = arith.constant 1 : i32
        %parallel_loop3A_439 = arith.index_cast %parallel_loop3A_437 : i32 to index
        %parallel_loop3A_440 = arith.index_cast %parallel_loop3A_279 : i32 to index
        %parallel_loop3A_441 = arith.index_cast %parallel_loop3A_438 : i32 to index
        %parallel_loop3A_442 = arith.constant 80 : index
        %parallel_loop3A_443 = tpu.vector_load %arg6[%parallel_loop3A_439, %parallel_loop3A_440, %parallel_loop3A_441, %parallel_loop3A_442] {strides = array<i32>} : memref<2x128x2x128xi32, #tpu.memory_space<vmem>>, vector<16xi32>,
        %parallel_loop3A_444 = arith.subi %parallel_loop3A_443, %parallel_loop3A_436 : vector<16xi32>
        %parallel_loop3A_445 = arith.constant 0 : i32
        %parallel_loop3A_446 = vector.broadcast %parallel_loop3A_445 : i32 to vector<16xi32>
        %parallel_loop3A_447 = arith.maxsi %parallel_loop3A_444, %parallel_loop3A_446 : vector<16xi32>
        %parallel_loop3A_448 = arith.constant 2047 : i32
        %parallel_loop3A_449 = vector.broadcast %parallel_loop3A_448 : i32 to vector<16xi32>
        %parallel_loop3A_450 = arith.minsi %parallel_loop3A_447, %parallel_loop3A_449 : vector<16xi32>
        %parallel_loop3A_451 = tpu.vector_load_idx %arg5[%parallel_loop3A_450] : memref<2048xf32, #tpu.memory_space<vmem>>[vector<16xi32>], vector<16xf32>,
        %parallel_loop3A_452 = arith.constant 128 : i32
        %parallel_loop3A_453 = arith.muli %parallel_loop3A_279, %parallel_loop3A_452 : i32
        %parallel_loop3A_454 = arith.constant 80 : i32
        %parallel_loop3A_455 = arith.addi %parallel_loop3A_453, %parallel_loop3A_454 : i32
        %parallel_loop3A_456 = arith.constant 0 : i32
        %parallel_loop3A_457 = arith.index_cast %parallel_loop3A_456 : i32 to index
        %parallel_loop3A_458 = arith.index_cast %parallel_loop3A_455 : i32 to index
        %parallel_loop3A_459 = tpu.vector_load %arg7[%parallel_loop3A_457, %parallel_loop3A_458] {strides = array<i32>} : memref<2x16384xf32, #tpu.memory_space<vmem>>, vector<16xf32>,
        tpu.vector_store %arg7[%parallel_loop3A_457, %parallel_loop3A_458], %parallel_loop3A_451 {strides = array<i32>} : memref<2x16384xf32, #tpu.memory_space<vmem>>, vector<16xf32>,
        %parallel_loop3A_460 = arith.constant 0 : i32
        %parallel_loop3A_461 = arith.constant 0 : i32
        %parallel_loop3A_462 = arith.index_cast %parallel_loop3A_460 : i32 to index
        %parallel_loop3A_463 = arith.index_cast %parallel_loop3A_279 : i32 to index
        %parallel_loop3A_464 = arith.index_cast %parallel_loop3A_461 : i32 to index
        %parallel_loop3A_465 = arith.constant 96 : index
        %parallel_loop3A_466 = tpu.vector_load %arg6[%parallel_loop3A_462, %parallel_loop3A_463, %parallel_loop3A_464, %parallel_loop3A_465] {strides = array<i32>} : memref<2x128x2x128xi32, #tpu.memory_space<vmem>>, vector<16xi32>,
        %parallel_loop3A_467 = arith.constant 0 : i32
        %parallel_loop3A_468 = arith.constant 1 : i32
        %parallel_loop3A_469 = arith.index_cast %parallel_loop3A_467 : i32 to index
        %parallel_loop3A_470 = arith.index_cast %parallel_loop3A_279 : i32 to index
        %parallel_loop3A_471 = arith.index_cast %parallel_loop3A_468 : i32 to index
        %parallel_loop3A_472 = arith.constant 96 : index
        %parallel_loop3A_473 = tpu.vector_load %arg6[%parallel_loop3A_469, %parallel_loop3A_470, %parallel_loop3A_471, %parallel_loop3A_472] {strides = array<i32>} : memref<2x128x2x128xi32, #tpu.memory_space<vmem>>, vector<16xi32>,
        %parallel_loop3A_474 = arith.subi %parallel_loop3A_473, %parallel_loop3A_466 : vector<16xi32>
        %parallel_loop3A_475 = arith.constant 0 : i32
        %parallel_loop3A_476 = vector.broadcast %parallel_loop3A_475 : i32 to vector<16xi32>
        %parallel_loop3A_477 = arith.maxsi %parallel_loop3A_474, %parallel_loop3A_476 : vector<16xi32>
        %parallel_loop3A_478 = arith.constant 2047 : i32
        %parallel_loop3A_479 = vector.broadcast %parallel_loop3A_478 : i32 to vector<16xi32>
        %parallel_loop3A_480 = arith.minsi %parallel_loop3A_477, %parallel_loop3A_479 : vector<16xi32>
        %parallel_loop3A_481 = tpu.vector_load_idx %arg5[%parallel_loop3A_480] : memref<2048xf32, #tpu.memory_space<vmem>>[vector<16xi32>], vector<16xf32>,
        %parallel_loop3A_482 = arith.constant 128 : i32
        %parallel_loop3A_483 = arith.muli %parallel_loop3A_279, %parallel_loop3A_482 : i32
        %parallel_loop3A_484 = arith.constant 96 : i32
        %parallel_loop3A_485 = arith.addi %parallel_loop3A_483, %parallel_loop3A_484 : i32
        %parallel_loop3A_486 = arith.constant 0 : i32
        %parallel_loop3A_487 = arith.index_cast %parallel_loop3A_486 : i32 to index
        %parallel_loop3A_488 = arith.index_cast %parallel_loop3A_485 : i32 to index
        %parallel_loop3A_489 = tpu.vector_load %arg7[%parallel_loop3A_487, %parallel_loop3A_488] {strides = array<i32>} : memref<2x16384xf32, #tpu.memory_space<vmem>>, vector<16xf32>,
        tpu.vector_store %arg7[%parallel_loop3A_487, %parallel_loop3A_488], %parallel_loop3A_481 {strides = array<i32>} : memref<2x16384xf32, #tpu.memory_space<vmem>>, vector<16xf32>,
        %parallel_loop3A_490 = arith.constant 0 : i32
        %parallel_loop3A_491 = arith.constant 0 : i32
        %parallel_loop3A_492 = arith.index_cast %parallel_loop3A_490 : i32 to index
        %parallel_loop3A_493 = arith.index_cast %parallel_loop3A_279 : i32 to index
        %parallel_loop3A_494 = arith.index_cast %parallel_loop3A_491 : i32 to index
        %parallel_loop3A_495 = arith.constant 112 : index
        %parallel_loop3A_496 = tpu.vector_load %arg6[%parallel_loop3A_492, %parallel_loop3A_493, %parallel_loop3A_494, %parallel_loop3A_495] {strides = array<i32>} : memref<2x128x2x128xi32, #tpu.memory_space<vmem>>, vector<16xi32>,
        %parallel_loop3A_497 = arith.constant 0 : i32
        %parallel_loop3A_498 = arith.constant 1 : i32
        %parallel_loop3A_499 = arith.index_cast %parallel_loop3A_497 : i32 to index
        %parallel_loop3A_500 = arith.index_cast %parallel_loop3A_279 : i32 to index
        %parallel_loop3A_501 = arith.index_cast %parallel_loop3A_498 : i32 to index
        %parallel_loop3A_502 = arith.constant 112 : index
        %parallel_loop3A_503 = tpu.vector_load %arg6[%parallel_loop3A_499, %parallel_loop3A_500, %parallel_loop3A_501, %parallel_loop3A_502] {strides = array<i32>} : memref<2x128x2x128xi32, #tpu.memory_space<vmem>>, vector<16xi32>,
        %parallel_loop3A_504 = arith.subi %parallel_loop3A_503, %parallel_loop3A_496 : vector<16xi32>
        %parallel_loop3A_505 = arith.constant 0 : i32
        %parallel_loop3A_506 = vector.broadcast %parallel_loop3A_505 : i32 to vector<16xi32>
        %parallel_loop3A_507 = arith.maxsi %parallel_loop3A_504, %parallel_loop3A_506 : vector<16xi32>
        %parallel_loop3A_508 = arith.constant 2047 : i32
        %parallel_loop3A_509 = vector.broadcast %parallel_loop3A_508 : i32 to vector<16xi32>
        %parallel_loop3A_510 = arith.minsi %parallel_loop3A_507, %parallel_loop3A_509 : vector<16xi32>
        %parallel_loop3A_511 = tpu.vector_load_idx %arg5[%parallel_loop3A_510] : memref<2048xf32, #tpu.memory_space<vmem>>[vector<16xi32>], vector<16xf32>,
        %parallel_loop3A_512 = arith.constant 128 : i32
        %parallel_loop3A_513 = arith.muli %parallel_loop3A_279, %parallel_loop3A_512 : i32
        %parallel_loop3A_514 = arith.constant 112 : i32
        %parallel_loop3A_515 = arith.addi %parallel_loop3A_513, %parallel_loop3A_514 : i32
        %parallel_loop3A_516 = arith.constant 0 : i32
        %parallel_loop3A_517 = arith.index_cast %parallel_loop3A_516 : i32 to index
        %parallel_loop3A_518 = arith.index_cast %parallel_loop3A_515 : i32 to index
        %parallel_loop3A_519 = tpu.vector_load %arg7[%parallel_loop3A_517, %parallel_loop3A_518] {strides = array<i32>} : memref<2x16384xf32, #tpu.memory_space<vmem>>, vector<16xf32>,
        tpu.vector_store %arg7[%parallel_loop3A_517, %parallel_loop3A_518], %parallel_loop3A_511 {strides = array<i32>} : memref<2x16384xf32, #tpu.memory_space<vmem>>, vector<16xf32>,
      } {sc.loop_unroll_factor = 4 : i64, sc.parallel_access}
      %mul3A_207 = arith.constant 128 : i32
      %mul3A_208 = arith.muli %add3A_173, %mul3A_207 : i32
      %add3A_209 = arith.addi %mul3A_2, %mul3A_208 : i32
      %mul3A_210 = arith.constant 128 : i32
      %mul3A_211 = arith.muli %add3A_209, %mul3A_210 : i32
      %dma_start3A_212 = arith.constant 0 : i32
      %dma_start3A_213 = arith.constant 0 : i32
      %dma_start3A_214 = tpu.memref_slice %arg7[%dma_start3A_212, %dma_start3A_213] : memref<2x16384xf32, #tpu.memory_space<vmem>> -> memref<1x16384xf32, #tpu.memory_space<vmem>>
      %dma_start3A_215 = tpu.memref_squeeze %dma_start3A_214 : memref<1x16384xf32, #tpu.memory_space<vmem>> -> memref<16384xf32, #tpu.memory_space<vmem>>
      %dma_start3A_216 = tpu.memref_slice %arg4[%mul3A_211] : memref<8388608xf32, #tpu.memory_space<hbm>> -> memref<16384xf32, #tpu.memory_space<hbm>>
      %dma_start3A_217 = tpu.memref_slice %arg4[%mul3A_211] : memref<8388608xf32, #tpu.memory_space<hbm>> -> memref<16384xf32, #tpu.memory_space<hbm>>
      %dma_start3A_218 = arith.constant 0 : i32
      %dma_start3A_219 = tpu.memref_slice %arg7[%dma_start3A_212, %dma_start3A_218] : memref<2x16384xf32, #tpu.memory_space<vmem>> -> memref<1x16384xf32, #tpu.memory_space<vmem>>
      %dma_start3A_220 = tpu.memref_squeeze %dma_start3A_219 : memref<1x16384xf32, #tpu.memory_space<vmem>> -> memref<16384xf32, #tpu.memory_space<vmem>>
      tpu.enqueue_dma source(%dma_start3A_220 : memref<16384xf32, #tpu.memory_space<vmem>>) target(%dma_start3A_217 : memref<16384xf32, #tpu.memory_space<hbm>>) target_semaphore(%arg10 : memref<!tpu.dma_semaphore, #tpu.memory_space<semaphore_mem>>)
      %lt3A = arith.constant 7 : i32
      %lt3A_221 = arith.cmpi slt, %scan3A_169, %lt3A : i32
      %convert_element_type3A = arith.extui %lt3A_221 : i1 to i32
      %cond3A = arith.constant 0 : i32
      %cond3A_222 = arith.cmpi ne, %convert_element_type3A, %cond3A : i32
      scf.if %cond3A_222 {
        %add3A_279 = arith.constant 2 : i32
        %add3A_280 = arith.addi %add3A_173, %add3A_279 : i32
        %mul3A_281 = arith.constant 128 : i32
        %mul3A_282 = arith.muli %add3A_280, %mul3A_281 : i32
        %add3A_283 = arith.addi %mul3A_2, %mul3A_282 : i32
        %dma_start3A_284 = arith.constant 0 : i32
        %dma_start3A_285 = arith.constant 0 : i32
        %dma_start3A_286 = arith.constant 0 : i32
        %dma_start3A_287 = arith.constant 0 : i32
        %dma_start3A_288 = tpu.memref_slice %arg6[%dma_start3A_284, %dma_start3A_285, %dma_start3A_286, %dma_start3A_287] : memref<2x128x2x128xi32, #tpu.memory_space<vmem>> -> memref<1x128x2x128xi32, #tpu.memory_space<vmem>>
        %dma_start3A_289 = tpu.memref_squeeze %dma_start3A_288 : memref<1x128x2x128xi32, #tpu.memory_space<vmem>> -> memref<128x2x128xi32, #tpu.memory_space<vmem>>
        %dma_start3A_290 = arith.constant 0 : i32
        %dma_start3A_291 = arith.constant 0 : i32
        %dma_start3A_292 = tpu.memref_slice %arg2[%add3A_283, %dma_start3A_290, %dma_start3A_291] : memref<65536x2x128xi32, #tpu.memory_space<hbm>> -> memref<128x2x128xi32, #tpu.memory_space<hbm>>
        %dma_start3A_293 = arith.constant 0 : i32
        %dma_start3A_294 = arith.constant 0 : i32
        %dma_start3A_295 = arith.constant 0 : i32
        %dma_start3A_296 = tpu.memref_slice %arg6[%dma_start3A_284, %dma_start3A_293, %dma_start3A_294, %dma_start3A_295] : memref<2x128x2x128xi32, #tpu.memory_space<vmem>> -> memref<1x128x2x128xi32, #tpu.memory_space<vmem>>
        %dma_start3A_297 = tpu.memref_squeeze %dma_start3A_296 : memref<1x128x2x128xi32, #tpu.memory_space<vmem>> -> memref<128x2x128xi32, #tpu.memory_space<vmem>>
        %dma_start3A_298 = arith.constant 0 : i32
        %dma_start3A_299 = arith.constant 0 : i32
        %dma_start3A_300 = tpu.memref_slice %arg2[%add3A_283, %dma_start3A_298, %dma_start3A_299] : memref<65536x2x128xi32, #tpu.memory_space<hbm>> -> memref<128x2x128xi32, #tpu.memory_space<hbm>>
        tpu.enqueue_dma source(%dma_start3A_300 : memref<128x2x128xi32, #tpu.memory_space<hbm>>) target(%dma_start3A_297 : memref<128x2x128xi32, #tpu.memory_space<vmem>>) target_semaphore(%arg8 : memref<!tpu.dma_semaphore, #tpu.memory_space<semaphore_mem>>)
      } else {
      }
      %mul3A_223 = arith.constant 2 : i32
      %mul3A_224 = arith.muli %mul3A_223, %scan3A_169 : i32
      %add3A_225 = arith.constant 1 : i32
      %add3A_226 = arith.addi %mul3A_224, %add3A_225 : i32
      %dma_wait3A_227 = arith.constant 1 : i32
      %dma_wait3A_228 = arith.constant 0 : i32
      %dma_wait3A_229 = arith.constant 0 : i32
      %dma_wait3A_230 = arith.constant 0 : i32
      %dma_wait3A_231 = tpu.memref_slice %arg6[%dma_wait3A_227, %dma_wait3A_228, %dma_wait3A_229, %dma_wait3A_230] : memref<2x128x2x128xi32, #tpu.memory_space<vmem>> -> memref<1x128x2x128xi32, #tpu.memory_space<vmem>>
      %dma_wait3A_232 = tpu.memref_squeeze %dma_wait3A_231 : memref<1x128x2x128xi32, #tpu.memory_space<vmem>> -> memref<128x2x128xi32, #tpu.memory_space<vmem>>
      %dma_wait3A_233 = arith.constant 0 : i32
      %dma_wait3A_234 = arith.constant 0 : i32
      %dma_wait3A_235 = arith.constant 0 : i32
      %dma_wait3A_236 = tpu.memref_slice %arg2[%dma_wait3A_233, %dma_wait3A_234, %dma_wait3A_235] : memref<65536x2x128xi32, #tpu.memory_space<hbm>> -> memref<128x2x128xi32, #tpu.memory_space<hbm>>
      %dma_wait3A_237 = arith.constant 0 : i32
      %dma_wait3A_238 = arith.constant 0 : i32
      %dma_wait3A_239 = arith.constant 0 : i32
      %dma_wait3A_240 = tpu.memref_slice %arg6[%dma_wait3A_227, %dma_wait3A_237, %dma_wait3A_238, %dma_wait3A_239] : memref<2x128x2x128xi32, #tpu.memory_space<vmem>> -> memref<1x128x2x128xi32, #tpu.memory_space<vmem>>
      %dma_wait3A_241 = tpu.memref_squeeze %dma_wait3A_240 : memref<1x128x2x128xi32, #tpu.memory_space<vmem>> -> memref<128x2x128xi32, #tpu.memory_space<vmem>>
      %dma_wait3A_242 = arith.constant 0 : i32
      %dma_wait3A_243 = arith.constant 0 : i32
      %dma_wait3A_244 = arith.constant 0 : i32
      %dma_wait3A_245 = tpu.memref_slice %arg2[%dma_wait3A_242, %dma_wait3A_243, %dma_wait3A_244] : memref<65536x2x128xi32, #tpu.memory_space<hbm>> -> memref<128x2x128xi32, #tpu.memory_space<hbm>>
      tpu.wait_dma2 semaphore(%arg9 : memref<!tpu.dma_semaphore, #tpu.memory_space<semaphore_mem>>) src(%dma_wait3A_245 : memref<128x2x128xi32, #tpu.memory_space<hbm>>) dst(%dma_wait3A_241 : memref<128x2x128xi32, #tpu.memory_space<vmem>>)
      %dma_wait3A_246 = arith.constant 1 : i32
      %dma_wait3A_247 = arith.constant 0 : i32
      %dma_wait3A_248 = tpu.memref_slice %arg7[%dma_wait3A_246, %dma_wait3A_247] : memref<2x16384xf32, #tpu.memory_space<vmem>> -> memref<1x16384xf32, #tpu.memory_space<vmem>>
      %dma_wait3A_249 = tpu.memref_squeeze %dma_wait3A_248 : memref<1x16384xf32, #tpu.memory_space<vmem>> -> memref<16384xf32, #tpu.memory_space<vmem>>
      %dma_wait3A_250 = arith.constant 0 : i32
      %dma_wait3A_251 = tpu.memref_slice %arg4[%dma_wait3A_250] : memref<8388608xf32, #tpu.memory_space<hbm>> -> memref<16384xf32, #tpu.memory_space<hbm>>
      %dma_wait3A_252 = arith.constant 0 : i32
      %dma_wait3A_253 = tpu.memref_slice %arg4[%dma_wait3A_252] : memref<8388608xf32, #tpu.memory_space<hbm>> -> memref<16384xf32, #tpu.memory_space<hbm>>
      %dma_wait3A_254 = arith.constant 0 : i32
      %dma_wait3A_255 = tpu.memref_slice %arg7[%dma_wait3A_246, %dma_wait3A_254] : memref<2x16384xf32, #tpu.memory_space<vmem>> -> memref<1x16384xf32, #tpu.memory_space<vmem>>
      %dma_wait3A_256 = tpu.memref_squeeze %dma_wait3A_255 : memref<1x16384xf32, #tpu.memory_space<vmem>> -> memref<16384xf32, #tpu.memory_space<vmem>>
      tpu.wait_dma2 semaphore(%arg11 : memref<!tpu.dma_semaphore, #tpu.memory_space<semaphore_mem>>) src(%dma_wait3A_256 : memref<16384xf32, #tpu.memory_space<vmem>>) dst(%dma_wait3A_253 : memref<16384xf32, #tpu.memory_space<hbm>>)
      %parallel_loop3A_257 = arith.constant 0 : i32
      %parallel_loop3A_258 = arith.constant 128 : i32
      %parallel_loop3A_259 = arith.constant 1 : i32
      scf.for %parallel_loop3A_279 = %parallel_loop3A_257 to %parallel_loop3A_258 step %parallel_loop3A_259  : i32 {
        %parallel_loop3A_280 = arith.constant 1 : i32
        %parallel_loop3A_281 = arith.constant 0 : i32
        %parallel_loop3A_282 = arith.index_cast %parallel_loop3A_280 : i32 to index
        %parallel_loop3A_283 = arith.index_cast %parallel_loop3A_279 : i32 to index
        %parallel_loop3A_284 = arith.index_cast %parallel_loop3A_281 : i32 to index
        %parallel_loop3A_285 = arith.constant 0 : index
        %parallel_loop3A_286 = tpu.vector_load %arg6[%parallel_loop3A_282, %parallel_loop3A_283, %parallel_loop3A_284, %parallel_loop3A_285] {strides = array<i32>} : memref<2x128x2x128xi32, #tpu.memory_space<vmem>>, vector<16xi32>,
        %parallel_loop3A_287 = arith.constant 1 : i32
        %parallel_loop3A_288 = arith.constant 1 : i32
        %parallel_loop3A_289 = arith.index_cast %parallel_loop3A_287 : i32 to index
        %parallel_loop3A_290 = arith.index_cast %parallel_loop3A_279 : i32 to index
        %parallel_loop3A_291 = arith.index_cast %parallel_loop3A_288 : i32 to index
        %parallel_loop3A_292 = arith.constant 0 : index
        %parallel_loop3A_293 = tpu.vector_load %arg6[%parallel_loop3A_289, %parallel_loop3A_290, %parallel_loop3A_291, %parallel_loop3A_292] {strides = array<i32>} : memref<2x128x2x128xi32, #tpu.memory_space<vmem>>, vector<16xi32>,
        %parallel_loop3A_294 = arith.subi %parallel_loop3A_293, %parallel_loop3A_286 : vector<16xi32>
        %parallel_loop3A_295 = arith.constant 0 : i32
        %parallel_loop3A_296 = vector.broadcast %parallel_loop3A_295 : i32 to vector<16xi32>
        %parallel_loop3A_297 = arith.maxsi %parallel_loop3A_294, %parallel_loop3A_296 : vector<16xi32>
        %parallel_loop3A_298 = arith.constant 2047 : i32
        %parallel_loop3A_299 = vector.broadcast %parallel_loop3A_298 : i32 to vector<16xi32>
        %parallel_loop3A_300 = arith.minsi %parallel_loop3A_297, %parallel_loop3A_299 : vector<16xi32>
        %parallel_loop3A_301 = tpu.vector_load_idx %arg5[%parallel_loop3A_300] : memref<2048xf32, #tpu.memory_space<vmem>>[vector<16xi32>], vector<16xf32>,
        %parallel_loop3A_302 = arith.constant 128 : i32
        %parallel_loop3A_303 = arith.muli %parallel_loop3A_279, %parallel_loop3A_302 : i32
        %parallel_loop3A_304 = arith.constant 0 : i32
        %parallel_loop3A_305 = arith.addi %parallel_loop3A_303, %parallel_loop3A_304 : i32
        %parallel_loop3A_306 = arith.constant 1 : i32
        %parallel_loop3A_307 = arith.index_cast %parallel_loop3A_306 : i32 to index
        %parallel_loop3A_308 = arith.index_cast %parallel_loop3A_305 : i32 to index
        %parallel_loop3A_309 = tpu.vector_load %arg7[%parallel_loop3A_307, %parallel_loop3A_308] {strides = array<i32>} : memref<2x16384xf32, #tpu.memory_space<vmem>>, vector<16xf32>,
        tpu.vector_store %arg7[%parallel_loop3A_307, %parallel_loop3A_308], %parallel_loop3A_301 {strides = array<i32>} : memref<2x16384xf32, #tpu.memory_space<vmem>>, vector<16xf32>,
        %parallel_loop3A_310 = arith.constant 1 : i32
        %parallel_loop3A_311 = arith.constant 0 : i32
        %parallel_loop3A_312 = arith.index_cast %parallel_loop3A_310 : i32 to index
        %parallel_loop3A_313 = arith.index_cast %parallel_loop3A_279 : i32 to index
        %parallel_loop3A_314 = arith.index_cast %parallel_loop3A_311 : i32 to index
        %parallel_loop3A_315 = arith.constant 16 : index
        %parallel_loop3A_316 = tpu.vector_load %arg6[%parallel_loop3A_312, %parallel_loop3A_313, %parallel_loop3A_314, %parallel_loop3A_315] {strides = array<i32>} : memref<2x128x2x128xi32, #tpu.memory_space<vmem>>, vector<16xi32>,
        %parallel_loop3A_317 = arith.constant 1 : i32
        %parallel_loop3A_318 = arith.constant 1 : i32
        %parallel_loop3A_319 = arith.index_cast %parallel_loop3A_317 : i32 to index
        %parallel_loop3A_320 = arith.index_cast %parallel_loop3A_279 : i32 to index
        %parallel_loop3A_321 = arith.index_cast %parallel_loop3A_318 : i32 to index
        %parallel_loop3A_322 = arith.constant 16 : index
        %parallel_loop3A_323 = tpu.vector_load %arg6[%parallel_loop3A_319, %parallel_loop3A_320, %parallel_loop3A_321, %parallel_loop3A_322] {strides = array<i32>} : memref<2x128x2x128xi32, #tpu.memory_space<vmem>>, vector<16xi32>,
        %parallel_loop3A_324 = arith.subi %parallel_loop3A_323, %parallel_loop3A_316 : vector<16xi32>
        %parallel_loop3A_325 = arith.constant 0 : i32
        %parallel_loop3A_326 = vector.broadcast %parallel_loop3A_325 : i32 to vector<16xi32>
        %parallel_loop3A_327 = arith.maxsi %parallel_loop3A_324, %parallel_loop3A_326 : vector<16xi32>
        %parallel_loop3A_328 = arith.constant 2047 : i32
        %parallel_loop3A_329 = vector.broadcast %parallel_loop3A_328 : i32 to vector<16xi32>
        %parallel_loop3A_330 = arith.minsi %parallel_loop3A_327, %parallel_loop3A_329 : vector<16xi32>
        %parallel_loop3A_331 = tpu.vector_load_idx %arg5[%parallel_loop3A_330] : memref<2048xf32, #tpu.memory_space<vmem>>[vector<16xi32>], vector<16xf32>,
        %parallel_loop3A_332 = arith.constant 128 : i32
        %parallel_loop3A_333 = arith.muli %parallel_loop3A_279, %parallel_loop3A_332 : i32
        %parallel_loop3A_334 = arith.constant 16 : i32
        %parallel_loop3A_335 = arith.addi %parallel_loop3A_333, %parallel_loop3A_334 : i32
        %parallel_loop3A_336 = arith.constant 1 : i32
        %parallel_loop3A_337 = arith.index_cast %parallel_loop3A_336 : i32 to index
        %parallel_loop3A_338 = arith.index_cast %parallel_loop3A_335 : i32 to index
        %parallel_loop3A_339 = tpu.vector_load %arg7[%parallel_loop3A_337, %parallel_loop3A_338] {strides = array<i32>} : memref<2x16384xf32, #tpu.memory_space<vmem>>, vector<16xf32>,
        tpu.vector_store %arg7[%parallel_loop3A_337, %parallel_loop3A_338], %parallel_loop3A_331 {strides = array<i32>} : memref<2x16384xf32, #tpu.memory_space<vmem>>, vector<16xf32>,
        %parallel_loop3A_340 = arith.constant 1 : i32
        %parallel_loop3A_341 = arith.constant 0 : i32
        %parallel_loop3A_342 = arith.index_cast %parallel_loop3A_340 : i32 to index
        %parallel_loop3A_343 = arith.index_cast %parallel_loop3A_279 : i32 to index
        %parallel_loop3A_344 = arith.index_cast %parallel_loop3A_341 : i32 to index
        %parallel_loop3A_345 = arith.constant 32 : index
        %parallel_loop3A_346 = tpu.vector_load %arg6[%parallel_loop3A_342, %parallel_loop3A_343, %parallel_loop3A_344, %parallel_loop3A_345] {strides = array<i32>} : memref<2x128x2x128xi32, #tpu.memory_space<vmem>>, vector<16xi32>,
        %parallel_loop3A_347 = arith.constant 1 : i32
        %parallel_loop3A_348 = arith.constant 1 : i32
        %parallel_loop3A_349 = arith.index_cast %parallel_loop3A_347 : i32 to index
        %parallel_loop3A_350 = arith.index_cast %parallel_loop3A_279 : i32 to index
        %parallel_loop3A_351 = arith.index_cast %parallel_loop3A_348 : i32 to index
        %parallel_loop3A_352 = arith.constant 32 : index
        %parallel_loop3A_353 = tpu.vector_load %arg6[%parallel_loop3A_349, %parallel_loop3A_350, %parallel_loop3A_351, %parallel_loop3A_352] {strides = array<i32>} : memref<2x128x2x128xi32, #tpu.memory_space<vmem>>, vector<16xi32>,
        %parallel_loop3A_354 = arith.subi %parallel_loop3A_353, %parallel_loop3A_346 : vector<16xi32>
        %parallel_loop3A_355 = arith.constant 0 : i32
        %parallel_loop3A_356 = vector.broadcast %parallel_loop3A_355 : i32 to vector<16xi32>
        %parallel_loop3A_357 = arith.maxsi %parallel_loop3A_354, %parallel_loop3A_356 : vector<16xi32>
        %parallel_loop3A_358 = arith.constant 2047 : i32
        %parallel_loop3A_359 = vector.broadcast %parallel_loop3A_358 : i32 to vector<16xi32>
        %parallel_loop3A_360 = arith.minsi %parallel_loop3A_357, %parallel_loop3A_359 : vector<16xi32>
        %parallel_loop3A_361 = tpu.vector_load_idx %arg5[%parallel_loop3A_360] : memref<2048xf32, #tpu.memory_space<vmem>>[vector<16xi32>], vector<16xf32>,
        %parallel_loop3A_362 = arith.constant 128 : i32
        %parallel_loop3A_363 = arith.muli %parallel_loop3A_279, %parallel_loop3A_362 : i32
        %parallel_loop3A_364 = arith.constant 32 : i32
        %parallel_loop3A_365 = arith.addi %parallel_loop3A_363, %parallel_loop3A_364 : i32
        %parallel_loop3A_366 = arith.constant 1 : i32
        %parallel_loop3A_367 = arith.index_cast %parallel_loop3A_366 : i32 to index
        %parallel_loop3A_368 = arith.index_cast %parallel_loop3A_365 : i32 to index
        %parallel_loop3A_369 = tpu.vector_load %arg7[%parallel_loop3A_367, %parallel_loop3A_368] {strides = array<i32>} : memref<2x16384xf32, #tpu.memory_space<vmem>>, vector<16xf32>,
        tpu.vector_store %arg7[%parallel_loop3A_367, %parallel_loop3A_368], %parallel_loop3A_361 {strides = array<i32>} : memref<2x16384xf32, #tpu.memory_space<vmem>>, vector<16xf32>,
        %parallel_loop3A_370 = arith.constant 1 : i32
        %parallel_loop3A_371 = arith.constant 0 : i32
        %parallel_loop3A_372 = arith.index_cast %parallel_loop3A_370 : i32 to index
        %parallel_loop3A_373 = arith.index_cast %parallel_loop3A_279 : i32 to index
        %parallel_loop3A_374 = arith.index_cast %parallel_loop3A_371 : i32 to index
        %parallel_loop3A_375 = arith.constant 48 : index
        %parallel_loop3A_376 = tpu.vector_load %arg6[%parallel_loop3A_372, %parallel_loop3A_373, %parallel_loop3A_374, %parallel_loop3A_375] {strides = array<i32>} : memref<2x128x2x128xi32, #tpu.memory_space<vmem>>, vector<16xi32>,
        %parallel_loop3A_377 = arith.constant 1 : i32
        %parallel_loop3A_378 = arith.constant 1 : i32
        %parallel_loop3A_379 = arith.index_cast %parallel_loop3A_377 : i32 to index
        %parallel_loop3A_380 = arith.index_cast %parallel_loop3A_279 : i32 to index
        %parallel_loop3A_381 = arith.index_cast %parallel_loop3A_378 : i32 to index
        %parallel_loop3A_382 = arith.constant 48 : index
        %parallel_loop3A_383 = tpu.vector_load %arg6[%parallel_loop3A_379, %parallel_loop3A_380, %parallel_loop3A_381, %parallel_loop3A_382] {strides = array<i32>} : memref<2x128x2x128xi32, #tpu.memory_space<vmem>>, vector<16xi32>,
        %parallel_loop3A_384 = arith.subi %parallel_loop3A_383, %parallel_loop3A_376 : vector<16xi32>
        %parallel_loop3A_385 = arith.constant 0 : i32
        %parallel_loop3A_386 = vector.broadcast %parallel_loop3A_385 : i32 to vector<16xi32>
        %parallel_loop3A_387 = arith.maxsi %parallel_loop3A_384, %parallel_loop3A_386 : vector<16xi32>
        %parallel_loop3A_388 = arith.constant 2047 : i32
        %parallel_loop3A_389 = vector.broadcast %parallel_loop3A_388 : i32 to vector<16xi32>
        %parallel_loop3A_390 = arith.minsi %parallel_loop3A_387, %parallel_loop3A_389 : vector<16xi32>
        %parallel_loop3A_391 = tpu.vector_load_idx %arg5[%parallel_loop3A_390] : memref<2048xf32, #tpu.memory_space<vmem>>[vector<16xi32>], vector<16xf32>,
        %parallel_loop3A_392 = arith.constant 128 : i32
        %parallel_loop3A_393 = arith.muli %parallel_loop3A_279, %parallel_loop3A_392 : i32
        %parallel_loop3A_394 = arith.constant 48 : i32
        %parallel_loop3A_395 = arith.addi %parallel_loop3A_393, %parallel_loop3A_394 : i32
        %parallel_loop3A_396 = arith.constant 1 : i32
        %parallel_loop3A_397 = arith.index_cast %parallel_loop3A_396 : i32 to index
        %parallel_loop3A_398 = arith.index_cast %parallel_loop3A_395 : i32 to index
        %parallel_loop3A_399 = tpu.vector_load %arg7[%parallel_loop3A_397, %parallel_loop3A_398] {strides = array<i32>} : memref<2x16384xf32, #tpu.memory_space<vmem>>, vector<16xf32>,
        tpu.vector_store %arg7[%parallel_loop3A_397, %parallel_loop3A_398], %parallel_loop3A_391 {strides = array<i32>} : memref<2x16384xf32, #tpu.memory_space<vmem>>, vector<16xf32>,
        %parallel_loop3A_400 = arith.constant 1 : i32
        %parallel_loop3A_401 = arith.constant 0 : i32
        %parallel_loop3A_402 = arith.index_cast %parallel_loop3A_400 : i32 to index
        %parallel_loop3A_403 = arith.index_cast %parallel_loop3A_279 : i32 to index
        %parallel_loop3A_404 = arith.index_cast %parallel_loop3A_401 : i32 to index
        %parallel_loop3A_405 = arith.constant 64 : index
        %parallel_loop3A_406 = tpu.vector_load %arg6[%parallel_loop3A_402, %parallel_loop3A_403, %parallel_loop3A_404, %parallel_loop3A_405] {strides = array<i32>} : memref<2x128x2x128xi32, #tpu.memory_space<vmem>>, vector<16xi32>,
        %parallel_loop3A_407 = arith.constant 1 : i32
        %parallel_loop3A_408 = arith.constant 1 : i32
        %parallel_loop3A_409 = arith.index_cast %parallel_loop3A_407 : i32 to index
        %parallel_loop3A_410 = arith.index_cast %parallel_loop3A_279 : i32 to index
        %parallel_loop3A_411 = arith.index_cast %parallel_loop3A_408 : i32 to index
        %parallel_loop3A_412 = arith.constant 64 : index
        %parallel_loop3A_413 = tpu.vector_load %arg6[%parallel_loop3A_409, %parallel_loop3A_410, %parallel_loop3A_411, %parallel_loop3A_412] {strides = array<i32>} : memref<2x128x2x128xi32, #tpu.memory_space<vmem>>, vector<16xi32>,
        %parallel_loop3A_414 = arith.subi %parallel_loop3A_413, %parallel_loop3A_406 : vector<16xi32>
        %parallel_loop3A_415 = arith.constant 0 : i32
        %parallel_loop3A_416 = vector.broadcast %parallel_loop3A_415 : i32 to vector<16xi32>
        %parallel_loop3A_417 = arith.maxsi %parallel_loop3A_414, %parallel_loop3A_416 : vector<16xi32>
        %parallel_loop3A_418 = arith.constant 2047 : i32
        %parallel_loop3A_419 = vector.broadcast %parallel_loop3A_418 : i32 to vector<16xi32>
        %parallel_loop3A_420 = arith.minsi %parallel_loop3A_417, %parallel_loop3A_419 : vector<16xi32>
        %parallel_loop3A_421 = tpu.vector_load_idx %arg5[%parallel_loop3A_420] : memref<2048xf32, #tpu.memory_space<vmem>>[vector<16xi32>], vector<16xf32>,
        %parallel_loop3A_422 = arith.constant 128 : i32
        %parallel_loop3A_423 = arith.muli %parallel_loop3A_279, %parallel_loop3A_422 : i32
        %parallel_loop3A_424 = arith.constant 64 : i32
        %parallel_loop3A_425 = arith.addi %parallel_loop3A_423, %parallel_loop3A_424 : i32
        %parallel_loop3A_426 = arith.constant 1 : i32
        %parallel_loop3A_427 = arith.index_cast %parallel_loop3A_426 : i32 to index
        %parallel_loop3A_428 = arith.index_cast %parallel_loop3A_425 : i32 to index
        %parallel_loop3A_429 = tpu.vector_load %arg7[%parallel_loop3A_427, %parallel_loop3A_428] {strides = array<i32>} : memref<2x16384xf32, #tpu.memory_space<vmem>>, vector<16xf32>,
        tpu.vector_store %arg7[%parallel_loop3A_427, %parallel_loop3A_428], %parallel_loop3A_421 {strides = array<i32>} : memref<2x16384xf32, #tpu.memory_space<vmem>>, vector<16xf32>,
        %parallel_loop3A_430 = arith.constant 1 : i32
        %parallel_loop3A_431 = arith.constant 0 : i32
        %parallel_loop3A_432 = arith.index_cast %parallel_loop3A_430 : i32 to index
        %parallel_loop3A_433 = arith.index_cast %parallel_loop3A_279 : i32 to index
        %parallel_loop3A_434 = arith.index_cast %parallel_loop3A_431 : i32 to index
        %parallel_loop3A_435 = arith.constant 80 : index
        %parallel_loop3A_436 = tpu.vector_load %arg6[%parallel_loop3A_432, %parallel_loop3A_433, %parallel_loop3A_434, %parallel_loop3A_435] {strides = array<i32>} : memref<2x128x2x128xi32, #tpu.memory_space<vmem>>, vector<16xi32>,
        %parallel_loop3A_437 = arith.constant 1 : i32
        %parallel_loop3A_438 = arith.constant 1 : i32
        %parallel_loop3A_439 = arith.index_cast %parallel_loop3A_437 : i32 to index
        %parallel_loop3A_440 = arith.index_cast %parallel_loop3A_279 : i32 to index
        %parallel_loop3A_441 = arith.index_cast %parallel_loop3A_438 : i32 to index
        %parallel_loop3A_442 = arith.constant 80 : index
        %parallel_loop3A_443 = tpu.vector_load %arg6[%parallel_loop3A_439, %parallel_loop3A_440, %parallel_loop3A_441, %parallel_loop3A_442] {strides = array<i32>} : memref<2x128x2x128xi32, #tpu.memory_space<vmem>>, vector<16xi32>,
        %parallel_loop3A_444 = arith.subi %parallel_loop3A_443, %parallel_loop3A_436 : vector<16xi32>
        %parallel_loop3A_445 = arith.constant 0 : i32
        %parallel_loop3A_446 = vector.broadcast %parallel_loop3A_445 : i32 to vector<16xi32>
        %parallel_loop3A_447 = arith.maxsi %parallel_loop3A_444, %parallel_loop3A_446 : vector<16xi32>
        %parallel_loop3A_448 = arith.constant 2047 : i32
        %parallel_loop3A_449 = vector.broadcast %parallel_loop3A_448 : i32 to vector<16xi32>
        %parallel_loop3A_450 = arith.minsi %parallel_loop3A_447, %parallel_loop3A_449 : vector<16xi32>
        %parallel_loop3A_451 = tpu.vector_load_idx %arg5[%parallel_loop3A_450] : memref<2048xf32, #tpu.memory_space<vmem>>[vector<16xi32>], vector<16xf32>,
        %parallel_loop3A_452 = arith.constant 128 : i32
        %parallel_loop3A_453 = arith.muli %parallel_loop3A_279, %parallel_loop3A_452 : i32
        %parallel_loop3A_454 = arith.constant 80 : i32
        %parallel_loop3A_455 = arith.addi %parallel_loop3A_453, %parallel_loop3A_454 : i32
        %parallel_loop3A_456 = arith.constant 1 : i32
        %parallel_loop3A_457 = arith.index_cast %parallel_loop3A_456 : i32 to index
        %parallel_loop3A_458 = arith.index_cast %parallel_loop3A_455 : i32 to index
        %parallel_loop3A_459 = tpu.vector_load %arg7[%parallel_loop3A_457, %parallel_loop3A_458] {strides = array<i32>} : memref<2x16384xf32, #tpu.memory_space<vmem>>, vector<16xf32>,
        tpu.vector_store %arg7[%parallel_loop3A_457, %parallel_loop3A_458], %parallel_loop3A_451 {strides = array<i32>} : memref<2x16384xf32, #tpu.memory_space<vmem>>, vector<16xf32>,
        %parallel_loop3A_460 = arith.constant 1 : i32
        %parallel_loop3A_461 = arith.constant 0 : i32
        %parallel_loop3A_462 = arith.index_cast %parallel_loop3A_460 : i32 to index
        %parallel_loop3A_463 = arith.index_cast %parallel_loop3A_279 : i32 to index
        %parallel_loop3A_464 = arith.index_cast %parallel_loop3A_461 : i32 to index
        %parallel_loop3A_465 = arith.constant 96 : index
        %parallel_loop3A_466 = tpu.vector_load %arg6[%parallel_loop3A_462, %parallel_loop3A_463, %parallel_loop3A_464, %parallel_loop3A_465] {strides = array<i32>} : memref<2x128x2x128xi32, #tpu.memory_space<vmem>>, vector<16xi32>,
        %parallel_loop3A_467 = arith.constant 1 : i32
        %parallel_loop3A_468 = arith.constant 1 : i32
        %parallel_loop3A_469 = arith.index_cast %parallel_loop3A_467 : i32 to index
        %parallel_loop3A_470 = arith.index_cast %parallel_loop3A_279 : i32 to index
        %parallel_loop3A_471 = arith.index_cast %parallel_loop3A_468 : i32 to index
        %parallel_loop3A_472 = arith.constant 96 : index
        %parallel_loop3A_473 = tpu.vector_load %arg6[%parallel_loop3A_469, %parallel_loop3A_470, %parallel_loop3A_471, %parallel_loop3A_472] {strides = array<i32>} : memref<2x128x2x128xi32, #tpu.memory_space<vmem>>, vector<16xi32>,
        %parallel_loop3A_474 = arith.subi %parallel_loop3A_473, %parallel_loop3A_466 : vector<16xi32>
        %parallel_loop3A_475 = arith.constant 0 : i32
        %parallel_loop3A_476 = vector.broadcast %parallel_loop3A_475 : i32 to vector<16xi32>
        %parallel_loop3A_477 = arith.maxsi %parallel_loop3A_474, %parallel_loop3A_476 : vector<16xi32>
        %parallel_loop3A_478 = arith.constant 2047 : i32
        %parallel_loop3A_479 = vector.broadcast %parallel_loop3A_478 : i32 to vector<16xi32>
        %parallel_loop3A_480 = arith.minsi %parallel_loop3A_477, %parallel_loop3A_479 : vector<16xi32>
        %parallel_loop3A_481 = tpu.vector_load_idx %arg5[%parallel_loop3A_480] : memref<2048xf32, #tpu.memory_space<vmem>>[vector<16xi32>], vector<16xf32>,
        %parallel_loop3A_482 = arith.constant 128 : i32
        %parallel_loop3A_483 = arith.muli %parallel_loop3A_279, %parallel_loop3A_482 : i32
        %parallel_loop3A_484 = arith.constant 96 : i32
        %parallel_loop3A_485 = arith.addi %parallel_loop3A_483, %parallel_loop3A_484 : i32
        %parallel_loop3A_486 = arith.constant 1 : i32
        %parallel_loop3A_487 = arith.index_cast %parallel_loop3A_486 : i32 to index
        %parallel_loop3A_488 = arith.index_cast %parallel_loop3A_485 : i32 to index
        %parallel_loop3A_489 = tpu.vector_load %arg7[%parallel_loop3A_487, %parallel_loop3A_488] {strides = array<i32>} : memref<2x16384xf32, #tpu.memory_space<vmem>>, vector<16xf32>,
        tpu.vector_store %arg7[%parallel_loop3A_487, %parallel_loop3A_488], %parallel_loop3A_481 {strides = array<i32>} : memref<2x16384xf32, #tpu.memory_space<vmem>>, vector<16xf32>,
        %parallel_loop3A_490 = arith.constant 1 : i32
        %parallel_loop3A_491 = arith.constant 0 : i32
        %parallel_loop3A_492 = arith.index_cast %parallel_loop3A_490 : i32 to index
        %parallel_loop3A_493 = arith.index_cast %parallel_loop3A_279 : i32 to index
        %parallel_loop3A_494 = arith.index_cast %parallel_loop3A_491 : i32 to index
        %parallel_loop3A_495 = arith.constant 112 : index
        %parallel_loop3A_496 = tpu.vector_load %arg6[%parallel_loop3A_492, %parallel_loop3A_493, %parallel_loop3A_494, %parallel_loop3A_495] {strides = array<i32>} : memref<2x128x2x128xi32, #tpu.memory_space<vmem>>, vector<16xi32>,
        %parallel_loop3A_497 = arith.constant 1 : i32
        %parallel_loop3A_498 = arith.constant 1 : i32
        %parallel_loop3A_499 = arith.index_cast %parallel_loop3A_497 : i32 to index
        %parallel_loop3A_500 = arith.index_cast %parallel_loop3A_279 : i32 to index
        %parallel_loop3A_501 = arith.index_cast %parallel_loop3A_498 : i32 to index
        %parallel_loop3A_502 = arith.constant 112 : index
        %parallel_loop3A_503 = tpu.vector_load %arg6[%parallel_loop3A_499, %parallel_loop3A_500, %parallel_loop3A_501, %parallel_loop3A_502] {strides = array<i32>} : memref<2x128x2x128xi32, #tpu.memory_space<vmem>>, vector<16xi32>,
        %parallel_loop3A_504 = arith.subi %parallel_loop3A_503, %parallel_loop3A_496 : vector<16xi32>
        %parallel_loop3A_505 = arith.constant 0 : i32
        %parallel_loop3A_506 = vector.broadcast %parallel_loop3A_505 : i32 to vector<16xi32>
        %parallel_loop3A_507 = arith.maxsi %parallel_loop3A_504, %parallel_loop3A_506 : vector<16xi32>
        %parallel_loop3A_508 = arith.constant 2047 : i32
        %parallel_loop3A_509 = vector.broadcast %parallel_loop3A_508 : i32 to vector<16xi32>
        %parallel_loop3A_510 = arith.minsi %parallel_loop3A_507, %parallel_loop3A_509 : vector<16xi32>
        %parallel_loop3A_511 = tpu.vector_load_idx %arg5[%parallel_loop3A_510] : memref<2048xf32, #tpu.memory_space<vmem>>[vector<16xi32>], vector<16xf32>,
        %parallel_loop3A_512 = arith.constant 128 : i32
        %parallel_loop3A_513 = arith.muli %parallel_loop3A_279, %parallel_loop3A_512 : i32
        %parallel_loop3A_514 = arith.constant 112 : i32
        %parallel_loop3A_515 = arith.addi %parallel_loop3A_513, %parallel_loop3A_514 : i32
        %parallel_loop3A_516 = arith.constant 1 : i32
        %parallel_loop3A_517 = arith.index_cast %parallel_loop3A_516 : i32 to index
        %parallel_loop3A_518 = arith.index_cast %parallel_loop3A_515 : i32 to index
        %parallel_loop3A_519 = tpu.vector_load %arg7[%parallel_loop3A_517, %parallel_loop3A_518] {strides = array<i32>} : memref<2x16384xf32, #tpu.memory_space<vmem>>, vector<16xf32>,
        tpu.vector_store %arg7[%parallel_loop3A_517, %parallel_loop3A_518], %parallel_loop3A_511 {strides = array<i32>} : memref<2x16384xf32, #tpu.memory_space<vmem>>, vector<16xf32>,
      } {sc.loop_unroll_factor = 4 : i64, sc.parallel_access}
      %mul3A_260 = arith.constant 128 : i32
      %mul3A_261 = arith.muli %add3A_226, %mul3A_260 : i32
      %add3A_262 = arith.addi %mul3A_2, %mul3A_261 : i32
      %mul3A_263 = arith.constant 128 : i32
      %mul3A_264 = arith.muli %add3A_262, %mul3A_263 : i32
      %dma_start3A_265 = arith.constant 1 : i32
      %dma_start3A_266 = arith.constant 0 : i32
      %dma_start3A_267 = tpu.memref_slice %arg7[%dma_start3A_265, %dma_start3A_266] : memref<2x16384xf32, #tpu.memory_space<vmem>> -> memref<1x16384xf32, #tpu.memory_space<vmem>>
      %dma_start3A_268 = tpu.memref_squeeze %dma_start3A_267 : memref<1x16384xf32, #tpu.memory_space<vmem>> -> memref<16384xf32, #tpu.memory_space<vmem>>
      %dma_start3A_269 = tpu.memref_slice %arg4[%mul3A_264] : memref<8388608xf32, #tpu.memory_space<hbm>> -> memref<16384xf32, #tpu.memory_space<hbm>>
      %dma_start3A_270 = tpu.memref_slice %arg4[%mul3A_264] : memref<8388608xf32, #tpu.memory_space<hbm>> -> memref<16384xf32, #tpu.memory_space<hbm>>
      %dma_start3A_271 = arith.constant 0 : i32
      %dma_start3A_272 = tpu.memref_slice %arg7[%dma_start3A_265, %dma_start3A_271] : memref<2x16384xf32, #tpu.memory_space<vmem>> -> memref<1x16384xf32, #tpu.memory_space<vmem>>
      %dma_start3A_273 = tpu.memref_squeeze %dma_start3A_272 : memref<1x16384xf32, #tpu.memory_space<vmem>> -> memref<16384xf32, #tpu.memory_space<vmem>>
      tpu.enqueue_dma source(%dma_start3A_273 : memref<16384xf32, #tpu.memory_space<vmem>>) target(%dma_start3A_270 : memref<16384xf32, #tpu.memory_space<hbm>>) target_semaphore(%arg11 : memref<!tpu.dma_semaphore, #tpu.memory_space<semaphore_mem>>)
      %lt3A_274 = arith.constant 7 : i32
      %lt3A_275 = arith.cmpi slt, %scan3A_169, %lt3A_274 : i32
      %convert_element_type3A_276 = arith.extui %lt3A_275 : i1 to i32
      %cond3A_277 = arith.constant 0 : i32
      %cond3A_278 = arith.cmpi ne, %convert_element_type3A_276, %cond3A_277 : i32
      scf.if %cond3A_278 {
        %add3A_279 = arith.constant 2 : i32
        %add3A_280 = arith.addi %add3A_226, %add3A_279 : i32
        %mul3A_281 = arith.constant 128 : i32
        %mul3A_282 = arith.muli %add3A_280, %mul3A_281 : i32
        %add3A_283 = arith.addi %mul3A_2, %mul3A_282 : i32
        %dma_start3A_284 = arith.constant 1 : i32
        %dma_start3A_285 = arith.constant 0 : i32
        %dma_start3A_286 = arith.constant 0 : i32
        %dma_start3A_287 = arith.constant 0 : i32
        %dma_start3A_288 = tpu.memref_slice %arg6[%dma_start3A_284, %dma_start3A_285, %dma_start3A_286, %dma_start3A_287] : memref<2x128x2x128xi32, #tpu.memory_space<vmem>> -> memref<1x128x2x128xi32, #tpu.memory_space<vmem>>
        %dma_start3A_289 = tpu.memref_squeeze %dma_start3A_288 : memref<1x128x2x128xi32, #tpu.memory_space<vmem>> -> memref<128x2x128xi32, #tpu.memory_space<vmem>>
        %dma_start3A_290 = arith.constant 0 : i32
        %dma_start3A_291 = arith.constant 0 : i32
        %dma_start3A_292 = tpu.memref_slice %arg2[%add3A_283, %dma_start3A_290, %dma_start3A_291] : memref<65536x2x128xi32, #tpu.memory_space<hbm>> -> memref<128x2x128xi32, #tpu.memory_space<hbm>>
        %dma_start3A_293 = arith.constant 0 : i32
        %dma_start3A_294 = arith.constant 0 : i32
        %dma_start3A_295 = arith.constant 0 : i32
        %dma_start3A_296 = tpu.memref_slice %arg6[%dma_start3A_284, %dma_start3A_293, %dma_start3A_294, %dma_start3A_295] : memref<2x128x2x128xi32, #tpu.memory_space<vmem>> -> memref<1x128x2x128xi32, #tpu.memory_space<vmem>>
        %dma_start3A_297 = tpu.memref_squeeze %dma_start3A_296 : memref<1x128x2x128xi32, #tpu.memory_space<vmem>> -> memref<128x2x128xi32, #tpu.memory_space<vmem>>
        %dma_start3A_298 = arith.constant 0 : i32
        %dma_start3A_299 = arith.constant 0 : i32
        %dma_start3A_300 = tpu.memref_slice %arg2[%add3A_283, %dma_start3A_298, %dma_start3A_299] : memref<65536x2x128xi32, #tpu.memory_space<hbm>> -> memref<128x2x128xi32, #tpu.memory_space<hbm>>
        tpu.enqueue_dma source(%dma_start3A_300 : memref<128x2x128xi32, #tpu.memory_space<hbm>>) target(%dma_start3A_297 : memref<128x2x128xi32, #tpu.memory_space<vmem>>) target_semaphore(%arg9 : memref<!tpu.dma_semaphore, #tpu.memory_space<semaphore_mem>>)
      } else {
      }
    }
    %scan3A_146 = arith.constant 7 : i32
    %dma_wait3A_147 = arith.constant 0 : i32
    %dma_wait3A_148 = arith.constant 0 : i32
    %dma_wait3A_149 = tpu.memref_slice %arg7[%dma_wait3A_147, %dma_wait3A_148] : memref<2x16384xf32, #tpu.memory_space<vmem>> -> memref<1x16384xf32, #tpu.memory_space<vmem>>
    %dma_wait3A_150 = tpu.memref_squeeze %dma_wait3A_149 : memref<1x16384xf32, #tpu.memory_space<vmem>> -> memref<16384xf32, #tpu.memory_space<vmem>>
    %dma_wait3A_151 = arith.constant 0 : i32
    %dma_wait3A_152 = tpu.memref_slice %arg4[%dma_wait3A_151] : memref<8388608xf32, #tpu.memory_space<hbm>> -> memref<16384xf32, #tpu.memory_space<hbm>>
    %dma_wait3A_153 = arith.constant 0 : i32
    %dma_wait3A_154 = tpu.memref_slice %arg4[%dma_wait3A_153] : memref<8388608xf32, #tpu.memory_space<hbm>> -> memref<16384xf32, #tpu.memory_space<hbm>>
    %dma_wait3A_155 = arith.constant 0 : i32
    %dma_wait3A_156 = tpu.memref_slice %arg7[%dma_wait3A_147, %dma_wait3A_155] : memref<2x16384xf32, #tpu.memory_space<vmem>> -> memref<1x16384xf32, #tpu.memory_space<vmem>>
    %dma_wait3A_157 = tpu.memref_squeeze %dma_wait3A_156 : memref<1x16384xf32, #tpu.memory_space<vmem>> -> memref<16384xf32, #tpu.memory_space<vmem>>
    tpu.wait_dma2 semaphore(%arg10 : memref<!tpu.dma_semaphore, #tpu.memory_space<semaphore_mem>>) src(%dma_wait3A_157 : memref<16384xf32, #tpu.memory_space<vmem>>) dst(%dma_wait3A_154 : memref<16384xf32, #tpu.memory_space<hbm>>)
    %dma_wait3A_158 = arith.constant 1 : i32
    %dma_wait3A_159 = arith.constant 0 : i32
    %dma_wait3A_160 = tpu.memref_slice %arg7[%dma_wait3A_158, %dma_wait3A_159] : memref<2x16384xf32, #tpu.memory_space<vmem>> -> memref<1x16384xf32, #tpu.memory_space<vmem>>
    %dma_wait3A_161 = tpu.memref_squeeze %dma_wait3A_160 : memref<1x16384xf32, #tpu.memory_space<vmem>> -> memref<16384xf32, #tpu.memory_space<vmem>>
    %dma_wait3A_162 = arith.constant 0 : i32
    %dma_wait3A_163 = tpu.memref_slice %arg4[%dma_wait3A_162] : memref<8388608xf32, #tpu.memory_space<hbm>> -> memref<16384xf32, #tpu.memory_space<hbm>>
    %dma_wait3A_164 = arith.constant 0 : i32
    %dma_wait3A_165 = tpu.memref_slice %arg4[%dma_wait3A_164] : memref<8388608xf32, #tpu.memory_space<hbm>> -> memref<16384xf32, #tpu.memory_space<hbm>>
    %dma_wait3A_166 = arith.constant 0 : i32
    %dma_wait3A_167 = tpu.memref_slice %arg7[%dma_wait3A_158, %dma_wait3A_166] : memref<2x16384xf32, #tpu.memory_space<vmem>> -> memref<1x16384xf32, #tpu.memory_space<vmem>>
    %dma_wait3A_168 = tpu.memref_squeeze %dma_wait3A_167 : memref<1x16384xf32, #tpu.memory_space<vmem>> -> memref<16384xf32, #tpu.memory_space<vmem>>
    tpu.wait_dma2 semaphore(%arg11 : memref<!tpu.dma_semaphore, #tpu.memory_space<semaphore_mem>>) src(%dma_wait3A_168 : memref<16384xf32, #tpu.memory_space<vmem>>) dst(%dma_wait3A_165 : memref<16384xf32, #tpu.memory_space<hbm>>)
    return
  }
}

</mosaic_0001>

<sc_bundles>
// kernel: _sc_lookup.3.cloned.1.call-start
scs
__scs_entry_jumppad:
0x0: {  	(pc) =	sbr.rel $0x88, $3  }
0x1: {  	(tag) =	ssettag $0x0;
	lr =	simm.s32 $0x1  }
0x2: {  	[smem:$0x3F9F] =	sst lr;
	_ =	strace $0xD0000000  }
0x3: {  	_ = 	snop  }
0x4: {  	_ = 	snop  }
0x5: {  	_ = 	snop  }
0x6: {  	_ = 	snop  }
0x7: {  	_ = 	snop  }
__scs_overlays_trampoline_lowered:
0x8: {  	[smem:$0x3FAE] =	sst s0  }
0x9: {  	[smem:$0x3FAF] =	sst s1  }
0xa: {  	[smem:$0x3FB0] =	sst s2  }
0xb: {  	[smem:$0x3FB1] =	sst s3  }
0xc: {  	[smem:$0x3FB2] =	sst s4  }
0xd: {  	[smem:$0x3FB3] =	sst s5  }
0xe: {  	[smem:$0x3FB4] =	sst s6  }
0xf: {  	[smem:$0x3FB5] =	sst s7  }
0x10: {  	[smem:$0x3FB6] =	sst s8  }
0x11: {  	[smem:$0x3FB7] =	sst s9;
	s0 =	simm.s32 @!p0 $0x0  }
0x12: {  	s1 =	sld [smem:$0x3F9D];
	s0 =	simm.s32 @p0 $0x1  }
0x13: {  	[smem:$0x3FB8] =	sst s0;
	s0 =	simm.s32 @!p1 $0x0  }
0x14: {  	s2 =	sld [smem:$0x3F9C];
	s0 =	simm.s32 @p1 $0x1  }
0x15: {  	[smem:$0x3FB9] =	sst s0;
	s0 =	simm.s32 @!p2 $0x0  }
0x16: {  	s3 =	sld [smem:$0x3FDB];
	s0 =	simm.s32 @p2 $0x1  }
0x17: {  	s4 =	simm.s32 $0x1BF5;
	[smem:$0x3FBB] =	sst s0  }
0x18: {  	s0 =	sld [smem:$0x3F9E];
	_ =	swait.ge [sflag:s4], $0x0  }
0x19: {  	s7 =	sld [smem:$0x3F9F]  }
0x1a: {  	s8 =	sadd.s32 $0xFFFFE003, lr  }
0x1b: {  	s9 =	sadd.s32 $0xFFFFFEF7, lr;
	s5 =	simm.s32 $0xFFFFFFFF;
	p2 =	slt.u32 s8, $0xFFFFF086  }
0x1c: {  	p1 =	slt.u32 s9, $0xF7A;
	s5 =	simm.s32 @!p2 $0x0  }
0x1d: {  	s5 =	simm.s32 @p1 $0x1;
	p0 =	seq.s32 s7, s2  }
0x1e: {  	s7 =	smul.u32 @!p0 $0xF7A, s2;
	p2 =	seq.s32 @!p0 s5, $0x0  }
0x1f: {  	s9 =	smul.u32 $0xF7A, s1;
	s8 =	simm.s32 @!p0 $0x1BF5;
	p2 =	por !p2, p0  }
0x20: {  	[sflag:s8] =	ssyncset.s32 @!p0 $0xFFFFF086;
	s6 =	sadd.s32 @!p0 s3, s7;
	s7 =	simm.s32 @!p0 $0x108  }
0x21: {  	s3 =	sadd.s32 s3, s9;
	s6 =	sadd.s32 @!p0 $0x88, s6;
	s7 =	simm.s32 @p2 $0x1082  }
0x22: {  	[simem:s7], [sflag:s8] =	dma.local @!p0 [hbm:s6], $0xF7A  }
0x23: {  	s9 =	sor.u32 $0xD0000000, s2;
	s6 =	simm.s32 $0x108;
	_ =	swait.ge @!p0 [sflag:s8], $0x0  }
0x24: {  	s3 =	sadd.s32 $0x88, s3;
	s6 =	simm.s32 @!p1 $0x1082;
	[sflag:s4] =	ssyncset.s32 $0xFFFFF086  }
0x25: {  	[simem:s6], [sflag:s4] =	dma.local [hbm:s3], $0xF7A  }
0x26: {  	[smem:$0x3F9F] =	sst s1;
	(tag) =	ssettag s2;
	_ =	strace s9  }
0x27: {  	s1 =	sld [smem:$0x3FAF]  }
0x28: {  	s2 =	sld [smem:$0x3FB0]  }
0x29: {  	s4 =	sld [smem:$0x3FB2]  }
0x2a: {  	p0 =	seq.s32 s5, $0x0;
	s5 =	sld [smem:$0x3FB3]  }
0x2b: {  	s6 =	sld [smem:$0x3FB4]  }
0x2c: {  	s7 =	sld [smem:$0x3FB5]  }
0x2d: {  	s3 =	simm.s32 $0x108;
	s8 =	sld [smem:$0x3FB6]  }
0x2e: {  	s3 =	simm.s32 @!p0 $0x1082;
	s9 =	sld [smem:$0x3FB7]  }
0x2f: {  	lr =	sadd.s32 s0, s3;
	s0 =	sld [smem:$0x3FAE]  }
0x30: {  	s3 =	sld [smem:$0x3FB1]  }
0x31: {  	[smem:$0x3FBA] =	sst s10  }
0x32: {  	s10 =	sld [smem:$0x3FB8];
	_ =	sdelay $0x3  }
0x33: {  	p0 =	seq.s32 s10, $0x1;
	s10 =	sld [smem:$0x3FBA];
	_ =	sdelay $0x3  }
0x34: {  	[smem:$0x3FBA] =	sst s10  }
0x35: {  	s10 =	sld [smem:$0x3FB9];
	_ =	sdelay $0x3  }
0x36: {  	p1 =	seq.s32 s10, $0x1;
	s10 =	sld [smem:$0x3FBA];
	_ =	sdelay $0x3  }
0x37: {  	[smem:$0x3FBA] =	sst s10  }
0x38: {  	s10 =	sld [smem:$0x3FBB]  }
0x39: {  	_ = 	snop;
	(pc) =	sbr.ind lr, $3  }
0x3a: {  	_ = 	snop  }
0x3b: {  	_ = 	snop  }
0x3c: {  	p2 =	seq.s32 s10, $0x1;
	s10 =	sld [smem:$0x3FBA]  }
0x3d: {  	_ =	shalt  }
0x3e: {  	_ =	shalt  }
0x3f: {  	_ =	shalt  }
0x40: {  	_ =	shalt  }
0x41: {  	_ =	shalt  }
0x42: {  	_ =	shalt  }
0x43: {  	_ =	shalt  }
0x44: {  	_ =	shalt  }
0x45: {  	_ =	shalt  }
0x46: {  	_ =	shalt  }
0x47: {  	_ =	shalt  }
0x48: {  	_ =	shalt  }
0x49: {  	_ =	shalt  }
0x4a: {  	_ =	shalt  }
0x4b: {  	_ =	shalt  }
0x4c: {  	_ =	shalt  }
0x4d: {  	_ =	shalt  }
0x4e: {  	_ =	shalt  }
0x4f: {  	_ =	shalt  }
0x50: {  	_ =	shalt  }
0x51: {  	_ =	shalt  }
0x52: {  	_ =	shalt  }
0x53: {  	_ =	shalt  }
0x54: {  	_ =	shalt  }
0x55: {  	_ =	shalt  }
0x56: {  	_ =	shalt  }
0x57: {  	_ =	shalt  }
0x58: {  	_ =	shalt  }
0x59: {  	_ =	shalt  }
0x5a: {  	_ =	shalt  }
0x5b: {  	_ =	shalt  }
0x5c: {  	_ =	shalt  }
0x5d: {  	_ =	shalt  }
0x5e: {  	_ =	shalt  }
0x5f: {  	_ =	shalt  }
0x60: {  	_ =	shalt  }
0x61: {  	_ =	shalt  }
0x62: {  	_ =	shalt  }
0x63: {  	_ =	shalt  }
0x64: {  	_ =	shalt  }
0x65: {  	_ =	shalt  }
0x66: {  	_ =	shalt  }
0x67: {  	_ =	shalt  }
0x68: {  	_ =	shalt  }
0x69: {  	_ =	shalt  }
0x6a: {  	_ =	shalt  }
0x6b: {  	_ =	shalt  }
0x6c: {  	_ =	shalt  }
0x6d: {  	_ =	shalt  }
0x6e: {  	_ =	shalt  }
0x6f: {  	_ =	shalt  }
0x70: {  	_ =	shalt  }
0x71: {  	_ =	shalt  }
0x72: {  	_ =	shalt  }
0x73: {  	_ =	shalt  }
0x74: {  	_ =	shalt  }
0x75: {  	_ =	shalt  }
0x76: {  	_ =	shalt  }
0x77: {  	_ =	shalt  }
0x78: {  	_ =	shalt  }
0x79: {  	_ =	shalt  }
0x7a: {  	_ =	shalt  }
0x7b: {  	_ =	shalt  }
0x7c: {  	_ =	shalt  }
0x7d: {  	_ =	shalt  }
0x7e: {  	_ =	shalt  }
0x7f: {  	_ =	shalt  }
0x80: {  	_ =	shalt  }
0x81: {  	_ =	shalt  }
0x82: {  	_ =	shalt  }
0x83: {  	_ =	shalt  }
0x84: {  	_ =	shalt  }
0x85: {  	_ =	shalt  }
0x86: {  	_ =	shalt  }
0x87: {  	_ =	shalt  }
.Lfunc_end0:
.L_simem_size_0:
called_computation_lowered:
.L_overlay_start_0:
0x88: {  	s2 =	sld [smem:$0x3FD9]  }
0x89: {  	s3 =	sld [smem:$0x3FFE];
	_ =	sdelay $0x1  }
0x8a: {  	s1 =	srdreg.scid  }
0x8b: {  	s0 =	sand.u32 $0x1, s1  }
0x8c: {  	s18 =	sshll.u32 s0, $0xA;
	s2 =	sadd.s32 s3, s2  }
0x8d: {  	s2 =	sadd.s32 s2, s18  }
0x8e: {  	[smem:$0x3FC6] =	sst s2  }
0x8f: {  	_ = 	snop  }
0x90: {  	s2 =	sld [smem:$0x3FC9]  }
0x91: {  	s19 =	sld [smem:$0x3FC8]  }
0x92: {  	s4 =	sld [smem:$0x3FD0];
	(tm) =	ssettm $0x1  }
0x93: {  	s5 =	sld [smem:$0x3FFB];
	_ =	sdelay $0x3  }
0x94: {  	_ =	strace s5  }
0x95: {  	s5 =	sld [smem:$0x3FFC];
	_ =	sdelay $0x3  }
0x96: {  	_ =	strace s5  }
0x97: {  	s5 =	sld [smem:$0x3FFD];
	_ =	sdelay $0x3  }
0x98: {  	_ =	strace s5  }
0x99: {  	_ =	strace $0x8FFFFFFF  }
0x9a: {  	s20 =	sld [smem:$0x3FDB];
	_ =	sdelay $0x1  }
0x9b: {  	s6 =	simm.s32 $_scs_section_size  }
0x9c: {  	s7 =	simm.s32 $_size__tile_overlayer_lowered;
	s8 =	simm.s32 $_tile_overlayer_lowered  }
0x9d: {  	s23 =	simm.s32 $0x1BFF;
	s22 =	sshll.u32 s8, $0x1;
	s5 =	sadd.s32 s6, s20  }
0x9e: {  	s9 =	simm.s32 $0x0;
	s21 =	sshll.u32 s7, $0x1;
	s7 =	sadd.s32 s22, s5  }
0x9f: {  	[timem:s9], [sflag:s23] =	dma.local [hbm:s7], s21  }
0xa0: {  	_ =	swait.ge [sflag:s23], s21  }
0xa1: {  	s6 =	ssub.s32 $0x0, s21;
	[sflag:s23] =	ssyncset.done $0x0  }
0xa2: {  	[sflag:s23] =	ssyncadd.s32 s6;
	_ =	sdelay $0x1  }
0xa3: {  	s24 =	simm.s32 $0x1B8B  }
0xa4: {  	_ =	swait.ge [sflag:s24], $0x1  }
0xa5: {  	[sflag:s24] =	ssyncset.done $0x0  }
0xa6: {  	s25 =	simm.s32 $0x1B8E;
	[sflag:s24] =	ssyncadd.s32 $0xFFFFFFFF  }
0xa7: {  	s26 =	simm.s32 $execute0_lowered;
	[smem:$0x3FD2] =	sst s25  }
0xa8: {  	s6 =	sshll.u32 s26, $0x1;
	_ =	strace $0x80000046;
	[dreg:$0x1] =	wrdreg $0xFFFFFFFF  }
0xa9: {  	s28 =	simm.s32 $_size_execute0_lowered;
	s5 =	sadd.s32 s5, s6;
	[dreg:$0x0] =	wrdreg $0x0  }
0xaa: {  	s6 =	sshll.u32 s28, $0x1;
	[dreg:$0x2] =	wrdreg s5  }
0xab: {  	[dreg:$0x3] =	wrdreg s6  }
0xac: {  	[dreg:$0x4] =	wrdreg $0xC0  }
0xad: {  	_ =	task [dreg:s9], $0x5FFFF  }
0xae: {  	[dreg:$0x1] =	wrdreg $0xFFFFFFFF  }
0xaf: {  	[dreg:$0x0] =	wrdreg $0x60  }
0xb0: {  	[dreg:$0x2] =	wrdreg s2  }
0xb1: {  	[dreg:$0x3] =	wrdreg s19  }
0xb2: {  	[dreg:$0x4] =	wrdreg s4  }
0xb3: {  	[dreg:$0x5] =	wrdreg $0x9  }
0xb4: {  	_ =	task.clear_ibuf [dreg:s9], $0x6FFFF;
	_ =	strace $0x90000046  }
0xb5: {  	s29 =	simm.s32 $0x9;
	_ =	strace $0x80000048  }
0xb6: {  	_ =	swait.ge [sflag:s29], $0x1  }
0xb7: {  	[sflag:s29] =	ssyncadd.s32 $0xFFFFFFFF  }
0xb8: {  	_ =	strace $0x90000048  }
0xb9: {  	_ =	sfence  }
0xba: {  	s30 =	sld [smem:$0x0];
	_ =	sdelay $0x2  }
0xbb: {  	s31 =	sshll.u32 s1, $0xD;
	s1 =	sshrl.u32 s1, $0x2  }
0xbc: {  	s3 =	sand.u32 $0x4000, s31;
	s1 =	sadd.s32 s1, s30  }
0xbd: {  	s0 =	sor.u32 s3, s0;
	s1 =	sshll.u32 s1, $0x11  }
0xbe: {  	s0 =	sor.u32 s1, s0  }
0xbf: {  	s0 =	sadd.s32 $0x8F2B, s0  }
0xc0: {  	[sflag:s0] =	ssyncadd.remote.s32 $0x1  }
0xc1: {  	_ =	sfence.sel $0xFFFF  }
0xc2: {  	[dreg:$0x0] =	wrdreg $0xFFFFFFFF;
	(pc) =	sbr.abs _section_cstart, $3  }
0xc3: {  	[dreg:$0x1] =	wrdreg $0xFFFFFFFF  }
0xc4: {  	_ =	task.clear_ibuf [dreg:s9], $0x2FFFF;
	_ =	strace $0x9FFFFFFF  }
0xc5: {  	(tm) =	ssettm $0x7FFFFFFF  }
tec
execute0_lowered:
.L_overlay_start_1:
0x0: {  	(tag) =	ssettag $0x1  }
0x1: {  	s1 =	rddreg [dreg:$0x0]  }
0x2: {  	s0 =	srdreg.scid;
	s2 =	stileid.u32  }
0x3: {  	s4 =	rddreg [dreg:$0x2];
	s5 =	simm.s32 $0x0;
	s16 =	simm.s32 $0x800  }
0x4: {  	s17 =	simm.s32 $0x8800;
	s18 =	simm.s32 $0x5;
	s19 =	simm.s32 $0x1  }
0x5: {  	s20 =	simm.s32 $0x10800;
	s21 =	simm.s32 $0x2;
	s22 =	simm.s32 $0x14800  }
0x6: {  	s23 =	simm.s32 $0x3;
	s24 =	simm.s32 $0x4;
	s25 =	simm.s32 $0x0  }
0x7: {  	s0 =	sand.u32 $0x1, s0;
	s2 =	sshll.u32 s2, $0x1;
	[smem:$0x7FF] =	sst s5  }
0x8: {  	s2 =	sor.u32 s0, s2;
	s0 =	ssub.s32 $0x2, s0;
	_ =	strace $0x80000047  }
0x9: {  	s6 =	sshll.u32 s2, $0xB;
	s3 =	sshrl.u32 s0, $0x1;
	s30 =	sshll.u32 s2, $0x10  }
.Ltmp0:
0xa: {  	s2 =	sshll.u32 s2, $0xF;
	s11 =	sor.u32 $0x80, s6;
	(pc) =	sbr.rel .LBB2_1-.Ltmp0, $4  }
0xb: {  	s0 =	ssub.s32 s0, s3;
	s7 =	sadd.s32 s1, s30;
	s9 =	sadd.s32 s4, s2  }
0xc: {  	s13 =	sor.u32 $0x100, s6;
	s14 =	sor.u32 $0x180, s6;
	s8 =	sshll.u32 s11, $0x5  }
0xd: {  	s10 =	sadd.s32 $0x2000, s7;
	s31 =	sshll.u32 s11, $0x4;
	s12 =	sadd.s32 $0x3000, s7  }
0xe: {  	s15 =	smax.u32 s0, $0x1;
	s8 =	sadd.s32 s1, s8;
	s11 =	sadd.s32 s4, s31  }
.LBB2_12:
0xf: {  	s25 =	sadd.s32 $0x1, s25  }
0x10: {  	_ =	swait.ge [sflag:s23], $0x4000;
	p0 =	sne.s32 s25, s15  }
.Ltmp1:
0x11: {  	[sflag:s23] =	ssyncset.done $0x0;
	(pc) =	sbr.rel @!p0 .LBB2_13-.Ltmp1, $4  }
0x12: {  	[sflag:s23] =	ssyncadd.s32 $0xFFFFC000  }
0x13: {  	_ =	swait.ge [sflag:s24], $0x4000  }
0x14: {  	[sflag:s24] =	ssyncset.done $0x0  }
0x15: {  	s16 =	simm.s32 $0x800;
	[sflag:s24] =	ssyncadd.s32 $0xFFFFC000  }
.LBB2_1:
0x16: {  	[tilespmem:s16], [sflag:$0x1] =	stream.linear.gather [hbm4b:s7+s5], $0x8000, $0x38;
	[tilespmem:$0x18800] =	vst v63  }
0x17: {  	_ = 	snop  }
0x18: {  	[tilespmem:s17], [sflag:$0x2] =	stream.linear.gather [hbm4b:s8+s5], $0x8000, $0x38;
	[tilespmem:$0x18800] =	vst v63  }
0x19: {  	s0 =	rddreg [dreg:$0x1]  }
0x1a: {  	[tilespmem:s5], [sflag:$0x5] =	stream.linear.gather [hbm4b:s0+s5], $0x800, $0x38;
	[tilespmem:$0x18800] =	vst v63  }
0x1b: {  	_ =	swait.ge [sflag:s18], $0x800  }
0x1c: {  	[sflag:s18] =	ssyncset.done $0x0  }
0x1d: {  	[sflag:s18] =	ssyncadd.s32 $0xFFFFF800  }
0x1e: {  	_ =	swait.ge [sflag:s19], $0x8000  }
0x1f: {  	[sflag:s19] =	ssyncset.done $0x0  }
0x20: {  	s28 =	simm.s32 $0xA00;
	[sflag:s19] =	ssyncadd.s32 $0xFFFF8000  }
0x21: {  	v0 =	vld [tilespmem:s28+$0x100]  }
0x22: {  	v1 =	vld [tilespmem:s28+$0x180];
	_ =	sdelay $0x4  }
0x23: {  	v0 =	vsub.s32 v1, v0  }
0x24: {  	vm0 =	vgt.s32 v0, $0x0  }
0x25: {  	v0 =	vnsel vm0, $0x0, v0  }
0x26: {  	v0 =	vmin.u32 v0, $0x7FF  }
0x27: {  	v2 =	vld [tilespmem:s28+$0xFFFFFF80]  }
0x28: {  	v1 =	vld [tilespmem:s28+$0xFFFFFF00]  }
0x29: {  	v3 =	vld [tilespmem:s28+$0x0]  }
0x2a: {  	v4 =	vld [tilespmem:s28+$0x80]  }
0x2b: {  	v0 =	vld.idx.msk [tilespmem:v0+s5+$0x0], $0xffff  }
0x2c: {  	v5 =	vld [tilespmem:s28+$0xFFFFFE80]  }
0x2d: {  	v6 =	vld [tilespmem:s28+$0xFFFFFE00];
	v1 =	vsub.s32 v2, v1  }
0x2e: {  	vm8 =	vgt.s32 v1, $0x0  }
0x2f: {  	s26 =	simm.s32 $0x10900;
	v2 =	vsub.s32 v4, v3;
	v1 =	vnsel vm8, $0x0, v1  }
0x30: {  	vm9 =	vgt.s32 v2, $0x0;
	v1 =	vmin.u32 v1, $0x7FF;
	[tilespmem:s26+$0x80] =	vst v0  }
0x31: {  	v0 =	vnsel vm9, $0x0, v2;
	v2 =	vld [tilespmem:s28+$0x110]  }
0x32: {  	v3 =	vsub.s32 v5, v6;
	v0 =	vmin.u32 v0, $0x7FF;
	v4 =	vld [tilespmem:s28+$0x190]  }
0x33: {  	vm10 =	vgt.s32 v3, $0x0  }
0x34: {  	v3 =	vnsel vm10, $0x0, v3  }
0x35: {  	v3 =	vmin.u32 v3, $0x7FF;
	v1 =	vld.idx.msk [tilespmem:v1+s5+$0x0], $0xffff;
	_ =	sdelay $0x1  }
0x36: {  	v0 =	vld.idx.msk [tilespmem:v0+s5+$0x0], $0xffff;
	v2 =	vsub.s32 v4, v2  }
0x37: {  	vm11 =	vgt.s32 v2, $0x0  }
0x38: {  	v2 =	vnsel vm11, $0x0, v2  }
0x39: {  	v3 =	vld.idx.msk [tilespmem:v3+s5+$0x0], $0xffff;
	[tilespmem:s26+$0xFFFFFF80] =	vst v1;
	v1 =	vmin.u32 v2, $0x7FF  }
0x3a: {  	v4 =	vld [tilespmem:s28+$0xFFFFFF90]  }
0x3b: {  	v2 =	vld [tilespmem:s28+$0xFFFFFF10];
	[tilespmem:s26+$0x0] =	vst v0  }
0x3c: {  	v0 =	vld [tilespmem:s28+$0x10]  }
0x3d: {  	v5 =	vld [tilespmem:s28+$0x90]  }
0x3e: {  	[tilespmem:s26+$0xFFFFFF00] =	vst v3;
	v1 =	vld.idx.msk [tilespmem:v1+s5+$0x0], $0xffff  }
0x3f: {  	v3 =	vld [tilespmem:s28+$0xFFFFFE10]  }
0x40: {  	v2 =	vsub.s32 v4, v2;
	v4 =	vld [tilespmem:s28+$0xFFFFFE90]  }
0x41: {  	vm12 =	vgt.s32 v2, $0x0  }
0x42: {  	v2 =	vnsel vm12, $0x0, v2;
	v0 =	vsub.s32 v5, v0  }
0x43: {  	v2 =	vmin.u32 v2, $0x7FF;
	vm13 =	vgt.s32 v0, $0x0;
	[tilespmem:s26+$0x90] =	vst v1  }
0x44: {  	v0 =	vnsel vm13, $0x0, v0;
	v1 =	vld [tilespmem:s28+$0x120]  }
0x45: {  	v3 =	vsub.s32 v4, v3;
	v0 =	vmin.u32 v0, $0x7FF;
	v4 =	vld [tilespmem:s28+$0x1A0]  }
0x46: {  	vm14 =	vgt.s32 v3, $0x0  }
0x47: {  	v3 =	vnsel vm14, $0x0, v3  }
0x48: {  	v2 =	vld.idx.msk [tilespmem:v2+s5+$0x0], $0xffff;
	v3 =	vmin.u32 v3, $0x7FF;
	_ =	sdelay $0x1  }
0x49: {  	v0 =	vld.idx.msk [tilespmem:v0+s5+$0x0], $0xffff;
	v1 =	vsub.s32 v4, v1  }
0x4a: {  	vm15 =	vgt.s32 v1, $0x0  }
0x4b: {  	v1 =	vnsel vm15, $0x0, v1  }
0x4c: {  	[tilespmem:s26+$0xFFFFFF90] =	vst v2;
	v2 =	vld.idx.msk [tilespmem:v3+s5+$0x0], $0xffff;
	v1 =	vmin.u32 v1, $0x7FF  }
0x4d: {  	v3 =	vld [tilespmem:s28+$0xFFFFFF20]  }
0x4e: {  	[tilespmem:s26+$0x10] =	vst v0;
	v0 =	vld [tilespmem:s28+$0xFFFFFFA0]  }
0x4f: {  	v4 =	vld [tilespmem:s28+$0x20]  }
0x50: {  	v5 =	vld [tilespmem:s28+$0xA0]  }
0x51: {  	[tilespmem:s26+$0xFFFFFF10] =	vst v2;
	v1 =	vld.idx.msk [tilespmem:v1+s5+$0x0], $0xffff  }
0x52: {  	v2 =	vld [tilespmem:s28+$0xFFFFFE20]  }
0x53: {  	v6 =	vld [tilespmem:s28+$0xFFFFFEA0];
	_ =	sdelay $0x1  }
0x54: {  	v0 =	vsub.s32 v0, v3  }
0x55: {  	vm4 =	vgt.s32 v0, $0x0;
	[tilespmem:s26+$0xA0] =	vst v1  }
0x56: {  	v0 =	vnsel vm4, $0x0, v0;
	v1 =	vld [tilespmem:s28+$0x130]  }
0x57: {  	v3 =	vsub.s32 v5, v4;
	v0 =	vmin.u32 v0, $0x7FF;
	v2 =	vsub.s32 v6, v2;
	v4 =	vld [tilespmem:s28+$0x1B0]  }
0x58: {  	vm6 =	vgt.s32 v2, $0x0  }
0x59: {  	v2 =	vnsel vm6, $0x0, v2  }
0x5a: {  	vm5 =	vgt.s32 v3, $0x0;
	v2 =	vmin.u32 v2, $0x7FF  }
0x5b: {  	v3 =	vnsel vm5, $0x0, v3  }
0x5c: {  	v3 =	vmin.u32 v3, $0x7FF;
	v0 =	vld.idx.msk [tilespmem:v0+s5+$0x0], $0xffff;
	v1 =	vsub.s32 v4, v1  }
0x5d: {  	vm7 =	vgt.s32 v1, $0x0  }
0x5e: {  	v1 =	vnsel vm7, $0x0, v1  }
0x5f: {  	v2 =	vld.idx.msk [tilespmem:v2+s5+$0x0], $0xffff;
	v1 =	vmin.u32 v1, $0x7FF;
	_ =	sdelay $0x1  }
0x60: {  	v3 =	vld.idx.msk [tilespmem:v3+s5+$0x0], $0xffff;
	[tilespmem:s26+$0xFFFFFFA0] =	vst v0  }
0x61: {  	v0 =	vld [tilespmem:s28+$0xFFFFFF30]  }
0x62: {  	v4 =	vld [tilespmem:s28+$0xFFFFFFB0]  }
0x63: {  	[tilespmem:s26+$0xFFFFFF20] =	vst v2;
	v1 =	vld.idx.msk [tilespmem:v1+s5+$0x0], $0xffff  }
0x64: {  	v2 =	vld [tilespmem:s28+$0xFFFFFE30]  }
0x65: {  	v5 =	vld [tilespmem:s28+$0xFFFFFEB0];
	_ =	sdelay $0x1  }
0x66: {  	[tilespmem:s26+$0x20] =	vst v3  }
0x67: {  	v3 =	vld [tilespmem:s28+$0x30];
	v0 =	vsub.s32 v4, v0  }
0x68: {  	v4 =	vld [tilespmem:s28+$0xB0];
	vm8 =	vgt.s32 v0, $0x0;
	[tilespmem:s26+$0xB0] =	vst v1  }
0x69: {  	v0 =	vnsel vm8, $0x0, v0;
	v2 =	vsub.s32 v5, v2;
	v1 =	vld [tilespmem:s28+$0x140]  }
0x6a: {  	v0 =	vmin.u32 v0, $0x7FF;
	v5 =	vld [tilespmem:s28+$0x1C0];
	vm9 =	vgt.s32 v2, $0x0  }
0x6b: {  	s29 =	simm.s32 $0xE00;
	v2 =	vnsel vm9, $0x0, v2  }
0x6c: {  	v7 =	vld [tilespmem:s29+$0xFFFFFF80];
	v2 =	vmin.u32 v2, $0x7FF  }
0x6d: {  	v6 =	vld [tilespmem:s29+$0xFFFFFF00]  }
0x6e: {  	v3 =	vsub.s32 v4, v3;
	v4 =	vld [tilespmem:s29+$0x100]  }
0x6f: {  	vm10 =	vgt.s32 v3, $0x0;
	v0 =	vld.idx.msk [tilespmem:v0+s5+$0x0], $0xffff;
	v1 =	vsub.s32 v5, v1  }
0x70: {  	v3 =	vnsel vm10, $0x0, v3;
	v5 =	vld [tilespmem:s29+$0x180];
	vm11 =	vgt.s32 v1, $0x0  }
0x71: {  	v3 =	vmin.u32 v3, $0x7FF;
	v1 =	vnsel vm11, $0x0, v1;
	v2 =	vld.idx.msk [tilespmem:v2+s5+$0x0], $0xffff  }
0x72: {  	v8 =	vld [tilespmem:s29+$0x0];
	v1 =	vmin.u32 v1, $0x7FF  }
0x73: {  	v10 =	vld [tilespmem:s29+$0xFFFFFE80]  }
0x74: {  	v11 =	vld [tilespmem:s29+$0xFFFFFE00];
	v6 =	vsub.s32 v7, v6  }
0x75: {  	vm13 =	vgt.s32 v6, $0x0;
	[tilespmem:s26+$0xFFFFFFB0] =	vst v0;
	v4 =	vsub.s32 v5, v4;
	v5 =	vld [tilespmem:s29+$0x80]  }
0x76: {  	v0 =	vld.idx.msk [tilespmem:v3+s5+$0x0], $0xffff;
	[tilespmem:s26+$0xFFFFFF30] =	vst v2;
	v2 =	vnsel vm13, $0x0, v6  }
0x77: {  	v1 =	vld.idx.msk [tilespmem:v1+s5+$0x0], $0xffff;
	v2 =	vmin.u32 v2, $0x7FF  }
0x78: {  	v3 =	vld [tilespmem:s28+$0xFFFFFF40]  }
0x79: {  	v9 =	vld [tilespmem:s28+$0xFFFFFFC0]  }
0x7a: {  	vm12 =	vgt.s32 v4, $0x0;
	v6 =	vld [tilespmem:s28+$0xFFFFFE40];
	v5 =	vsub.s32 v5, v8  }
0x7b: {  	v4 =	vnsel vm12, $0x0, v4;
	[tilespmem:s26+$0x30] =	vst v0;
	v0 =	vld [tilespmem:s28+$0xFFFFFEC0];
	vm14 =	vgt.s32 v5, $0x0  }
0x7c: {  	v5 =	vnsel vm14, $0x0, v5;
	[tilespmem:s26+$0xC0] =	vst v1;
	v1 =	vmin.u32 v4, $0x7FF;
	v2 =	vld.idx.msk [tilespmem:v2+s5+$0x0], $0xffff  }
0x7d: {  	v8 =	vsub.s32 v10, v11;
	v5 =	vmin.u32 v5, $0x7FF;
	v4 =	vld [tilespmem:s28+$0x150]  }
0x7e: {  	vm1 =	vgt.s32 v8, $0x0;
	v7 =	vld [tilespmem:s28+$0x1D0]  }
0x7f: {  	v8 =	vnsel vm1, $0x0, v8  }
0x80: {  	v47 =	vld [tilespmem:s28+$0xC0];
	v8 =	vmin.u32 v8, $0x7FF  }
0x81: {  	s2 =	simm.s32 $0x10B00;
	v3 =	vsub.s32 v9, v3;
	v1 =	vld.idx.msk [tilespmem:v1+s5+$0x0], $0xffff  }
0x82: {  	vm15 =	vgt.s32 v3, $0x0;
	v0 =	vsub.s32 v0, v6;
	v5 =	vld.idx.msk [tilespmem:v5+s5+$0x0], $0xffff;
	[tilespmem:s2+$0xFFFFFF80] =	vst v2  }
0x83: {  	v3 =	vnsel vm15, $0x0, v3;
	vm5 =	vgt.s32 v0, $0x0;
	v4 =	vsub.s32 v7, v4;
	v2 =	vld [tilespmem:s29+$0xFFFFFF10]  }
0x84: {  	v3 =	vmin.u32 v3, $0x7FF;
	v0 =	vnsel vm5, $0x0, v0;
	v48 =	vld [tilespmem:s29+$0xFFFFFF90];
	vm4 =	vgt.s32 v4, $0x0  }
0x85: {  	v0 =	vmin.u32 v0, $0x7FF;
	v8 =	vld.idx.msk [tilespmem:v8+s5+$0x0], $0xffff;
	v4 =	vnsel vm4, $0x0, v4  }
0x86: {  	v7 =	vld [tilespmem:s28+$0x40];
	v4 =	vmin.u32 v4, $0x7FF;
	[tilespmem:s2+$0x80] =	vst v1  }
0x87: {  	v1 =	vld [tilespmem:s29+$0x110]  }
0x88: {  	v6 =	vld [tilespmem:s29+$0x190]  }
0x89: {  	v3 =	vld.idx.msk [tilespmem:v3+s5+$0x0], $0xffff;
	v2 =	vsub.s32 v48, v2  }
0x8a: {  	v0 =	vld.idx.msk [tilespmem:v0+s5+$0x0], $0xffff;
	vm8 =	vgt.s32 v2, $0x0  }
0x8b: {  	[tilespmem:s2+$0x0] =	vst v5;
	v2 =	vnsel vm8, $0x0, v2;
	v4 =	vld.idx.msk [tilespmem:v4+s5+$0x0], $0xffff  }
0x8c: {  	v5 =	vsub.s32 v47, v7;
	v7 =	vld [tilespmem:s29+$0x90];
	v2 =	vmin.u32 v2, $0x7FF  }
0x8d: {  	[tilespmem:s2+$0xFFFFFF00] =	vst v8;
	v1 =	vsub.s32 v6, v1;
	v6 =	vld [tilespmem:s29+$0x10]  }
0x8e: {  	[tilespmem:s26+$0xFFFFFFC0] =	vst v3;
	v8 =	vld [tilespmem:s29+$0xFFFFFE10];
	vm6 =	vgt.s32 v1, $0x0  }
0x8f: {  	v52 =	vld [tilespmem:s28+$0xFFFFFFD0];
	vm7 =	vgt.s32 v5, $0x0;
	v1 =	vnsel vm6, $0x0, v1  }
0x90: {  	v5 =	vnsel vm7, $0x0, v5;
	v1 =	vmin.u32 v1, $0x7FF;
	[tilespmem:s26+$0xD0] =	vst v4;
	v4 =	vld [tilespmem:s29+$0xFFFFFE90]  }
0x91: {  	v5 =	vmin.u32 v5, $0x7FF;
	v2 =	vld.idx.msk [tilespmem:v2+s5+$0x0], $0xffff  }
0x92: {  	v49 =	vld [tilespmem:s28+$0x160];
	v6 =	vsub.s32 v7, v6  }
0x93: {  	[tilespmem:s26+$0xFFFFFF40] =	vst v0;
	v50 =	vld [tilespmem:s28+$0x1E0];
	vm9 =	vgt.s32 v6, $0x0  }
0x94: {  	v3 =	vld [tilespmem:s28+$0xFFFFFED0];
	v0 =	vnsel vm9, $0x0, v6  }
0x95: {  	v1 =	vld.idx.msk [tilespmem:v1+s5+$0x0], $0xffff;
	v4 =	vsub.s32 v4, v8;
	v0 =	vmin.u32 v0, $0x7FF  }
0x96: {  	v5 =	vld.idx.msk [tilespmem:v5+s5+$0x0], $0xffff;
	vm10 =	vgt.s32 v4, $0x0  }
0x97: {  	v7 =	vld [tilespmem:s28+$0xFFFFFF50];
	v4 =	vnsel vm10, $0x0, v4  }
0x98: {  	v6 =	vld [tilespmem:s28+$0xFFFFFE50];
	[tilespmem:s2+$0xFFFFFF90] =	vst v2;
	v8 =	vsub.s32 v50, v49;
	v4 =	vmin.u32 v4, $0x7FF  }
0x99: {  	v53 =	vld [tilespmem:s29+$0xFFFFFFA0];
	vm11 =	vgt.s32 v8, $0x0  }
0x9a: {  	v8 =	vnsel vm11, $0x0, v8;
	[tilespmem:s2+$0x90] =	vst v1;
	v0 =	vld.idx.msk [tilespmem:v0+s5+$0x0], $0xffff  }
0x9b: {  	v8 =	vmin.u32 v8, $0x7FF;
	v1 =	vld [tilespmem:s29+$0x120]  }
0x9c: {  	v51 =	vld [tilespmem:s29+$0x1A0]  }
0x9d: {  	[tilespmem:s26+$0x40] =	vst v5;
	v2 =	vld.idx.msk [tilespmem:v4+s5+$0x0], $0xffff  }
0x9e: {  	v55 =	vld [tilespmem:s28+$0xD0]  }
0x9f: {  	v4 =	vld [tilespmem:s29+$0xFFFFFF20]  }
0xa0: {  	v8 =	vld.idx.msk [tilespmem:v8+s5+$0x0], $0xffff;
	[tilespmem:s2+$0x10] =	vst v0  }
0xa1: {  	v0 =	vld [tilespmem:s29+$0x20]  }
0xa2: {  	v1 =	vsub.s32 v51, v1;
	v54 =	vld [tilespmem:s29+$0xA0];
	[tilespmem:s2+$0xFFFFFF10] =	vst v2  }
0xa3: {  	vm12 =	vgt.s32 v1, $0x0;
	v2 =	vsub.s32 v3, v6;
	v3 =	vld [tilespmem:s29+$0xFFFFFE20]  }
0xa4: {  	v7 =	vsub.s32 v52, v7;
	v1 =	vnsel vm12, $0x0, v1;
	v5 =	vld [tilespmem:s29+$0xFFFFFEA0]  }
0xa5: {  	v4 =	vsub.s32 v53, v4;
	v6 =	vld [tilespmem:s28+$0x50];
	v1 =	vmin.u32 v1, $0x7FF;
	vm13 =	vgt.s32 v2, $0x0  }
0xa6: {  	vm15 =	vgt.s32 v7, $0x0;
	vm14 =	vgt.s32 v4, $0x0;
	v2 =	vnsel vm13, $0x0, v2  }
0xa7: {  	v4 =	vnsel vm14, $0x0, v4;
	v2 =	vmin.u32 v2, $0x7FF;
	v0 =	vsub.s32 v54, v0  }
0xa8: {  	v7 =	vnsel vm15, $0x0, v7;
	[tilespmem:s26+$0xE0] =	vst v8;
	v4 =	vmin.u32 v4, $0x7FF;
	vm4 =	vgt.s32 v0, $0x0  }
0xa9: {  	v8 =	vld [tilespmem:s28+$0x170];
	v0 =	vnsel vm4, $0x0, v0;
	v3 =	vsub.s32 v5, v3;
	v5 =	vmin.u32 v7, $0x7FF  }
0xaa: {  	v6 =	vsub.s32 v55, v6;
	v1 =	vld.idx.msk [tilespmem:v1+s5+$0x0], $0xffff;
	v0 =	vmin.u32 v0, $0x7FF  }
0xab: {  	v7 =	vld [tilespmem:s28+$0x1F0];
	vm6 =	vgt.s32 v6, $0x0  }
0xac: {  	vm5 =	vgt.s32 v3, $0x0;
	v6 =	vnsel vm6, $0x0, v6;
	v2 =	vld.idx.msk [tilespmem:v2+s5+$0x0], $0xffff  }
0xad: {  	v3 =	vnsel vm5, $0x0, v3;
	v4 =	vld.idx.msk [tilespmem:v4+s5+$0x0], $0xffff;
	v6 =	vmin.u32 v6, $0x7FF  }
0xae: {  	v3 =	vmin.u32 v3, $0x7FF;
	v5 =	vld.idx.msk [tilespmem:v5+s5+$0x0], $0xffff  }
0xaf: {  	[tilespmem:s2+$0xA0] =	vst v1;
	v0 =	vld.idx.msk [tilespmem:v0+s5+$0x0], $0xffff  }
0xb0: {  	v1 =	vld [tilespmem:s29+$0x130]  }
0xb1: {  	v56 =	vld [tilespmem:s29+$0x1B0]  }
0xb2: {  	[tilespmem:s26+$0xFFFFFF50] =	vst v2;
	v2 =	vld.idx.msk [tilespmem:v6+s5+$0x0], $0xffff  }
0xb3: {  	[tilespmem:s2+$0xFFFFFFA0] =	vst v4;
	v3 =	vld.idx.msk [tilespmem:v3+s5+$0x0], $0xffff  }
0xb4: {  	v4 =	vld [tilespmem:s29+$0xFFFFFF30]  }
0xb5: {  	v7 =	vsub.s32 v7, v8;
	v57 =	vld [tilespmem:s29+$0xFFFFFFB0]  }
0xb6: {  	vm8 =	vgt.s32 v7, $0x0;
	v6 =	vld [tilespmem:s28+$0xFFFFFE60];
	[tilespmem:s2+$0x20] =	vst v0;
	v1 =	vsub.s32 v56, v1  }
0xb7: {  	v7 =	vnsel vm8, $0x0, v7;
	[tilespmem:s26+$0xFFFFFFD0] =	vst v5;
	v59 =	vld [tilespmem:s29+$0xB0];
	vm7 =	vgt.s32 v1, $0x0  }
0xb8: {  	v5 =	vmin.u32 v7, $0x7FF;
	v7 =	vld [tilespmem:s28+$0xFFFFFF60];
	v1 =	vnsel vm7, $0x0, v1  }
0xb9: {  	[tilespmem:s2+$0xFFFFFF20] =	vst v3;
	v0 =	vmin.u32 v1, $0x7FF;
	v1 =	vld [tilespmem:s28+$0xFFFFFEE0]  }
0xba: {  	v58 =	vld [tilespmem:s29+$0xFFFFFE30]  }
0xbb: {  	v4 =	vsub.s32 v57, v4;
	v8 =	vld [tilespmem:s29+$0xFFFFFEB0]  }
0xbc: {  	[tilespmem:s26+$0x50] =	vst v2;
	v3 =	vld [tilespmem:s29+$0x30];
	vm9 =	vgt.s32 v4, $0x0  }
0xbd: {  	v60 =	vld [tilespmem:s28+$0xE0];
	v4 =	vnsel vm9, $0x0, v4  }
0xbe: {  	v2 =	vmin.u32 v4, $0x7FF;
	v0 =	vld.idx.msk [tilespmem:v0+s5+$0x0], $0xffff  }
0xbf: {  	v4 =	vld [tilespmem:s28+$0xFFFFFFE0];
	v1 =	vsub.s32 v1, v6  }
0xc0: {  	v6 =	vsub.s32 v8, v58;
	v8 =	vld [tilespmem:s28+$0x60];
	vm10 =	vgt.s32 v1, $0x0  }
0xc1: {  	v3 =	vsub.s32 v59, v3;
	vm11 =	vgt.s32 v6, $0x0;
	v1 =	vnsel vm10, $0x0, v1  }
0xc2: {  	v61 =	vld.idx.msk [tilespmem:v5+s5+$0x0], $0xffff;
	vm12 =	vgt.s32 v3, $0x0;
	v6 =	vnsel vm11, $0x0, v6;
	v1 =	vmin.u32 v1, $0x7FF  }
0xc3: {  	v3 =	vnsel vm12, $0x0, v3;
	v2 =	vld.idx.msk [tilespmem:v2+s5+$0x0], $0xffff;
	v5 =	vmin.u32 v6, $0x7FF;
	[tilespmem:s2+$0xB0] =	vst v0  }
0xc4: {  	v0 =	vmin.u32 v3, $0x7FF;
	v3 =	vsub.s32 v4, v7;
	v6 =	vld [tilespmem:s29+$0x140]  }
0xc5: {  	v4 =	vsub.s32 v60, v8;
	vm13 =	vgt.s32 v3, $0x0;
	v7 =	vld [tilespmem:s29+$0x1C0]  }
0xc6: {  	vm14 =	vgt.s32 v4, $0x0;
	v3 =	vnsel vm13, $0x0, v3  }
0xc7: {  	v4 =	vnsel vm14, $0x0, v4;
	v1 =	vld.idx.msk [tilespmem:v1+s5+$0x0], $0xffff;
	v3 =	vmin.u32 v3, $0x7FF  }
0xc8: {  	[tilespmem:s2+$0xFFFFFFB0] =	vst v2;
	v8 =	vld.idx.msk [tilespmem:v5+s5+$0x0], $0xffff;
	v63 =	vmin.u32 v4, $0x7FF  }
0xc9: {  	v4 =	vld [tilespmem:s29+$0xFFFFFF40]  }
0xca: {  	v62 =	vld.idx.msk [tilespmem:v0+s5+$0x0], $0xffff;
	v6 =	vsub.s32 v7, v6  }
0xcb: {  	v5 =	vld [tilespmem:s29+$0xFFFFFFC0];
	vm15 =	vgt.s32 v6, $0x0  }
0xcc: {  	[tilespmem:s26+$0xF0] =	vst v61;
	v2 =	vld.idx.msk [tilespmem:v3+s5+$0x0], $0xffff;
	v3 =	vnsel vm15, $0x0, v6  }
0xcd: {  	[tilespmem:s26+$0xFFFFFF60] =	vst v1;
	v1 =	vld.idx.msk [tilespmem:v63+s5+$0x0], $0xffff;
	v6 =	vmin.u32 v3, $0x7FF  }
0xce: {  	[tilespmem:s2+$0xFFFFFF30] =	vst v8;
	v0 =	vld [tilespmem:s28+$0xFFFFFE70]  }
0xcf: {  	s30 =	simm.s32 $0x4;
	s3 =	simm.s32 $0x1200;
	s0 =	simm.s32 $0x10B00;
	v3 =	vld [tilespmem:s29+$0xFFFFFE40];
	[tilespmem:s2+$0x30] =	vst v62  }
.LBB2_2:
0xd0: {  	v7 =	vld [tilespmem:s3+$0x100];
	v4 =	vsub.s32 v5, v4  }
0xd1: {  	v5 =	vld [tilespmem:s3+$0x180];
	vm0 =	vgt.s32 v4, $0x0  }
0xd2: {  	v4 =	vnsel vm0, $0x0, v4;
	v6 =	vld.idx.msk [tilespmem:v6+s5+$0x0], $0xffff;
	[tilespmem:s26+$0xFFFFFFE0] =	vst v2  }
0xd3: {  	v2 =	vld [tilespmem:s3+$0xFFFFFE80];
	v4 =	vmin.u32 v4, $0x7FF  }
0xd4: {  	v8 =	vld [tilespmem:s3+$0xFFFFFF00];
	[tilespmem:s26+$0x60] =	vst v1  }
0xd5: {  	v1 =	vld [tilespmem:s3+$0xFFFFFF80]  }
0xd6: {  	v9 =	vld [tilespmem:s3+$0x0];
	v5 =	vsub.s32 v5, v7  }
0xd7: {  	v7 =	vld [tilespmem:s3+$0x80];
	vm0 =	vgt.s32 v5, $0x0  }
0xd8: {  	s30 =	sadd.s32 $0x4, s30;
	v10 =	vld [tilespmem:s3+$0xFFFFFE00];
	v5 =	vnsel vm0, $0x0, v5;
	[tilespmem:s2+$0xC0] =	vst v6  }
0xd9: {  	p0 =	slt.u32 s30, $0x7C;
	v5 =	vmin.u32 v5, $0x7FF;
	v6 =	vld [tilespmem:s29+$0x150]  }
0xda: {  	v1 =	vsub.s32 v1, v8;
	v8 =	vld [tilespmem:s29+$0x1D0]  }
0xdb: {  	vm0 =	vgt.s32 v1, $0x0;
	v11 =	vld [tilespmem:s29+$0xFFFFFEC0]  }
0xdc: {  	v1 =	vnsel vm0, $0x0, v1;
	v7 =	vsub.s32 v7, v9;
	v9 =	vld [tilespmem:s29+$0x40]  }
0xdd: {  	v2 =	vsub.s32 v2, v10;
	v1 =	vmin.u32 v1, $0x7FF;
	vm0 =	vgt.s32 v7, $0x0;
	v10 =	vld [tilespmem:s29+$0xC0]  }
0xde: {  	vm1 =	vgt.s32 v2, $0x0;
	v7 =	vnsel vm0, $0x0, v7;
	v5 =	vld.idx.msk [tilespmem:v5+s5+$0x0], $0xffff  }
0xdf: {  	v2 =	vnsel vm1, $0x0, v2;
	v7 =	vmin.u32 v7, $0x7FF;
	v4 =	vld.idx.msk [tilespmem:v4+s5+$0x0], $0xffff;
	v6 =	vsub.s32 v8, v6  }
0xe0: {  	v2 =	vmin.u32 v2, $0x7FF;
	v3 =	vsub.s32 v11, v3;
	vm0 =	vgt.s32 v6, $0x0;
	v8 =	vld [tilespmem:s28+$0xFFFFFEF0]  }
0xe1: {  	vm1 =	vgt.s32 v3, $0x0;
	v6 =	vnsel vm0, $0x0, v6;
	v11 =	vld [tilespmem:s28+$0xFFFFFF70]  }
0xe2: {  	v1 =	vld.idx.msk [tilespmem:v1+s5+$0x0], $0xffff;
	v3 =	vnsel vm1, $0x0, v3;
	v9 =	vsub.s32 v10, v9;
	v6 =	vmin.u32 v6, $0x7FF  }
0xe3: {  	s2 =	sadd.s32 $0x200, s2;
	v3 =	vmin.u32 v3, $0x7FF;
	vm0 =	vgt.s32 v9, $0x0;
	v10 =	vld [tilespmem:s28+$0xFFFFFFF0]  }
0xe4: {  	v7 =	vld.idx.msk [tilespmem:v7+s5+$0x0], $0xffff;
	[tilespmem:s2+$0x80] =	vst v5;
	v5 =	vnsel vm0, $0x0, v9  }
0xe5: {  	v9 =	vld [tilespmem:s3+$0x110];
	[tilespmem:s0+$0xFFFFFFC0] =	vst v4;
	v4 =	vmin.u32 v5, $0x7FF;
	v0 =	vsub.s32 v8, v0  }
0xe6: {  	v5 =	vld [tilespmem:s3+$0x190];
	vm0 =	vgt.s32 v0, $0x0  }
0xe7: {  	v6 =	vld.idx.msk [tilespmem:v6+s5+$0x0], $0xffff;
	v0 =	vnsel vm0, $0x0, v0  }
0xe8: {  	v2 =	vld.idx.msk [tilespmem:v2+s5+$0x0], $0xffff;
	[tilespmem:s2+$0xFFFFFF80] =	vst v1;
	v1 =	vmin.u32 v0, $0x7FF;
	v0 =	vsub.s32 v10, v11  }
0xe9: {  	v8 =	vld [tilespmem:s3+$0xFFFFFF10];
	vm0 =	vgt.s32 v0, $0x0  }
0xea: {  	v10 =	vld [tilespmem:s3+$0xFFFFFF90];
	[tilespmem:s2+$0x0] =	vst v7;
	v0 =	vnsel vm0, $0x0, v0  }
0xeb: {  	v7 =	vld [tilespmem:s3+$0x10];
	v5 =	vsub.s32 v5, v9;
	v0 =	vmin.u32 v0, $0x7FF  }
0xec: {  	v9 =	vld [tilespmem:s3+$0x90];
	vm0 =	vgt.s32 v5, $0x0  }
0xed: {  	v5 =	vnsel vm0, $0x0, v5;
	v3 =	vld.idx.msk [tilespmem:v3+s5+$0x0], $0xffff;
	[tilespmem:s0+$0xD0] =	vst v6  }
0xee: {  	[tilespmem:s2+$0xFFFFFF00] =	vst v2;
	v2 =	vmin.u32 v5, $0x7FF;
	v5 =	vld [tilespmem:s29+$0x160]  }
0xef: {  	v6 =	vsub.s32 v10, v8;
	v8 =	vld [tilespmem:s29+$0x1E0]  }
0xf0: {  	v10 =	vld [tilespmem:s3+$0xFFFFFE10];
	vm0 =	vgt.s32 v6, $0x0  }
0xf1: {  	v11 =	vld [tilespmem:s3+$0xFFFFFE90];
	v6 =	vnsel vm0, $0x0, v6;
	v7 =	vsub.s32 v9, v7  }
0xf2: {  	v6 =	vmin.u32 v6, $0x7FF;
	vm0 =	vgt.s32 v7, $0x0;
	v4 =	vld.idx.msk [tilespmem:v4+s5+$0x0], $0xffff  }
0xf3: {  	v7 =	vnsel vm0, $0x0, v7;
	v2 =	vld.idx.msk [tilespmem:v2+s5+$0x0], $0xffff;
	[tilespmem:s0+$0xFFFFFF40] =	vst v3  }
0xf4: {  	v3 =	vmin.u32 v7, $0x7FF;
	v7 =	vld [tilespmem:s29+$0xFFFFFE50];
	v5 =	vsub.s32 v8, v5  }
0xf5: {  	v8 =	vld [tilespmem:s29+$0xFFFFFED0];
	vm0 =	vgt.s32 v5, $0x0  }
0xf6: {  	v9 =	vsub.s32 v11, v10;
	v10 =	vld [tilespmem:s29+$0xFFFFFF50];
	v5 =	vnsel vm0, $0x0, v5  }
0xf7: {  	vm0 =	vgt.s32 v9, $0x0;
	v6 =	vld.idx.msk [tilespmem:v6+s5+$0x0], $0xffff;
	v5 =	vmin.u32 v5, $0x7FF  }
0xf8: {  	v9 =	vnsel vm0, $0x0, v9;
	v11 =	vld [tilespmem:s29+$0xFFFFFFD0];
	[tilespmem:s0+$0x40] =	vst v4  }
0xf9: {  	v4 =	vmin.u32 v9, $0x7FF;
	v3 =	vld.idx.msk [tilespmem:v3+s5+$0x0], $0xffff;
	[tilespmem:s2+$0x90] =	vst v2  }
0xfa: {  	v2 =	vld [tilespmem:s3+$0x120];
	v7 =	vsub.s32 v8, v7  }
0xfb: {  	v8 =	vld [tilespmem:s3+$0x1A0];
	vm0 =	vgt.s32 v7, $0x0  }
0xfc: {  	v7 =	vnsel vm0, $0x0, v7;
	v5 =	vld.idx.msk [tilespmem:v5+s5+$0x0], $0xffff  }
0xfd: {  	[tilespmem:s2+$0xFFFFFF90] =	vst v6;
	v6 =	vmin.u32 v7, $0x7FF;
	v7 =	vsub.s32 v11, v10;
	v9 =	vld [tilespmem:s29+$0x50]  }
0xfe: {  	v4 =	vld.idx.msk [tilespmem:v4+s5+$0x0], $0xffff;
	vm0 =	vgt.s32 v7, $0x0  }
0xff: {  	v10 =	vld [tilespmem:s3+$0xFFFFFF20];
	[tilespmem:s2+$0x10] =	vst v3;
	v3 =	vnsel vm0, $0x0, v7  }
0x100: {  	v7 =	vld [tilespmem:s3+$0xFFFFFFA0];
	v2 =	vsub.s32 v8, v2;
	v3 =	vmin.u32 v3, $0x7FF  }
0x101: {  	v8 =	vld [tilespmem:s3+$0x20];
	vm0 =	vgt.s32 v2, $0x0  }
0x102: {  	v11 =	vld [tilespmem:s3+$0xA0];
	v2 =	vnsel vm0, $0x0, v2;
	[tilespmem:s0+$0xE0] =	vst v5  }
0x103: {  	v2 =	vmin.u32 v2, $0x7FF;
	v5 =	vld [tilespmem:s29+$0x170]  }
0x104: {  	[tilespmem:s2+$0xFFFFFF10] =	vst v4;
	v4 =	vld [tilespmem:s29+$0x1F0]  }
0x105: {  	v12 =	vld [tilespmem:s3+$0xFFFFFE20];
	v7 =	vsub.s32 v7, v10  }
0x106: {  	v10 =	vld [tilespmem:s3+$0xFFFFFEA0];
	vm0 =	vgt.s32 v7, $0x0  }
0x107: {  	v7 =	vnsel vm0, $0x0, v7;
	v8 =	vsub.s32 v11, v8;
	v11 =	vld [tilespmem:s29+$0xD0]  }
0x108: {  	v7 =	vmin.u32 v7, $0x7FF;
	vm0 =	vgt.s32 v8, $0x0;
	v2 =	vld.idx.msk [tilespmem:v2+s5+$0x0], $0xffff  }
0x109: {  	v8 =	vnsel vm0, $0x0, v8;
	v6 =	vld.idx.msk [tilespmem:v6+s5+$0x0], $0xffff;
	v4 =	vsub.s32 v4, v5  }
0x10a: {  	v5 =	vmin.u32 v8, $0x7FF;
	v3 =	vld.idx.msk [tilespmem:v3+s5+$0x0], $0xffff;
	vm0 =	vgt.s32 v4, $0x0  }
0x10b: {  	v8 =	vsub.s32 v10, v12;
	v4 =	vnsel vm0, $0x0, v4;
	v10 =	vld [tilespmem:s28+$0x70]  }
0x10c: {  	vm0 =	vgt.s32 v8, $0x0;
	v9 =	vsub.s32 v11, v9;
	v4 =	vmin.u32 v4, $0x7FF;
	v11 =	vld [tilespmem:s28+$0xF0];
	s28 =	smov.u32 s29;
	s29 =	smov.u32 s3  }
0x10d: {  	v8 =	vnsel vm0, $0x0, v8;
	v7 =	vld.idx.msk [tilespmem:v7+s5+$0x0], $0xffff;
	vm0 =	vgt.s32 v9, $0x0  }
0x10e: {  	v8 =	vmin.u32 v8, $0x7FF;
	[tilespmem:s2+$0xA0] =	vst v2;
	v2 =	vnsel vm0, $0x0, v9;
	v1 =	vld.idx.msk [tilespmem:v1+s5+$0x0], $0xffff  }
0x10f: {  	v9 =	vld [tilespmem:s3+$0x130];
	[tilespmem:s0+$0xFFFFFF50] =	vst v6;
	v2 =	vmin.u32 v2, $0x7FF  }
0x110: {  	v6 =	vld [tilespmem:s3+$0x1B0];
	[tilespmem:s0+$0xFFFFFFD0] =	vst v3  }
0x111: {  	v3 =	vld.idx.msk [tilespmem:v4+s5+$0x0], $0xffff;
	v4 =	vsub.s32 v11, v10  }
0x112: {  	v5 =	vld.idx.msk [tilespmem:v5+s5+$0x0], $0xffff;
	vm0 =	vgt.s32 v4, $0x0  }
0x113: {  	v8 =	vld.idx.msk [tilespmem:v8+s5+$0x0], $0xffff;
	[tilespmem:s2+$0xFFFFFFA0] =	vst v7;
	v4 =	vnsel vm0, $0x0, v4  }
0x114: {  	v7 =	vld [tilespmem:s3+$0xFFFFFF30];
	[tilespmem:s26+$0xFFFFFF70] =	vst v1;
	v1 =	vmin.u32 v4, $0x7FF  }
0x115: {  	v4 =	vld [tilespmem:s3+$0xFFFFFFB0];
	v6 =	vsub.s32 v6, v9  }
0x116: {  	vm0 =	vgt.s32 v6, $0x0;
	v2 =	vld.idx.msk [tilespmem:v2+s5+$0x0], $0xffff  }
0x117: {  	v6 =	vnsel vm0, $0x0, v6;
	v9 =	vld [tilespmem:s28+$0xFFFFFE60];
	[tilespmem:s0+$0xF0] =	vst v3  }
0x118: {  	[tilespmem:s2+$0x20] =	vst v5;
	v3 =	vmin.u32 v6, $0x7FF;
	v5 =	vld [tilespmem:s28+$0xFFFFFEE0]  }
0x119: {  	[tilespmem:s2+$0xFFFFFF20] =	vst v8;
	v6 =	vld [tilespmem:s3+$0x30]  }
0x11a: {  	v8 =	vld [tilespmem:s3+$0xFFFFFE30];
	v4 =	vsub.s32 v4, v7  }
0x11b: {  	v7 =	vld [tilespmem:s3+$0xFFFFFEB0];
	vm0 =	vgt.s32 v4, $0x0  }
0x11c: {  	v4 =	vnsel vm0, $0x0, v4;
	v10 =	vld [tilespmem:s3+$0xB0];
	[tilespmem:s0+$0x50] =	vst v2  }
0x11d: {  	v2 =	vmin.u32 v4, $0x7FF;
	v3 =	vld.idx.msk [tilespmem:v3+s5+$0x0], $0xffff;
	v4 =	vsub.s32 v5, v9  }
0x11e: {  	vm0 =	vgt.s32 v4, $0x0;
	v5 =	vld [tilespmem:s28+$0xFFFFFF60]  }
0x11f: {  	v4 =	vnsel vm0, $0x0, v4;
	v9 =	vld [tilespmem:s28+$0xFFFFFFE0]  }
0x120: {  	v7 =	vsub.s32 v7, v8;
	v4 =	vmin.u32 v4, $0x7FF;
	v8 =	vld [tilespmem:s28+$0x60]  }
0x121: {  	vm0 =	vgt.s32 v7, $0x0;
	v6 =	vsub.s32 v10, v6;
	v10 =	vld [tilespmem:s28+$0xE0]  }
0x122: {  	v7 =	vnsel vm0, $0x0, v7;
	v2 =	vld.idx.msk [tilespmem:v2+s5+$0x0], $0xffff;
	vm0 =	vgt.s32 v6, $0x0  }
0x123: {  	v7 =	vmin.u32 v7, $0x7FF;
	v6 =	vnsel vm0, $0x0, v6;
	[tilespmem:s2+$0xB0] =	vst v3;
	v0 =	vld.idx.msk [tilespmem:v0+s5+$0x0], $0xffff  }
0x124: {  	v3 =	vmin.u32 v6, $0x7FF;
	v6 =	vld [tilespmem:s3+$0x140];
	v5 =	vsub.s32 v9, v5  }
0x125: {  	v9 =	vld [tilespmem:s3+$0x1C0];
	vm0 =	vgt.s32 v5, $0x0  }
0x126: {  	v11 =	vld.idx.msk [tilespmem:v4+s5+$0x0], $0xffff;
	v4 =	vnsel vm0, $0x0, v5;
	v5 =	vsub.s32 v10, v8  }
0x127: {  	v8 =	vmin.u32 v4, $0x7FF;
	vm0 =	vgt.s32 v5, $0x0;
	v1 =	vld.idx.msk [tilespmem:v1+s5+$0x0], $0xffff  }
0x128: {  	v7 =	vld.idx.msk [tilespmem:v7+s5+$0x0], $0xffff;
	[tilespmem:s2+$0xFFFFFFB0] =	vst v2;
	v2 =	vnsel vm0, $0x0, v5  }
0x129: {  	v10 =	vld.idx.msk [tilespmem:v3+s5+$0x0], $0xffff;
	v3 =	vmin.u32 v2, $0x7FF;
	[tilespmem:s26+$0xFFFFFFF0] =	vst v0  }
0x12a: {  	v4 =	vld [tilespmem:s3+$0xFFFFFF40];
	v0 =	vsub.s32 v9, v6  }
.Ltmp2:
0x12b: {  	v5 =	vld [tilespmem:s3+$0xFFFFFFC0];
	vm0 =	vgt.s32 v0, $0x0;
	(pc) =	sbr.rel @p0 .LBB2_2-.Ltmp2, $4  }
0x12c: {  	v0 =	vnsel vm0, $0x0, v0;
	[tilespmem:s0+$0xFFFFFF60] =	vst v11;
	v2 =	vld.idx.msk [tilespmem:v8+s5+$0x0], $0xffff  }
0x12d: {  	v6 =	vmin.u32 v0, $0x7FF;
	v0 =	vld [tilespmem:s28+$0xFFFFFE70];
	[tilespmem:s26+$0x70] =	vst v1;
	s26 =	smov.u32 s0;
	s0 =	smov.u32 s2  }
0x12e: {  	[tilespmem:s2+$0xFFFFFF30] =	vst v7;
	v1 =	vld.idx.msk [tilespmem:v3+s5+$0x0], $0xffff  }
0x12f: {  	s3 =	sadd.s32 $0x400, s3;
	v3 =	vld [tilespmem:s29+$0xFFFFFE40];
	[tilespmem:s2+$0x30] =	vst v10  }
0x130: {  	v7 =	vld [tilespmem:s29+$0xFFFFFEC0];
	_ =	sdelay $0x2  }
0x131: {  	v8 =	vld [tilespmem:s29+$0x40]  }
0x132: {  	v9 =	vld [tilespmem:s29+$0xC0]  }
0x133: {  	v6 =	vld.idx.msk [tilespmem:v6+s5+$0x0], $0xffff;
	v3 =	vsub.s32 v7, v3  }
0x134: {  	vm0 =	vgt.s32 v3, $0x0  }
0x135: {  	v4 =	vsub.s32 v5, v4;
	v3 =	vnsel vm0, $0x0, v3  }
0x136: {  	vm14 =	vgt.s32 v4, $0x0;
	v3 =	vmin.u32 v3, $0x7FF  }
0x137: {  	v4 =	vnsel vm14, $0x0, v4;
	v5 =	vsub.s32 v9, v8  }
0x138: {  	v4 =	vmin.u32 v4, $0x7FF;
	[tilespmem:s2+$0xC0] =	vst v6;
	vm15 =	vgt.s32 v5, $0x0  }
0x139: {  	v6 =	vld [tilespmem:s29+$0x150];
	v5 =	vnsel vm15, $0x0, v5  }
0x13a: {  	v7 =	vld [tilespmem:s29+$0x1D0];
	v5 =	vmin.u32 v5, $0x7FF  }
0x13b: {  	v3 =	vld.idx.msk [tilespmem:v3+s5+$0x0], $0xffff;
	_ =	sdelay $0x1  }
0x13c: {  	v4 =	vld.idx.msk [tilespmem:v4+s5+$0x0], $0xffff;
	_ =	sdelay $0x1  }
0x13d: {  	v6 =	vsub.s32 v7, v6;
	v5 =	vld.idx.msk [tilespmem:v5+s5+$0x0], $0xffff  }
0x13e: {  	vm4 =	vgt.s32 v6, $0x0;
	[tilespmem:s0+$0xFFFFFF40] =	vst v3  }
0x13f: {  	v3 =	vnsel vm4, $0x0, v6;
	v6 =	vld [tilespmem:s29+$0xFFFFFE50]  }
0x140: {  	[tilespmem:s0+$0xFFFFFFC0] =	vst v4;
	v3 =	vmin.u32 v3, $0x7FF;
	v4 =	vld [tilespmem:s29+$0xFFFFFED0]  }
0x141: {  	v7 =	vld [tilespmem:s29+$0xFFFFFF50]  }
0x142: {  	v8 =	vld [tilespmem:s29+$0xFFFFFFD0];
	[tilespmem:s0+$0x40] =	vst v5  }
0x143: {  	v5 =	vld [tilespmem:s29+$0x50]  }
0x144: {  	v41 =	vld [tilespmem:s29+$0xD0]  }
0x145: {  	v3 =	vld.idx.msk [tilespmem:v3+s5+$0x0], $0xffff;
	v4 =	vsub.s32 v4, v6  }
0x146: {  	vm5 =	vgt.s32 v4, $0x0  }
0x147: {  	v6 =	vsub.s32 v8, v7;
	v4 =	vnsel vm5, $0x0, v4  }
0x148: {  	vm6 =	vgt.s32 v6, $0x0;
	v4 =	vmin.u32 v4, $0x7FF  }
0x149: {  	v5 =	vsub.s32 v41, v5;
	v6 =	vnsel vm6, $0x0, v6  }
0x14a: {  	vm7 =	vgt.s32 v5, $0x0;
	[tilespmem:s0+$0xD0] =	vst v3;
	v3 =	vmin.u32 v6, $0x7FF  }
0x14b: {  	v5 =	vnsel vm7, $0x0, v5;
	v6 =	vld [tilespmem:s29+$0x160]  }
0x14c: {  	v5 =	vmin.u32 v5, $0x7FF;
	v7 =	vld [tilespmem:s29+$0x1E0]  }
0x14d: {  	v4 =	vld.idx.msk [tilespmem:v4+s5+$0x0], $0xffff;
	_ =	sdelay $0x1  }
0x14e: {  	v3 =	vld.idx.msk [tilespmem:v3+s5+$0x0], $0xffff;
	_ =	sdelay $0x1  }
0x14f: {  	v5 =	vld.idx.msk [tilespmem:v5+s5+$0x0], $0xffff  }
0x150: {  	v6 =	vsub.s32 v7, v6;
	[tilespmem:s0+$0xFFFFFF50] =	vst v4  }
0x151: {  	vm8 =	vgt.s32 v6, $0x0;
	v4 =	vld [tilespmem:s29+$0xFFFFFE60]  }
0x152: {  	v6 =	vnsel vm8, $0x0, v6;
	[tilespmem:s0+$0xFFFFFFD0] =	vst v3;
	v3 =	vld [tilespmem:s29+$0xFFFFFEE0]  }
0x153: {  	v6 =	vmin.u32 v6, $0x7FF;
	v7 =	vld [tilespmem:s29+$0xFFFFFF60]  }
0x154: {  	[tilespmem:s0+$0x50] =	vst v5;
	v5 =	vld [tilespmem:s29+$0xFFFFFFE0]  }
0x155: {  	v8 =	vld [tilespmem:s29+$0x60]  }
0x156: {  	v42 =	vld [tilespmem:s29+$0xE0]  }
0x157: {  	v3 =	vsub.s32 v3, v4  }
0x158: {  	v4 =	vld.idx.msk [tilespmem:v6+s5+$0x0], $0xffff;
	vm9 =	vgt.s32 v3, $0x0  }
0x159: {  	v5 =	vsub.s32 v5, v7;
	v3 =	vnsel vm9, $0x0, v3  }
0x15a: {  	[tilespmem:s26+$0xFFFFFFE0] =	vst v2;
	vm10 =	vgt.s32 v5, $0x0;
	v3 =	vmin.u32 v3, $0x7FF  }
0x15b: {  	v2 =	vld [tilespmem:s28+$0xFFFFFEF0];
	[tilespmem:s26+$0x60] =	vst v1;
	v6 =	vsub.s32 v42, v8;
	v5 =	vnsel vm10, $0x0, v5  }
0x15c: {  	v10 =	vld [tilespmem:s28+$0xF0];
	vm11 =	vgt.s32 v6, $0x0;
	v5 =	vmin.u32 v5, $0x7FF  }
0x15d: {  	v8 =	vld [tilespmem:s28+$0xFFFFFFF0];
	[tilespmem:s0+$0xE0] =	vst v4;
	v4 =	vnsel vm11, $0x0, v6  }
0x15e: {  	v7 =	vld [tilespmem:s28+$0xFFFFFF70];
	v4 =	vmin.u32 v4, $0x7FF  }
0x15f: {  	v3 =	vld.idx.msk [tilespmem:v3+s5+$0x0], $0xffff  }
0x160: {  	v6 =	vld [tilespmem:s29+$0x170]  }
0x161: {  	v1 =	vld.idx.msk [tilespmem:v5+s5+$0x0], $0xffff  }
0x162: {  	v43 =	vld [tilespmem:s29+$0x1F0]  }
0x163: {  	v4 =	vld.idx.msk [tilespmem:v4+s5+$0x0], $0xffff  }
0x164: {  	v5 =	vld [tilespmem:s28+$0x70];
	[tilespmem:s0+$0xFFFFFF60] =	vst v3  }
0x165: {  	v3 =	vld [tilespmem:s29+$0xFFFFFE70]  }
0x166: {  	[tilespmem:s0+$0xFFFFFFE0] =	vst v1;
	v1 =	vld [tilespmem:s29+$0xFFFFFEF0]  }
0x167: {  	v0 =	vsub.s32 v2, v0;
	v2 =	vld [tilespmem:s29+$0xFFFFFF70]  }
0x168: {  	vm12 =	vgt.s32 v0, $0x0;
	[tilespmem:s0+$0x60] =	vst v4;
	v4 =	vld [tilespmem:s29+$0xFFFFFFF0]  }
0x169: {  	v0 =	vnsel vm12, $0x0, v0;
	v7 =	vsub.s32 v8, v7;
	v8 =	vld [tilespmem:s29+$0x70]  }
0x16a: {  	v0 =	vmin.u32 v0, $0x7FF;
	vm13 =	vgt.s32 v7, $0x0;
	v6 =	vsub.s32 v43, v6;
	v44 =	vld [tilespmem:s29+$0xF0]  }
0x16b: {  	v7 =	vnsel vm13, $0x0, v7;
	vm14 =	vgt.s32 v6, $0x0;
	v5 =	vsub.s32 v10, v5  }
0x16c: {  	v7 =	vmin.u32 v7, $0x7FF;
	v6 =	vnsel vm14, $0x0, v6;
	vm15 =	vgt.s32 v5, $0x0  }
0x16d: {  	v6 =	vmin.u32 v6, $0x7FF;
	v5 =	vnsel vm15, $0x0, v5;
	v1 =	vsub.s32 v1, v3  }
0x16e: {  	v3 =	vmin.u32 v5, $0x7FF;
	vm4 =	vgt.s32 v1, $0x0;
	v2 =	vsub.s32 v4, v2  }
0x16f: {  	v1 =	vnsel vm4, $0x0, v1;
	vm5 =	vgt.s32 v2, $0x0;
	v4 =	vsub.s32 v44, v8  }
0x170: {  	v1 =	vmin.u32 v1, $0x7FF;
	v2 =	vnsel vm5, $0x0, v2;
	vm6 =	vgt.s32 v4, $0x0  }
0x171: {  	v0 =	vld.idx.msk [tilespmem:v0+s5+$0x0], $0xffff;
	v2 =	vmin.u32 v2, $0x7FF;
	v4 =	vnsel vm6, $0x0, v4  }
0x172: {  	v5 =	vld.idx.msk [tilespmem:v6+s5+$0x0], $0xffff;
	v4 =	vmin.u32 v4, $0x7FF  }
0x173: {  	v6 =	vld.idx.msk [tilespmem:v7+s5+$0x0], $0xffff  }
0x174: {  	v3 =	vld.idx.msk [tilespmem:v3+s5+$0x0], $0xffff  }
0x175: {  	v1 =	vld.idx.msk [tilespmem:v1+s5+$0x0], $0xffff  }
0x176: {  	[tilespmem:s26+$0xFFFFFF70] =	vst v0;
	v0 =	vld.idx.msk [tilespmem:v2+s5+$0x0], $0xffff  }
0x177: {  	[tilespmem:s0+$0xF0] =	vst v5;
	v2 =	vld.idx.msk [tilespmem:v4+s5+$0x0], $0xffff  }
0x178: {  	[tilespmem:s26+$0xFFFFFFF0] =	vst v6  }
0x179: {  	[tilespmem:s26+$0x70] =	vst v3  }
0x17a: {  	[tilespmem:s0+$0xFFFFFF70] =	vst v1  }
0x17b: {  	[tilespmem:s0+$0xFFFFFFF0] =	vst v0  }
0x17c: {  	[tilespmem:s0+$0x70] =	vst v2  }
0x17d: {  	[hbm4b:s9+s5] =	stream.linear.scatter [tilespmem:s20], [sflag:$0x3], $0x4000, $0x38;
	[tilespmem:$0x18800] =	vst v63  }
0x17e: {  	_ = 	snop  }
0x17f: {  	[tilespmem:s16], [sflag:$0x1] =	stream.linear.gather [hbm4b:s10+s5], $0x8000, $0x38;
	[tilespmem:$0x18800] =	vst v63  }
0x180: {  	_ =	swait.ge [sflag:s21], $0x8000  }
0x181: {  	[sflag:s21] =	ssyncset.done $0x0  }
0x182: {  	s28 =	simm.s32 $0x8BF0;
	[sflag:s21] =	ssyncadd.s32 $0xFFFF8000  }
0x183: {  	v0 =	vld [tilespmem:s28+$0xFFFFFF10]  }
0x184: {  	v1 =	vld [tilespmem:s28+$0xFFFFFF90];
	_ =	sdelay $0x4  }
0x185: {  	v0 =	vsub.s32 v1, v0  }
0x186: {  	vm7 =	vgt.s32 v0, $0x0  }
0x187: {  	v0 =	vnsel vm7, $0x0, v0  }
0x188: {  	v0 =	vmin.u32 v0, $0x7FF  }
0x189: {  	v2 =	vld [tilespmem:s28+$0xFFFFFD90]  }
0x18a: {  	v1 =	vld [tilespmem:s28+$0xFFFFFD10]  }
0x18b: {  	v3 =	vld [tilespmem:s28+$0xFFFFFE10]  }
0x18c: {  	v4 =	vld [tilespmem:s28+$0xFFFFFE90]  }
0x18d: {  	v0 =	vld.idx.msk [tilespmem:v0+s5+$0x0], $0xffff  }
0x18e: {  	v5 =	vld [tilespmem:s28+$0xFFFFFC90]  }
0x18f: {  	v6 =	vld [tilespmem:s28+$0xFFFFFC10];
	v1 =	vsub.s32 v2, v1  }
0x190: {  	vm8 =	vgt.s32 v1, $0x0  }
0x191: {  	s26 =	simm.s32 $0x149F0;
	v2 =	vsub.s32 v4, v3;
	v1 =	vnsel vm8, $0x0, v1  }
0x192: {  	vm9 =	vgt.s32 v2, $0x0;
	v1 =	vmin.u32 v1, $0x7FF;
	[tilespmem:s26+$0xFFFFFF90] =	vst v0  }
0x193: {  	v0 =	vnsel vm9, $0x0, v2;
	v2 =	vld [tilespmem:s28+$0xFFFFFF20]  }
0x194: {  	v3 =	vsub.s32 v5, v6;
	v0 =	vmin.u32 v0, $0x7FF;
	v4 =	vld [tilespmem:s28+$0xFFFFFFA0]  }
0x195: {  	vm10 =	vgt.s32 v3, $0x0  }
0x196: {  	v3 =	vnsel vm10, $0x0, v3  }
0x197: {  	v3 =	vmin.u32 v3, $0x7FF;
	v1 =	vld.idx.msk [tilespmem:v1+s5+$0x0], $0xffff;
	_ =	sdelay $0x1  }
0x198: {  	v0 =	vld.idx.msk [tilespmem:v0+s5+$0x0], $0xffff;
	v2 =	vsub.s32 v4, v2  }
0x199: {  	vm11 =	vgt.s32 v2, $0x0  }
0x19a: {  	v2 =	vnsel vm11, $0x0, v2  }
0x19b: {  	v3 =	vld.idx.msk [tilespmem:v3+s5+$0x0], $0xffff;
	[tilespmem:s26+$0xFFFFFE90] =	vst v1;
	v1 =	vmin.u32 v2, $0x7FF  }
0x19c: {  	v4 =	vld [tilespmem:s28+$0xFFFFFDA0]  }
0x19d: {  	v2 =	vld [tilespmem:s28+$0xFFFFFD20];
	[tilespmem:s26+$0xFFFFFF10] =	vst v0  }
0x19e: {  	v0 =	vld [tilespmem:s28+$0xFFFFFE20]  }
0x19f: {  	v5 =	vld [tilespmem:s28+$0xFFFFFEA0]  }
0x1a0: {  	[tilespmem:s26+$0xFFFFFE10] =	vst v3;
	v1 =	vld.idx.msk [tilespmem:v1+s5+$0x0], $0xffff  }
0x1a1: {  	v3 =	vld [tilespmem:s28+$0xFFFFFC20]  }
0x1a2: {  	v2 =	vsub.s32 v4, v2;
	v4 =	vld [tilespmem:s28+$0xFFFFFCA0]  }
0x1a3: {  	vm12 =	vgt.s32 v2, $0x0  }
0x1a4: {  	v2 =	vnsel vm12, $0x0, v2;
	v0 =	vsub.s32 v5, v0  }
0x1a5: {  	v2 =	vmin.u32 v2, $0x7FF;
	vm13 =	vgt.s32 v0, $0x0;
	[tilespmem:s26+$0xFFFFFFA0] =	vst v1  }
0x1a6: {  	v0 =	vnsel vm13, $0x0, v0;
	v1 =	vld [tilespmem:s28+$0xFFFFFF30]  }
0x1a7: {  	v3 =	vsub.s32 v4, v3;
	v0 =	vmin.u32 v0, $0x7FF;
	v4 =	vld [tilespmem:s28+$0xFFFFFFB0]  }
0x1a8: {  	vm14 =	vgt.s32 v3, $0x0  }
0x1a9: {  	v3 =	vnsel vm14, $0x0, v3  }
0x1aa: {  	v2 =	vld.idx.msk [tilespmem:v2+s5+$0x0], $0xffff;
	v3 =	vmin.u32 v3, $0x7FF;
	_ =	sdelay $0x1  }
0x1ab: {  	v0 =	vld.idx.msk [tilespmem:v0+s5+$0x0], $0xffff;
	v1 =	vsub.s32 v4, v1  }
0x1ac: {  	vm15 =	vgt.s32 v1, $0x0  }
0x1ad: {  	v1 =	vnsel vm15, $0x0, v1  }
0x1ae: {  	[tilespmem:s26+$0xFFFFFEA0] =	vst v2;
	v2 =	vld.idx.msk [tilespmem:v3+s5+$0x0], $0xffff;
	v1 =	vmin.u32 v1, $0x7FF  }
0x1af: {  	v3 =	vld [tilespmem:s28+$0xFFFFFD30]  }
0x1b0: {  	[tilespmem:s26+$0xFFFFFF20] =	vst v0;
	v0 =	vld [tilespmem:s28+$0xFFFFFDB0]  }
0x1b1: {  	v4 =	vld [tilespmem:s28+$0xFFFFFE30]  }
0x1b2: {  	v5 =	vld [tilespmem:s28+$0xFFFFFEB0]  }
0x1b3: {  	[tilespmem:s26+$0xFFFFFE20] =	vst v2;
	v1 =	vld.idx.msk [tilespmem:v1+s5+$0x0], $0xffff  }
0x1b4: {  	v2 =	vld [tilespmem:s28+$0xFFFFFC30]  }
0x1b5: {  	v6 =	vld [tilespmem:s28+$0xFFFFFCB0];
	_ =	sdelay $0x1  }
0x1b6: {  	v0 =	vsub.s32 v0, v3  }
0x1b7: {  	vm4 =	vgt.s32 v0, $0x0;
	[tilespmem:s26+$0xFFFFFFB0] =	vst v1  }
0x1b8: {  	v0 =	vnsel vm4, $0x0, v0;
	v1 =	vld [tilespmem:s28+$0xFFFFFF40]  }
0x1b9: {  	v3 =	vsub.s32 v5, v4;
	v0 =	vmin.u32 v0, $0x7FF;
	v2 =	vsub.s32 v6, v2;
	v4 =	vld [tilespmem:s28+$0xFFFFFFC0]  }
0x1ba: {  	vm6 =	vgt.s32 v2, $0x0  }
0x1bb: {  	v2 =	vnsel vm6, $0x0, v2  }
0x1bc: {  	vm5 =	vgt.s32 v3, $0x0;
	v2 =	vmin.u32 v2, $0x7FF  }
0x1bd: {  	v3 =	vnsel vm5, $0x0, v3  }
0x1be: {  	v3 =	vmin.u32 v3, $0x7FF;
	v0 =	vld.idx.msk [tilespmem:v0+s5+$0x0], $0xffff;
	v1 =	vsub.s32 v4, v1  }
0x1bf: {  	vm7 =	vgt.s32 v1, $0x0  }
0x1c0: {  	v1 =	vnsel vm7, $0x0, v1  }
0x1c1: {  	v2 =	vld.idx.msk [tilespmem:v2+s5+$0x0], $0xffff;
	v1 =	vmin.u32 v1, $0x7FF;
	_ =	sdelay $0x1  }
0x1c2: {  	v3 =	vld.idx.msk [tilespmem:v3+s5+$0x0], $0xffff;
	[tilespmem:s26+$0xFFFFFEB0] =	vst v0  }
0x1c3: {  	v0 =	vld [tilespmem:s28+$0xFFFFFD40]  }
0x1c4: {  	v4 =	vld [tilespmem:s28+$0xFFFFFDC0]  }
0x1c5: {  	[tilespmem:s26+$0xFFFFFE30] =	vst v2;
	v1 =	vld.idx.msk [tilespmem:v1+s5+$0x0], $0xffff  }
0x1c6: {  	v2 =	vld [tilespmem:s28+$0xFFFFFC40]  }
0x1c7: {  	v5 =	vld [tilespmem:s28+$0xFFFFFCC0];
	_ =	sdelay $0x1  }
0x1c8: {  	[tilespmem:s26+$0xFFFFFF30] =	vst v3  }
0x1c9: {  	v3 =	vld [tilespmem:s28+$0xFFFFFE40];
	v0 =	vsub.s32 v4, v0  }
0x1ca: {  	v4 =	vld [tilespmem:s28+$0xFFFFFEC0];
	vm8 =	vgt.s32 v0, $0x0;
	[tilespmem:s26+$0xFFFFFFC0] =	vst v1  }
0x1cb: {  	v0 =	vnsel vm8, $0x0, v0;
	v2 =	vsub.s32 v5, v2;
	v1 =	vld [tilespmem:s28+$0xFFFFFF50]  }
0x1cc: {  	v0 =	vmin.u32 v0, $0x7FF;
	v5 =	vld [tilespmem:s28+$0xFFFFFFD0];
	vm9 =	vgt.s32 v2, $0x0  }
0x1cd: {  	s29 =	simm.s32 $0x8FF0;
	v2 =	vnsel vm9, $0x0, v2  }
0x1ce: {  	v7 =	vld [tilespmem:s29+$0xFFFFFD90];
	v2 =	vmin.u32 v2, $0x7FF  }
0x1cf: {  	v6 =	vld [tilespmem:s29+$0xFFFFFD10]  }
0x1d0: {  	v3 =	vsub.s32 v4, v3;
	v4 =	vld [tilespmem:s29+$0xFFFFFF10]  }
0x1d1: {  	vm10 =	vgt.s32 v3, $0x0;
	v0 =	vld.idx.msk [tilespmem:v0+s5+$0x0], $0xffff;
	v1 =	vsub.s32 v5, v1  }
0x1d2: {  	v3 =	vnsel vm10, $0x0, v3;
	v5 =	vld [tilespmem:s29+$0xFFFFFF90];
	vm11 =	vgt.s32 v1, $0x0  }
0x1d3: {  	v3 =	vmin.u32 v3, $0x7FF;
	v1 =	vnsel vm11, $0x0, v1;
	v2 =	vld.idx.msk [tilespmem:v2+s5+$0x0], $0xffff  }
0x1d4: {  	v8 =	vld [tilespmem:s29+$0xFFFFFE10];
	v1 =	vmin.u32 v1, $0x7FF  }
0x1d5: {  	v46 =	vld [tilespmem:s29+$0xFFFFFC90]  }
0x1d6: {  	v11 =	vld [tilespmem:s29+$0xFFFFFC10];
	v6 =	vsub.s32 v7, v6  }
0x1d7: {  	vm13 =	vgt.s32 v6, $0x0;
	[tilespmem:s26+$0xFFFFFEC0] =	vst v0;
	v4 =	vsub.s32 v5, v4;
	v5 =	vld [tilespmem:s29+$0xFFFFFE90]  }
0x1d8: {  	v0 =	vld.idx.msk [tilespmem:v3+s5+$0x0], $0xffff;
	[tilespmem:s26+$0xFFFFFE40] =	vst v2;
	v2 =	vnsel vm13, $0x0, v6  }
0x1d9: {  	v1 =	vld.idx.msk [tilespmem:v1+s5+$0x0], $0xffff;
	v2 =	vmin.u32 v2, $0x7FF  }
0x1da: {  	v3 =	vld [tilespmem:s28+$0xFFFFFD50]  }
0x1db: {  	v45 =	vld [tilespmem:s28+$0xFFFFFDD0]  }
0x1dc: {  	vm12 =	vgt.s32 v4, $0x0;
	v6 =	vld [tilespmem:s28+$0xFFFFFC50];
	v5 =	vsub.s32 v5, v8  }
0x1dd: {  	v4 =	vnsel vm12, $0x0, v4;
	[tilespmem:s26+$0xFFFFFF40] =	vst v0;
	v0 =	vld [tilespmem:s28+$0xFFFFFCD0];
	vm14 =	vgt.s32 v5, $0x0  }
0x1de: {  	v5 =	vnsel vm14, $0x0, v5;
	[tilespmem:s26+$0xFFFFFFD0] =	vst v1;
	v1 =	vmin.u32 v4, $0x7FF;
	v2 =	vld.idx.msk [tilespmem:v2+s5+$0x0], $0xffff  }
0x1df: {  	v8 =	vsub.s32 v46, v11;
	v5 =	vmin.u32 v5, $0x7FF;
	v4 =	vld [tilespmem:s28+$0xFFFFFF60]  }
0x1e0: {  	vm1 =	vgt.s32 v8, $0x0;
	v7 =	vld [tilespmem:s28+$0xFFFFFFE0]  }
0x1e1: {  	v8 =	vnsel vm1, $0x0, v8  }
0x1e2: {  	v47 =	vld [tilespmem:s28+$0xFFFFFED0];
	v8 =	vmin.u32 v8, $0x7FF  }
0x1e3: {  	s30 =	simm.s32 $0x14BF0;
	v3 =	vsub.s32 v45, v3;
	v1 =	vld.idx.msk [tilespmem:v1+s5+$0x0], $0xffff  }
0x1e4: {  	vm15 =	vgt.s32 v3, $0x0;
	v0 =	vsub.s32 v0, v6;
	v5 =	vld.idx.msk [tilespmem:v5+s5+$0x0], $0xffff;
	[tilespmem:s30+$0xFFFFFE90] =	vst v2  }
0x1e5: {  	v3 =	vnsel vm15, $0x0, v3;
	vm5 =	vgt.s32 v0, $0x0;
	v4 =	vsub.s32 v7, v4;
	v2 =	vld [tilespmem:s29+$0xFFFFFD20]  }
0x1e6: {  	v3 =	vmin.u32 v3, $0x7FF;
	v0 =	vnsel vm5, $0x0, v0;
	v48 =	vld [tilespmem:s29+$0xFFFFFDA0];
	vm4 =	vgt.s32 v4, $0x0  }
0x1e7: {  	v0 =	vmin.u32 v0, $0x7FF;
	v8 =	vld.idx.msk [tilespmem:v8+s5+$0x0], $0xffff;
	v4 =	vnsel vm4, $0x0, v4  }
0x1e8: {  	v7 =	vld [tilespmem:s28+$0xFFFFFE50];
	v4 =	vmin.u32 v4, $0x7FF;
	[tilespmem:s30+$0xFFFFFF90] =	vst v1  }
0x1e9: {  	v1 =	vld [tilespmem:s29+$0xFFFFFF20]  }
0x1ea: {  	v6 =	vld [tilespmem:s29+$0xFFFFFFA0]  }
0x1eb: {  	v3 =	vld.idx.msk [tilespmem:v3+s5+$0x0], $0xffff;
	v2 =	vsub.s32 v48, v2  }
0x1ec: {  	v0 =	vld.idx.msk [tilespmem:v0+s5+$0x0], $0xffff;
	vm8 =	vgt.s32 v2, $0x0  }
0x1ed: {  	[tilespmem:s30+$0xFFFFFF10] =	vst v5;
	v2 =	vnsel vm8, $0x0, v2;
	v4 =	vld.idx.msk [tilespmem:v4+s5+$0x0], $0xffff  }
0x1ee: {  	v5 =	vsub.s32 v47, v7;
	v7 =	vld [tilespmem:s29+$0xFFFFFEA0];
	v2 =	vmin.u32 v2, $0x7FF  }
0x1ef: {  	[tilespmem:s30+$0xFFFFFE10] =	vst v8;
	v1 =	vsub.s32 v6, v1;
	v6 =	vld [tilespmem:s29+$0xFFFFFE20]  }
0x1f0: {  	[tilespmem:s26+$0xFFFFFED0] =	vst v3;
	v8 =	vld [tilespmem:s29+$0xFFFFFC20];
	vm6 =	vgt.s32 v1, $0x0  }
0x1f1: {  	v52 =	vld [tilespmem:s28+$0xFFFFFDE0];
	vm7 =	vgt.s32 v5, $0x0;
	v1 =	vnsel vm6, $0x0, v1  }
0x1f2: {  	v5 =	vnsel vm7, $0x0, v5;
	v1 =	vmin.u32 v1, $0x7FF;
	[tilespmem:s26+$0xFFFFFFE0] =	vst v4;
	v4 =	vld [tilespmem:s29+$0xFFFFFCA0]  }
0x1f3: {  	v5 =	vmin.u32 v5, $0x7FF;
	v2 =	vld.idx.msk [tilespmem:v2+s5+$0x0], $0xffff  }
0x1f4: {  	v49 =	vld [tilespmem:s28+$0xFFFFFF70];
	v6 =	vsub.s32 v7, v6  }
0x1f5: {  	[tilespmem:s26+$0xFFFFFE50] =	vst v0;
	v50 =	vld [tilespmem:s28+$0xFFFFFFF0];
	vm9 =	vgt.s32 v6, $0x0  }
0x1f6: {  	v3 =	vld [tilespmem:s28+$0xFFFFFCE0];
	v0 =	vnsel vm9, $0x0, v6  }
0x1f7: {  	v1 =	vld.idx.msk [tilespmem:v1+s5+$0x0], $0xffff;
	v4 =	vsub.s32 v4, v8;
	v0 =	vmin.u32 v0, $0x7FF  }
0x1f8: {  	v5 =	vld.idx.msk [tilespmem:v5+s5+$0x0], $0xffff;
	vm10 =	vgt.s32 v4, $0x0  }
0x1f9: {  	v7 =	vld [tilespmem:s28+$0xFFFFFD60];
	v4 =	vnsel vm10, $0x0, v4  }
0x1fa: {  	v6 =	vld [tilespmem:s28+$0xFFFFFC60];
	[tilespmem:s30+$0xFFFFFEA0] =	vst v2;
	v8 =	vsub.s32 v50, v49;
	v4 =	vmin.u32 v4, $0x7FF  }
0x1fb: {  	v53 =	vld [tilespmem:s29+$0xFFFFFDB0];
	vm11 =	vgt.s32 v8, $0x0  }
0x1fc: {  	v8 =	vnsel vm11, $0x0, v8;
	[tilespmem:s30+$0xFFFFFFA0] =	vst v1;
	v0 =	vld.idx.msk [tilespmem:v0+s5+$0x0], $0xffff  }
0x1fd: {  	v8 =	vmin.u32 v8, $0x7FF;
	v1 =	vld [tilespmem:s29+$0xFFFFFF30]  }
0x1fe: {  	v51 =	vld [tilespmem:s29+$0xFFFFFFB0]  }
0x1ff: {  	[tilespmem:s26+$0xFFFFFF50] =	vst v5;
	v2 =	vld.idx.msk [tilespmem:v4+s5+$0x0], $0xffff  }
0x200: {  	v55 =	vld [tilespmem:s28+$0xFFFFFEE0]  }
0x201: {  	v4 =	vld [tilespmem:s29+$0xFFFFFD30]  }
0x202: {  	v8 =	vld.idx.msk [tilespmem:v8+s5+$0x0], $0xffff;
	[tilespmem:s30+$0xFFFFFF20] =	vst v0  }
0x203: {  	v0 =	vld [tilespmem:s29+$0xFFFFFE30]  }
0x204: {  	v1 =	vsub.s32 v51, v1;
	v54 =	vld [tilespmem:s29+$0xFFFFFEB0];
	[tilespmem:s30+$0xFFFFFE20] =	vst v2  }
0x205: {  	vm12 =	vgt.s32 v1, $0x0;
	v2 =	vsub.s32 v3, v6;
	v3 =	vld [tilespmem:s29+$0xFFFFFC30]  }
0x206: {  	v7 =	vsub.s32 v52, v7;
	v1 =	vnsel vm12, $0x0, v1;
	v5 =	vld [tilespmem:s29+$0xFFFFFCB0]  }
0x207: {  	v4 =	vsub.s32 v53, v4;
	v6 =	vld [tilespmem:s28+$0xFFFFFE60];
	v1 =	vmin.u32 v1, $0x7FF;
	vm13 =	vgt.s32 v2, $0x0  }
0x208: {  	vm15 =	vgt.s32 v7, $0x0;
	vm14 =	vgt.s32 v4, $0x0;
	v2 =	vnsel vm13, $0x0, v2  }
0x209: {  	v4 =	vnsel vm14, $0x0, v4;
	v2 =	vmin.u32 v2, $0x7FF;
	v0 =	vsub.s32 v54, v0  }
0x20a: {  	v7 =	vnsel vm15, $0x0, v7;
	[tilespmem:s26+$0xFFFFFFF0] =	vst v8;
	v4 =	vmin.u32 v4, $0x7FF;
	vm4 =	vgt.s32 v0, $0x0  }
0x20b: {  	v8 =	vld [tilespmem:s28+$0xFFFFFF80];
	v0 =	vnsel vm4, $0x0, v0;
	v3 =	vsub.s32 v5, v3;
	v5 =	vmin.u32 v7, $0x7FF  }
0x20c: {  	v6 =	vsub.s32 v55, v6;
	v1 =	vld.idx.msk [tilespmem:v1+s5+$0x0], $0xffff;
	v0 =	vmin.u32 v0, $0x7FF  }
0x20d: {  	v7 =	vld [tilespmem:s28+$0x0];
	vm6 =	vgt.s32 v6, $0x0  }
0x20e: {  	vm5 =	vgt.s32 v3, $0x0;
	v6 =	vnsel vm6, $0x0, v6;
	v2 =	vld.idx.msk [tilespmem:v2+s5+$0x0], $0xffff  }
0x20f: {  	v3 =	vnsel vm5, $0x0, v3;
	v4 =	vld.idx.msk [tilespmem:v4+s5+$0x0], $0xffff;
	v6 =	vmin.u32 v6, $0x7FF  }
0x210: {  	v3 =	vmin.u32 v3, $0x7FF;
	v5 =	vld.idx.msk [tilespmem:v5+s5+$0x0], $0xffff  }
0x211: {  	[tilespmem:s30+$0xFFFFFFB0] =	vst v1;
	v0 =	vld.idx.msk [tilespmem:v0+s5+$0x0], $0xffff  }
0x212: {  	v1 =	vld [tilespmem:s29+$0xFFFFFF40]  }
0x213: {  	v56 =	vld [tilespmem:s29+$0xFFFFFFC0]  }
0x214: {  	[tilespmem:s26+$0xFFFFFE60] =	vst v2;
	v2 =	vld.idx.msk [tilespmem:v6+s5+$0x0], $0xffff  }
0x215: {  	[tilespmem:s30+$0xFFFFFEB0] =	vst v4;
	v3 =	vld.idx.msk [tilespmem:v3+s5+$0x0], $0xffff  }
0x216: {  	v4 =	vld [tilespmem:s29+$0xFFFFFD40]  }
0x217: {  	v7 =	vsub.s32 v7, v8;
	v57 =	vld [tilespmem:s29+$0xFFFFFDC0]  }
0x218: {  	vm8 =	vgt.s32 v7, $0x0;
	v6 =	vld [tilespmem:s28+$0xFFFFFC70];
	[tilespmem:s30+$0xFFFFFF30] =	vst v0;
	v1 =	vsub.s32 v56, v1  }
0x219: {  	v7 =	vnsel vm8, $0x0, v7;
	[tilespmem:s26+$0xFFFFFEE0] =	vst v5;
	v59 =	vld [tilespmem:s29+$0xFFFFFEC0];
	vm7 =	vgt.s32 v1, $0x0  }
0x21a: {  	v5 =	vmin.u32 v7, $0x7FF;
	v7 =	vld [tilespmem:s28+$0xFFFFFD70];
	v1 =	vnsel vm7, $0x0, v1  }
0x21b: {  	[tilespmem:s30+$0xFFFFFE30] =	vst v3;
	v0 =	vmin.u32 v1, $0x7FF;
	v1 =	vld [tilespmem:s28+$0xFFFFFCF0]  }
0x21c: {  	v58 =	vld [tilespmem:s29+$0xFFFFFC40]  }
0x21d: {  	v4 =	vsub.s32 v57, v4;
	v8 =	vld [tilespmem:s29+$0xFFFFFCC0]  }
0x21e: {  	[tilespmem:s26+$0xFFFFFF60] =	vst v2;
	v3 =	vld [tilespmem:s29+$0xFFFFFE40];
	vm9 =	vgt.s32 v4, $0x0  }
0x21f: {  	v60 =	vld [tilespmem:s28+$0xFFFFFEF0];
	v4 =	vnsel vm9, $0x0, v4  }
0x220: {  	v2 =	vmin.u32 v4, $0x7FF;
	v0 =	vld.idx.msk [tilespmem:v0+s5+$0x0], $0xffff  }
0x221: {  	v4 =	vld [tilespmem:s28+$0xFFFFFDF0];
	v1 =	vsub.s32 v1, v6  }
0x222: {  	v6 =	vsub.s32 v8, v58;
	v8 =	vld [tilespmem:s28+$0xFFFFFE70];
	vm10 =	vgt.s32 v1, $0x0  }
0x223: {  	v3 =	vsub.s32 v59, v3;
	vm11 =	vgt.s32 v6, $0x0;
	v1 =	vnsel vm10, $0x0, v1  }
0x224: {  	v61 =	vld.idx.msk [tilespmem:v5+s5+$0x0], $0xffff;
	vm12 =	vgt.s32 v3, $0x0;
	v6 =	vnsel vm11, $0x0, v6;
	v1 =	vmin.u32 v1, $0x7FF  }
0x225: {  	v3 =	vnsel vm12, $0x0, v3;
	v2 =	vld.idx.msk [tilespmem:v2+s5+$0x0], $0xffff;
	v5 =	vmin.u32 v6, $0x7FF;
	[tilespmem:s30+$0xFFFFFFC0] =	vst v0  }
0x226: {  	v0 =	vmin.u32 v3, $0x7FF;
	v3 =	vsub.s32 v4, v7;
	v6 =	vld [tilespmem:s29+$0xFFFFFF50]  }
0x227: {  	v4 =	vsub.s32 v60, v8;
	vm13 =	vgt.s32 v3, $0x0;
	v7 =	vld [tilespmem:s29+$0xFFFFFFD0]  }
0x228: {  	vm14 =	vgt.s32 v4, $0x0;
	v3 =	vnsel vm13, $0x0, v3  }
0x229: {  	v4 =	vnsel vm14, $0x0, v4;
	v1 =	vld.idx.msk [tilespmem:v1+s5+$0x0], $0xffff;
	v3 =	vmin.u32 v3, $0x7FF  }
0x22a: {  	[tilespmem:s30+$0xFFFFFEC0] =	vst v2;
	v8 =	vld.idx.msk [tilespmem:v5+s5+$0x0], $0xffff;
	v63 =	vmin.u32 v4, $0x7FF  }
0x22b: {  	v4 =	vld [tilespmem:s29+$0xFFFFFD50]  }
0x22c: {  	v62 =	vld.idx.msk [tilespmem:v0+s5+$0x0], $0xffff;
	v6 =	vsub.s32 v7, v6  }
0x22d: {  	v5 =	vld [tilespmem:s29+$0xFFFFFDD0];
	vm15 =	vgt.s32 v6, $0x0  }
0x22e: {  	[tilespmem:s26+$0x0] =	vst v61;
	v2 =	vld.idx.msk [tilespmem:v3+s5+$0x0], $0xffff;
	v3 =	vnsel vm15, $0x0, v6  }
0x22f: {  	[tilespmem:s26+$0xFFFFFE70] =	vst v1;
	v1 =	vld.idx.msk [tilespmem:v63+s5+$0x0], $0xffff;
	v6 =	vmin.u32 v3, $0x7FF  }
0x230: {  	[tilespmem:s30+$0xFFFFFE40] =	vst v8;
	v0 =	vld [tilespmem:s28+$0xFFFFFC80]  }
0x231: {  	s3 =	simm.s32 $0x93F0;
	s2 =	simm.s32 $0x4;
	s0 =	simm.s32 $0x14BF0;
	v3 =	vld [tilespmem:s29+$0xFFFFFC50];
	[tilespmem:s30+$0xFFFFFF40] =	vst v62  }
.LBB2_4:
0x232: {  	v7 =	vld [tilespmem:s3+$0xFFFFFF10];
	v4 =	vsub.s32 v5, v4  }
0x233: {  	v5 =	vld [tilespmem:s3+$0xFFFFFF90];
	vm0 =	vgt.s32 v4, $0x0  }
0x234: {  	v4 =	vnsel vm0, $0x0, v4;
	v6 =	vld.idx.msk [tilespmem:v6+s5+$0x0], $0xffff;
	[tilespmem:s26+$0xFFFFFEF0] =	vst v2  }
0x235: {  	v2 =	vld [tilespmem:s3+$0xFFFFFC90];
	v4 =	vmin.u32 v4, $0x7FF  }
0x236: {  	v8 =	vld [tilespmem:s3+$0xFFFFFD10];
	[tilespmem:s26+$0xFFFFFF70] =	vst v1  }
0x237: {  	v1 =	vld [tilespmem:s3+$0xFFFFFD90]  }
0x238: {  	v9 =	vld [tilespmem:s3+$0xFFFFFE10];
	v5 =	vsub.s32 v5, v7  }
0x239: {  	v7 =	vld [tilespmem:s3+$0xFFFFFE90];
	vm0 =	vgt.s32 v5, $0x0  }
0x23a: {  	s2 =	sadd.s32 $0x4, s2;
	v10 =	vld [tilespmem:s3+$0xFFFFFC10];
	v5 =	vnsel vm0, $0x0, v5;
	[tilespmem:s30+$0xFFFFFFD0] =	vst v6  }
0x23b: {  	p0 =	slt.u32 s2, $0x7C;
	v5 =	vmin.u32 v5, $0x7FF;
	v6 =	vld [tilespmem:s29+$0xFFFFFF60]  }
0x23c: {  	v1 =	vsub.s32 v1, v8;
	v8 =	vld [tilespmem:s29+$0xFFFFFFE0]  }
0x23d: {  	vm0 =	vgt.s32 v1, $0x0;
	v11 =	vld [tilespmem:s29+$0xFFFFFCD0]  }
0x23e: {  	v1 =	vnsel vm0, $0x0, v1;
	v7 =	vsub.s32 v7, v9;
	v9 =	vld [tilespmem:s29+$0xFFFFFE50]  }
0x23f: {  	v2 =	vsub.s32 v2, v10;
	v1 =	vmin.u32 v1, $0x7FF;
	vm0 =	vgt.s32 v7, $0x0;
	v10 =	vld [tilespmem:s29+$0xFFFFFED0]  }
0x240: {  	vm1 =	vgt.s32 v2, $0x0;
	v7 =	vnsel vm0, $0x0, v7;
	v5 =	vld.idx.msk [tilespmem:v5+s5+$0x0], $0xffff  }
0x241: {  	v2 =	vnsel vm1, $0x0, v2;
	v7 =	vmin.u32 v7, $0x7FF;
	v4 =	vld.idx.msk [tilespmem:v4+s5+$0x0], $0xffff;
	v6 =	vsub.s32 v8, v6  }
0x242: {  	v2 =	vmin.u32 v2, $0x7FF;
	v3 =	vsub.s32 v11, v3;
	vm0 =	vgt.s32 v6, $0x0;
	v8 =	vld [tilespmem:s28+$0xFFFFFD00]  }
0x243: {  	vm1 =	vgt.s32 v3, $0x0;
	v6 =	vnsel vm0, $0x0, v6;
	v11 =	vld [tilespmem:s28+$0xFFFFFD80]  }
0x244: {  	v1 =	vld.idx.msk [tilespmem:v1+s5+$0x0], $0xffff;
	v3 =	vnsel vm1, $0x0, v3;
	v9 =	vsub.s32 v10, v9;
	v6 =	vmin.u32 v6, $0x7FF  }
0x245: {  	s30 =	sadd.s32 $0x200, s30;
	v3 =	vmin.u32 v3, $0x7FF;
	vm0 =	vgt.s32 v9, $0x0;
	v10 =	vld [tilespmem:s28+$0xFFFFFE00]  }
0x246: {  	v7 =	vld.idx.msk [tilespmem:v7+s5+$0x0], $0xffff;
	[tilespmem:s30+$0xFFFFFF90] =	vst v5;
	v5 =	vnsel vm0, $0x0, v9  }
0x247: {  	v9 =	vld [tilespmem:s3+$0xFFFFFF20];
	[tilespmem:s0+$0xFFFFFED0] =	vst v4;
	v4 =	vmin.u32 v5, $0x7FF;
	v0 =	vsub.s32 v8, v0  }
0x248: {  	v5 =	vld [tilespmem:s3+$0xFFFFFFA0];
	vm0 =	vgt.s32 v0, $0x0  }
0x249: {  	v6 =	vld.idx.msk [tilespmem:v6+s5+$0x0], $0xffff;
	v0 =	vnsel vm0, $0x0, v0  }
0x24a: {  	v2 =	vld.idx.msk [tilespmem:v2+s5+$0x0], $0xffff;
	[tilespmem:s30+$0xFFFFFE90] =	vst v1;
	v1 =	vmin.u32 v0, $0x7FF;
	v0 =	vsub.s32 v10, v11  }
0x24b: {  	v8 =	vld [tilespmem:s3+$0xFFFFFD20];
	vm0 =	vgt.s32 v0, $0x0  }
0x24c: {  	v10 =	vld [tilespmem:s3+$0xFFFFFDA0];
	[tilespmem:s30+$0xFFFFFF10] =	vst v7;
	v0 =	vnsel vm0, $0x0, v0  }
0x24d: {  	v7 =	vld [tilespmem:s3+$0xFFFFFE20];
	v5 =	vsub.s32 v5, v9;
	v0 =	vmin.u32 v0, $0x7FF  }
0x24e: {  	v9 =	vld [tilespmem:s3+$0xFFFFFEA0];
	vm0 =	vgt.s32 v5, $0x0  }
0x24f: {  	v5 =	vnsel vm0, $0x0, v5;
	v3 =	vld.idx.msk [tilespmem:v3+s5+$0x0], $0xffff;
	[tilespmem:s0+$0xFFFFFFE0] =	vst v6  }
0x250: {  	[tilespmem:s30+$0xFFFFFE10] =	vst v2;
	v2 =	vmin.u32 v5, $0x7FF;
	v5 =	vld [tilespmem:s29+$0xFFFFFF70]  }
0x251: {  	v6 =	vsub.s32 v10, v8;
	v8 =	vld [tilespmem:s29+$0xFFFFFFF0]  }
0x252: {  	v10 =	vld [tilespmem:s3+$0xFFFFFC20];
	vm0 =	vgt.s32 v6, $0x0  }
0x253: {  	v11 =	vld [tilespmem:s3+$0xFFFFFCA0];
	v6 =	vnsel vm0, $0x0, v6;
	v7 =	vsub.s32 v9, v7  }
0x254: {  	v6 =	vmin.u32 v6, $0x7FF;
	vm0 =	vgt.s32 v7, $0x0;
	v4 =	vld.idx.msk [tilespmem:v4+s5+$0x0], $0xffff  }
0x255: {  	v7 =	vnsel vm0, $0x0, v7;
	v2 =	vld.idx.msk [tilespmem:v2+s5+$0x0], $0xffff;
	[tilespmem:s0+$0xFFFFFE50] =	vst v3  }
0x256: {  	v3 =	vmin.u32 v7, $0x7FF;
	v7 =	vld [tilespmem:s29+$0xFFFFFC60];
	v5 =	vsub.s32 v8, v5  }
0x257: {  	v8 =	vld [tilespmem:s29+$0xFFFFFCE0];
	vm0 =	vgt.s32 v5, $0x0  }
0x258: {  	v9 =	vsub.s32 v11, v10;
	v10 =	vld [tilespmem:s29+$0xFFFFFD60];
	v5 =	vnsel vm0, $0x0, v5  }
0x259: {  	vm0 =	vgt.s32 v9, $0x0;
	v6 =	vld.idx.msk [tilespmem:v6+s5+$0x0], $0xffff;
	v5 =	vmin.u32 v5, $0x7FF  }
0x25a: {  	v9 =	vnsel vm0, $0x0, v9;
	v11 =	vld [tilespmem:s29+$0xFFFFFDE0];
	[tilespmem:s0+$0xFFFFFF50] =	vst v4  }
0x25b: {  	v4 =	vmin.u32 v9, $0x7FF;
	v3 =	vld.idx.msk [tilespmem:v3+s5+$0x0], $0xffff;
	[tilespmem:s30+$0xFFFFFFA0] =	vst v2  }
0x25c: {  	v2 =	vld [tilespmem:s3+$0xFFFFFF30];
	v7 =	vsub.s32 v8, v7  }
0x25d: {  	v8 =	vld [tilespmem:s3+$0xFFFFFFB0];
	vm0 =	vgt.s32 v7, $0x0  }
0x25e: {  	v7 =	vnsel vm0, $0x0, v7;
	v5 =	vld.idx.msk [tilespmem:v5+s5+$0x0], $0xffff  }
0x25f: {  	[tilespmem:s30+$0xFFFFFEA0] =	vst v6;
	v6 =	vmin.u32 v7, $0x7FF;
	v7 =	vsub.s32 v11, v10;
	v9 =	vld [tilespmem:s29+$0xFFFFFE60]  }
0x260: {  	v4 =	vld.idx.msk [tilespmem:v4+s5+$0x0], $0xffff;
	vm0 =	vgt.s32 v7, $0x0  }
0x261: {  	v10 =	vld [tilespmem:s3+$0xFFFFFD30];
	[tilespmem:s30+$0xFFFFFF20] =	vst v3;
	v3 =	vnsel vm0, $0x0, v7  }
0x262: {  	v7 =	vld [tilespmem:s3+$0xFFFFFDB0];
	v2 =	vsub.s32 v8, v2;
	v3 =	vmin.u32 v3, $0x7FF  }
0x263: {  	v8 =	vld [tilespmem:s3+$0xFFFFFE30];
	vm0 =	vgt.s32 v2, $0x0  }
0x264: {  	v11 =	vld [tilespmem:s3+$0xFFFFFEB0];
	v2 =	vnsel vm0, $0x0, v2;
	[tilespmem:s0+$0xFFFFFFF0] =	vst v5  }
0x265: {  	v2 =	vmin.u32 v2, $0x7FF;
	v5 =	vld [tilespmem:s29+$0xFFFFFF80]  }
0x266: {  	[tilespmem:s30+$0xFFFFFE20] =	vst v4;
	v4 =	vld [tilespmem:s29+$0x0]  }
0x267: {  	v12 =	vld [tilespmem:s3+$0xFFFFFC30];
	v7 =	vsub.s32 v7, v10  }
0x268: {  	v10 =	vld [tilespmem:s3+$0xFFFFFCB0];
	vm0 =	vgt.s32 v7, $0x0  }
0x269: {  	v7 =	vnsel vm0, $0x0, v7;
	v8 =	vsub.s32 v11, v8;
	v11 =	vld [tilespmem:s29+$0xFFFFFEE0]  }
0x26a: {  	v7 =	vmin.u32 v7, $0x7FF;
	vm0 =	vgt.s32 v8, $0x0;
	v2 =	vld.idx.msk [tilespmem:v2+s5+$0x0], $0xffff  }
0x26b: {  	v8 =	vnsel vm0, $0x0, v8;
	v6 =	vld.idx.msk [tilespmem:v6+s5+$0x0], $0xffff;
	v4 =	vsub.s32 v4, v5  }
0x26c: {  	v5 =	vmin.u32 v8, $0x7FF;
	v3 =	vld.idx.msk [tilespmem:v3+s5+$0x0], $0xffff;
	vm0 =	vgt.s32 v4, $0x0  }
0x26d: {  	v8 =	vsub.s32 v10, v12;
	v4 =	vnsel vm0, $0x0, v4;
	v10 =	vld [tilespmem:s28+$0xFFFFFE80]  }
0x26e: {  	vm0 =	vgt.s32 v8, $0x0;
	v9 =	vsub.s32 v11, v9;
	v4 =	vmin.u32 v4, $0x7FF;
	v11 =	vld [tilespmem:s28+$0xFFFFFF00];
	s28 =	smov.u32 s29;
	s29 =	smov.u32 s3  }
0x26f: {  	v8 =	vnsel vm0, $0x0, v8;
	v7 =	vld.idx.msk [tilespmem:v7+s5+$0x0], $0xffff;
	vm0 =	vgt.s32 v9, $0x0  }
0x270: {  	v8 =	vmin.u32 v8, $0x7FF;
	[tilespmem:s30+$0xFFFFFFB0] =	vst v2;
	v2 =	vnsel vm0, $0x0, v9;
	v1 =	vld.idx.msk [tilespmem:v1+s5+$0x0], $0xffff  }
0x271: {  	v9 =	vld [tilespmem:s3+$0xFFFFFF40];
	[tilespmem:s0+$0xFFFFFE60] =	vst v6;
	v2 =	vmin.u32 v2, $0x7FF  }
0x272: {  	v6 =	vld [tilespmem:s3+$0xFFFFFFC0];
	[tilespmem:s0+$0xFFFFFEE0] =	vst v3  }
0x273: {  	v3 =	vld.idx.msk [tilespmem:v4+s5+$0x0], $0xffff;
	v4 =	vsub.s32 v11, v10  }
0x274: {  	v5 =	vld.idx.msk [tilespmem:v5+s5+$0x0], $0xffff;
	vm0 =	vgt.s32 v4, $0x0  }
0x275: {  	v8 =	vld.idx.msk [tilespmem:v8+s5+$0x0], $0xffff;
	[tilespmem:s30+$0xFFFFFEB0] =	vst v7;
	v4 =	vnsel vm0, $0x0, v4  }
0x276: {  	v7 =	vld [tilespmem:s3+$0xFFFFFD40];
	[tilespmem:s26+$0xFFFFFE80] =	vst v1;
	v1 =	vmin.u32 v4, $0x7FF  }
0x277: {  	v4 =	vld [tilespmem:s3+$0xFFFFFDC0];
	v6 =	vsub.s32 v6, v9  }
0x278: {  	vm0 =	vgt.s32 v6, $0x0;
	v2 =	vld.idx.msk [tilespmem:v2+s5+$0x0], $0xffff  }
0x279: {  	v6 =	vnsel vm0, $0x0, v6;
	v9 =	vld [tilespmem:s28+$0xFFFFFC70];
	[tilespmem:s0+$0x0] =	vst v3  }
0x27a: {  	[tilespmem:s30+$0xFFFFFF30] =	vst v5;
	v3 =	vmin.u32 v6, $0x7FF;
	v5 =	vld [tilespmem:s28+$0xFFFFFCF0]  }
0x27b: {  	[tilespmem:s30+$0xFFFFFE30] =	vst v8;
	v6 =	vld [tilespmem:s3+$0xFFFFFE40]  }
0x27c: {  	v8 =	vld [tilespmem:s3+$0xFFFFFC40];
	v4 =	vsub.s32 v4, v7  }
0x27d: {  	v7 =	vld [tilespmem:s3+$0xFFFFFCC0];
	vm0 =	vgt.s32 v4, $0x0  }
0x27e: {  	v4 =	vnsel vm0, $0x0, v4;
	v10 =	vld [tilespmem:s3+$0xFFFFFEC0];
	[tilespmem:s0+$0xFFFFFF60] =	vst v2  }
0x27f: {  	v2 =	vmin.u32 v4, $0x7FF;
	v3 =	vld.idx.msk [tilespmem:v3+s5+$0x0], $0xffff;
	v4 =	vsub.s32 v5, v9  }
0x280: {  	vm0 =	vgt.s32 v4, $0x0;
	v5 =	vld [tilespmem:s28+$0xFFFFFD70]  }
0x281: {  	v4 =	vnsel vm0, $0x0, v4;
	v9 =	vld [tilespmem:s28+$0xFFFFFDF0]  }
0x282: {  	v7 =	vsub.s32 v7, v8;
	v4 =	vmin.u32 v4, $0x7FF;
	v8 =	vld [tilespmem:s28+$0xFFFFFE70]  }
0x283: {  	vm0 =	vgt.s32 v7, $0x0;
	v6 =	vsub.s32 v10, v6;
	v10 =	vld [tilespmem:s28+$0xFFFFFEF0]  }
0x284: {  	v7 =	vnsel vm0, $0x0, v7;
	v2 =	vld.idx.msk [tilespmem:v2+s5+$0x0], $0xffff;
	vm0 =	vgt.s32 v6, $0x0  }
0x285: {  	v7 =	vmin.u32 v7, $0x7FF;
	v6 =	vnsel vm0, $0x0, v6;
	[tilespmem:s30+$0xFFFFFFC0] =	vst v3;
	v0 =	vld.idx.msk [tilespmem:v0+s5+$0x0], $0xffff  }
0x286: {  	v3 =	vmin.u32 v6, $0x7FF;
	v6 =	vld [tilespmem:s3+$0xFFFFFF50];
	v5 =	vsub.s32 v9, v5  }
0x287: {  	v9 =	vld [tilespmem:s3+$0xFFFFFFD0];
	vm0 =	vgt.s32 v5, $0x0  }
0x288: {  	v11 =	vld.idx.msk [tilespmem:v4+s5+$0x0], $0xffff;
	v4 =	vnsel vm0, $0x0, v5;
	v5 =	vsub.s32 v10, v8  }
0x289: {  	v8 =	vmin.u32 v4, $0x7FF;
	vm0 =	vgt.s32 v5, $0x0;
	v1 =	vld.idx.msk [tilespmem:v1+s5+$0x0], $0xffff  }
0x28a: {  	v7 =	vld.idx.msk [tilespmem:v7+s5+$0x0], $0xffff;
	[tilespmem:s30+$0xFFFFFEC0] =	vst v2;
	v2 =	vnsel vm0, $0x0, v5  }
0x28b: {  	v10 =	vld.idx.msk [tilespmem:v3+s5+$0x0], $0xffff;
	v3 =	vmin.u32 v2, $0x7FF;
	[tilespmem:s26+$0xFFFFFF00] =	vst v0  }
0x28c: {  	v4 =	vld [tilespmem:s3+$0xFFFFFD50];
	v0 =	vsub.s32 v9, v6  }
.Ltmp3:
0x28d: {  	v5 =	vld [tilespmem:s3+$0xFFFFFDD0];
	vm0 =	vgt.s32 v0, $0x0;
	(pc) =	sbr.rel @p0 .LBB2_4-.Ltmp3, $4  }
0x28e: {  	v0 =	vnsel vm0, $0x0, v0;
	[tilespmem:s0+$0xFFFFFE70] =	vst v11;
	v2 =	vld.idx.msk [tilespmem:v8+s5+$0x0], $0xffff  }
0x28f: {  	v6 =	vmin.u32 v0, $0x7FF;
	v0 =	vld [tilespmem:s28+$0xFFFFFC80];
	[tilespmem:s26+$0xFFFFFF80] =	vst v1;
	s26 =	smov.u32 s0;
	s0 =	smov.u32 s30  }
0x290: {  	[tilespmem:s30+$0xFFFFFE40] =	vst v7;
	v1 =	vld.idx.msk [tilespmem:v3+s5+$0x0], $0xffff  }
0x291: {  	s3 =	sadd.s32 $0x400, s3;
	v3 =	vld [tilespmem:s29+$0xFFFFFC50];
	[tilespmem:s30+$0xFFFFFF40] =	vst v10  }
0x292: {  	v7 =	vld [tilespmem:s29+$0xFFFFFCD0]  }
0x293: {  	v8 =	vld [tilespmem:s29+$0xFFFFFE50]  }
0x294: {  	v9 =	vld [tilespmem:s29+$0xFFFFFED0]  }
0x295: {  	v4 =	vsub.s32 v5, v4  }
0x296: {  	v30 =	vld.idx.msk [tilespmem:v6+s5+$0x0], $0xffff;
	vm12 =	vgt.s32 v4, $0x0  }
0x297: {  	v4 =	vnsel vm12, $0x0, v4;
	v3 =	vsub.s32 v7, v3  }
0x298: {  	v4 =	vmin.u32 v4, $0x7FF;
	vm0 =	vgt.s32 v3, $0x0  }
0x299: {  	v31 =	vsub.s32 v9, v8;
	v3 =	vnsel vm0, $0x0, v3  }
0x29a: {  	vm13 =	vgt.s32 v31, $0x0;
	v3 =	vmin.u32 v3, $0x7FF  }
0x29b: {  	[tilespmem:s30+$0xFFFFFFD0] =	vst v30;
	v6 =	vnsel vm13, $0x0, v31  }
0x29c: {  	v33 =	vld [tilespmem:s29+$0xFFFFFF60];
	v32 =	vmin.u32 v6, $0x7FF  }
0x29d: {  	v4 =	vld.idx.msk [tilespmem:v4+s5+$0x0], $0xffff  }
0x29e: {  	v34 =	vld [tilespmem:s29+$0xFFFFFFE0]  }
0x29f: {  	v3 =	vld.idx.msk [tilespmem:v3+s5+$0x0], $0xffff;
	_ =	sdelay $0x1  }
0x2a0: {  	v5 =	vld.idx.msk [tilespmem:v32+s5+$0x0], $0xffff  }
0x2a1: {  	[tilespmem:s0+$0xFFFFFED0] =	vst v4  }
0x2a2: {  	v37 =	vld [tilespmem:s29+$0xFFFFFD60]  }
0x2a3: {  	v6 =	vsub.s32 v34, v33;
	v38 =	vld [tilespmem:s29+$0xFFFFFDE0];
	[tilespmem:s0+$0xFFFFFE50] =	vst v3  }
0x2a4: {  	vm14 =	vgt.s32 v6, $0x0;
	v3 =	vld [tilespmem:s29+$0xFFFFFC60]  }
0x2a5: {  	v36 =	vnsel vm14, $0x0, v6;
	[tilespmem:s0+$0xFFFFFF50] =	vst v5;
	v35 =	vld [tilespmem:s29+$0xFFFFFCE0]  }
0x2a6: {  	v4 =	vmin.u32 v36, $0x7FF;
	v5 =	vld [tilespmem:s29+$0xFFFFFE60]  }
0x2a7: {  	v39 =	vld [tilespmem:s29+$0xFFFFFEE0]  }
0x2a8: {  	v6 =	vsub.s32 v38, v37  }
0x2a9: {  	vm4 =	vgt.s32 v6, $0x0  }
0x2aa: {  	v6 =	vnsel vm4, $0x0, v6;
	v3 =	vsub.s32 v35, v3  }
0x2ab: {  	v4 =	vld.idx.msk [tilespmem:v4+s5+$0x0], $0xffff;
	v6 =	vmin.u32 v6, $0x7FF;
	vm15 =	vgt.s32 v3, $0x0  }
0x2ac: {  	v5 =	vsub.s32 v39, v5;
	v3 =	vnsel vm15, $0x0, v3  }
0x2ad: {  	vm5 =	vgt.s32 v5, $0x0;
	v3 =	vmin.u32 v3, $0x7FF  }
0x2ae: {  	v5 =	vnsel vm5, $0x0, v5  }
0x2af: {  	v40 =	vmin.u32 v5, $0x7FF  }
0x2b0: {  	[tilespmem:s0+$0xFFFFFFE0] =	vst v4;
	v6 =	vld.idx.msk [tilespmem:v6+s5+$0x0], $0xffff  }
0x2b1: {  	v41 =	vld [tilespmem:s29+$0xFFFFFF70]  }
0x2b2: {  	v3 =	vld.idx.msk [tilespmem:v3+s5+$0x0], $0xffff  }
0x2b3: {  	v42 =	vld [tilespmem:s29+$0xFFFFFFF0]  }
0x2b4: {  	v43 =	vld.idx.msk [tilespmem:v40+s5+$0x0], $0xffff  }
0x2b5: {  	[tilespmem:s0+$0xFFFFFEE0] =	vst v6  }
0x2b6: {  	v6 =	vld [tilespmem:s29+$0xFFFFFD70]  }
0x2b7: {  	v46 =	vld [tilespmem:s29+$0xFFFFFDF0];
	[tilespmem:s0+$0xFFFFFE60] =	vst v3  }
0x2b8: {  	v44 =	vld [tilespmem:s29+$0xFFFFFC70]  }
0x2b9: {  	v5 =	vsub.s32 v42, v41;
	[tilespmem:s0+$0xFFFFFF60] =	vst v43;
	v45 =	vld [tilespmem:s29+$0xFFFFFCF0]  }
0x2ba: {  	vm6 =	vgt.s32 v5, $0x0;
	v48 =	vld [tilespmem:s29+$0xFFFFFE70]  }
0x2bb: {  	v5 =	vnsel vm6, $0x0, v5;
	v49 =	vld [tilespmem:s29+$0xFFFFFEF0]  }
0x2bc: {  	v5 =	vmin.u32 v5, $0x7FF;
	v6 =	vsub.s32 v46, v6  }
0x2bd: {  	vm8 =	vgt.s32 v6, $0x0  }
0x2be: {  	v6 =	vnsel vm8, $0x0, v6;
	v47 =	vsub.s32 v45, v44  }
0x2bf: {  	v50 =	vld [tilespmem:s28+$0xFFFFFD00];
	[tilespmem:s26+$0xFFFFFEF0] =	vst v2;
	v6 =	vmin.u32 v6, $0x7FF;
	vm7 =	vgt.s32 v47, $0x0  }
0x2c0: {  	v51 =	vld [tilespmem:s28+$0xFFFFFD80];
	v4 =	vsub.s32 v49, v48;
	v3 =	vnsel vm7, $0x0, v47  }
0x2c1: {  	v5 =	vld.idx.msk [tilespmem:v5+s5+$0x0], $0xffff;
	vm9 =	vgt.s32 v4, $0x0;
	v3 =	vmin.u32 v3, $0x7FF  }
0x2c2: {  	v52 =	vld [tilespmem:s28+$0xFFFFFE00];
	[tilespmem:s26+$0xFFFFFF70] =	vst v1;
	v4 =	vnsel vm9, $0x0, v4  }
0x2c3: {  	v55 =	vld [tilespmem:s28+$0xFFFFFE80];
	v4 =	vmin.u32 v4, $0x7FF  }
0x2c4: {  	v54 =	vld.idx.msk [tilespmem:v6+s5+$0x0], $0xffff  }
0x2c5: {  	v10 =	vld [tilespmem:s28+$0xFFFFFF00]  }
0x2c6: {  	[tilespmem:s0+$0xFFFFFFF0] =	vst v5;
	v3 =	vld.idx.msk [tilespmem:v3+s5+$0x0], $0xffff  }
0x2c7: {  	v5 =	vld [tilespmem:s29+$0xFFFFFF80]  }
0x2c8: {  	v4 =	vld.idx.msk [tilespmem:v4+s5+$0x0], $0xffff  }
0x2c9: {  	v53 =	vld [tilespmem:s29+$0x0];
	[tilespmem:s0+$0xFFFFFEF0] =	vst v54  }
0x2ca: {  	v11 =	vld [tilespmem:s29+$0xFFFFFD80]  }
0x2cb: {  	v12 =	vld [tilespmem:s29+$0xFFFFFE00];
	[tilespmem:s0+$0xFFFFFE70] =	vst v3  }
0x2cc: {  	v0 =	vsub.s32 v50, v0;
	v3 =	vld [tilespmem:s29+$0xFFFFFC80]  }
0x2cd: {  	vm10 =	vgt.s32 v0, $0x0;
	[tilespmem:s0+$0xFFFFFF70] =	vst v4;
	v56 =	vld [tilespmem:s29+$0xFFFFFD00]  }
0x2ce: {  	v57 =	vsub.s32 v52, v51;
	v0 =	vnsel vm10, $0x0, v0;
	v59 =	vld [tilespmem:s29+$0xFFFFFE80]  }
0x2cf: {  	v0 =	vmin.u32 v0, $0x7FF;
	vm1 =	vgt.s32 v57, $0x0;
	v6 =	vsub.s32 v10, v55;
	v60 =	vld [tilespmem:s29+$0xFFFFFF00]  }
0x2d0: {  	v2 =	vnsel vm1, $0x0, v57;
	vm12 =	vgt.s32 v6, $0x0;
	v58 =	vsub.s32 v53, v5  }
0x2d1: {  	v2 =	vmin.u32 v2, $0x7FF;
	v6 =	vnsel vm12, $0x0, v6;
	vm11 =	vgt.s32 v58, $0x0  }
0x2d2: {  	v6 =	vmin.u32 v6, $0x7FF;
	v4 =	vnsel vm11, $0x0, v58;
	v61 =	vsub.s32 v12, v11  }
0x2d3: {  	v4 =	vmin.u32 v4, $0x7FF;
	vm14 =	vgt.s32 v61, $0x0;
	v1 =	vsub.s32 v56, v3  }
0x2d4: {  	v62 =	vnsel vm14, $0x0, v61;
	v3 =	vsub.s32 v60, v59;
	vm13 =	vgt.s32 v1, $0x0  }
0x2d5: {  	v5 =	vmin.u32 v62, $0x7FF;
	vm15 =	vgt.s32 v3, $0x0;
	v1 =	vnsel vm13, $0x0, v1  }
0x2d6: {  	v0 =	vld.idx.msk [tilespmem:v0+s5+$0x0], $0xffff;
	v3 =	vnsel vm15, $0x0, v3;
	v1 =	vmin.u32 v1, $0x7FF  }
0x2d7: {  	v2 =	vld.idx.msk [tilespmem:v2+s5+$0x0], $0xffff;
	v3 =	vmin.u32 v3, $0x7FF  }
0x2d8: {  	v6 =	vld.idx.msk [tilespmem:v6+s5+$0x0], $0xffff  }
0x2d9: {  	v4 =	vld.idx.msk [tilespmem:v4+s5+$0x0], $0xffff  }
0x2da: {  	v63 =	vld.idx.msk [tilespmem:v5+s5+$0x0], $0xffff  }
0x2db: {  	[tilespmem:s26+$0xFFFFFE80] =	vst v0;
	v1 =	vld.idx.msk [tilespmem:v1+s5+$0x0], $0xffff  }
0x2dc: {  	[tilespmem:s26+$0xFFFFFF00] =	vst v2;
	v3 =	vld.idx.msk [tilespmem:v3+s5+$0x0], $0xffff  }
0x2dd: {  	[tilespmem:s26+$0xFFFFFF80] =	vst v6  }
0x2de: {  	[tilespmem:s0+$0x0] =	vst v4  }
0x2df: {  	[tilespmem:s0+$0xFFFFFF00] =	vst v63  }
0x2e0: {  	[tilespmem:s0+$0xFFFFFE80] =	vst v1  }
0x2e1: {  	[tilespmem:s0+$0xFFFFFF80] =	vst v3  }
0x2e2: {  	[hbm4b:s11+s5] =	stream.linear.scatter [tilespmem:s22], [sflag:$0x4], $0x4000, $0x38;
	[tilespmem:$0x18800] =	vst v63  }
0x2e3: {  	s26 =	simm.s32 $0x1  }
0x2e4: {  	[tilespmem:s17], [sflag:$0x2] =	stream.linear.gather [hbm4b:s12+s5], $0x8000, $0x38;
	[tilespmem:$0x18800] =	vst v63  }
.LBB2_6:
0x2e5: {  	_ =	swait.ge [sflag:s19], $0x8000  }
0x2e6: {  	[sflag:s19] =	ssyncset.done $0x0  }
0x2e7: {  	[sflag:s19] =	ssyncadd.s32 $0xFFFF8000  }
0x2e8: {  	_ =	swait.ge [sflag:s23], $0x4000  }
0x2e9: {  	[sflag:s23] =	ssyncset.done $0x0  }
0x2ea: {  	s29 =	simm.s32 $0xA00;
	[sflag:s23] =	ssyncadd.s32 $0xFFFFC000  }
0x2eb: {  	v0 =	vld [tilespmem:s29+$0x100]  }
0x2ec: {  	v1 =	vld [tilespmem:s29+$0x180];
	_ =	sdelay $0x4  }
0x2ed: {  	v0 =	vsub.s32 v1, v0  }
0x2ee: {  	vm0 =	vgt.s32 v0, $0x0  }
0x2ef: {  	v0 =	vnsel vm0, $0x0, v0  }
0x2f0: {  	v0 =	vmin.u32 v0, $0x7FF  }
0x2f1: {  	v2 =	vld [tilespmem:s29+$0xFFFFFF80]  }
0x2f2: {  	v1 =	vld [tilespmem:s29+$0xFFFFFF00]  }
0x2f3: {  	v3 =	vld [tilespmem:s29+$0x0]  }
0x2f4: {  	v4 =	vld [tilespmem:s29+$0x80]  }
0x2f5: {  	v0 =	vld.idx.msk [tilespmem:v0+s5+$0x0], $0xffff  }
0x2f6: {  	v5 =	vld [tilespmem:s29+$0xFFFFFE80]  }
0x2f7: {  	v6 =	vld [tilespmem:s29+$0xFFFFFE00];
	v1 =	vsub.s32 v2, v1  }
0x2f8: {  	vm8 =	vgt.s32 v1, $0x0  }
0x2f9: {  	s28 =	simm.s32 $0x10900;
	v2 =	vsub.s32 v4, v3;
	v1 =	vnsel vm8, $0x0, v1  }
0x2fa: {  	vm9 =	vgt.s32 v2, $0x0;
	v1 =	vmin.u32 v1, $0x7FF;
	[tilespmem:s28+$0x80] =	vst v0  }
0x2fb: {  	v0 =	vnsel vm9, $0x0, v2;
	v2 =	vld [tilespmem:s29+$0x110]  }
0x2fc: {  	v3 =	vsub.s32 v5, v6;
	v0 =	vmin.u32 v0, $0x7FF;
	v4 =	vld [tilespmem:s29+$0x190]  }
0x2fd: {  	vm10 =	vgt.s32 v3, $0x0  }
0x2fe: {  	v3 =	vnsel vm10, $0x0, v3  }
0x2ff: {  	v3 =	vmin.u32 v3, $0x7FF;
	v1 =	vld.idx.msk [tilespmem:v1+s5+$0x0], $0xffff;
	_ =	sdelay $0x1  }
0x300: {  	v0 =	vld.idx.msk [tilespmem:v0+s5+$0x0], $0xffff;
	v2 =	vsub.s32 v4, v2  }
0x301: {  	vm11 =	vgt.s32 v2, $0x0  }
0x302: {  	v2 =	vnsel vm11, $0x0, v2  }
0x303: {  	v3 =	vld.idx.msk [tilespmem:v3+s5+$0x0], $0xffff;
	[tilespmem:s28+$0xFFFFFF80] =	vst v1;
	v1 =	vmin.u32 v2, $0x7FF  }
0x304: {  	v4 =	vld [tilespmem:s29+$0xFFFFFF90]  }
0x305: {  	v2 =	vld [tilespmem:s29+$0xFFFFFF10];
	[tilespmem:s28+$0x0] =	vst v0  }
0x306: {  	v0 =	vld [tilespmem:s29+$0x10]  }
0x307: {  	v5 =	vld [tilespmem:s29+$0x90]  }
0x308: {  	[tilespmem:s28+$0xFFFFFF00] =	vst v3;
	v1 =	vld.idx.msk [tilespmem:v1+s5+$0x0], $0xffff  }
0x309: {  	v3 =	vld [tilespmem:s29+$0xFFFFFE10]  }
0x30a: {  	v2 =	vsub.s32 v4, v2;
	v4 =	vld [tilespmem:s29+$0xFFFFFE90]  }
0x30b: {  	vm12 =	vgt.s32 v2, $0x0  }
0x30c: {  	v2 =	vnsel vm12, $0x0, v2;
	v0 =	vsub.s32 v5, v0  }
0x30d: {  	v2 =	vmin.u32 v2, $0x7FF;
	vm13 =	vgt.s32 v0, $0x0;
	[tilespmem:s28+$0x90] =	vst v1  }
0x30e: {  	v0 =	vnsel vm13, $0x0, v0;
	v1 =	vld [tilespmem:s29+$0x120]  }
0x30f: {  	v3 =	vsub.s32 v4, v3;
	v0 =	vmin.u32 v0, $0x7FF;
	v4 =	vld [tilespmem:s29+$0x1A0]  }
0x310: {  	vm14 =	vgt.s32 v3, $0x0  }
0x311: {  	v3 =	vnsel vm14, $0x0, v3  }
0x312: {  	v2 =	vld.idx.msk [tilespmem:v2+s5+$0x0], $0xffff;
	v3 =	vmin.u32 v3, $0x7FF;
	_ =	sdelay $0x1  }
0x313: {  	v0 =	vld.idx.msk [tilespmem:v0+s5+$0x0], $0xffff;
	v1 =	vsub.s32 v4, v1  }
0x314: {  	vm15 =	vgt.s32 v1, $0x0  }
0x315: {  	v1 =	vnsel vm15, $0x0, v1  }
0x316: {  	[tilespmem:s28+$0xFFFFFF90] =	vst v2;
	v2 =	vld.idx.msk [tilespmem:v3+s5+$0x0], $0xffff;
	v1 =	vmin.u32 v1, $0x7FF  }
0x317: {  	v3 =	vld [tilespmem:s29+$0xFFFFFF20]  }
0x318: {  	[tilespmem:s28+$0x10] =	vst v0;
	v0 =	vld [tilespmem:s29+$0xFFFFFFA0]  }
0x319: {  	v4 =	vld [tilespmem:s29+$0x20]  }
0x31a: {  	v5 =	vld [tilespmem:s29+$0xA0]  }
0x31b: {  	[tilespmem:s28+$0xFFFFFF10] =	vst v2;
	v1 =	vld.idx.msk [tilespmem:v1+s5+$0x0], $0xffff  }
0x31c: {  	v2 =	vld [tilespmem:s29+$0xFFFFFE20]  }
0x31d: {  	v6 =	vld [tilespmem:s29+$0xFFFFFEA0];
	_ =	sdelay $0x1  }
0x31e: {  	v0 =	vsub.s32 v0, v3  }
0x31f: {  	vm4 =	vgt.s32 v0, $0x0;
	[tilespmem:s28+$0xA0] =	vst v1  }
0x320: {  	v0 =	vnsel vm4, $0x0, v0;
	v1 =	vld [tilespmem:s29+$0x130]  }
0x321: {  	v3 =	vsub.s32 v5, v4;
	v0 =	vmin.u32 v0, $0x7FF;
	v2 =	vsub.s32 v6, v2;
	v4 =	vld [tilespmem:s29+$0x1B0]  }
0x322: {  	vm6 =	vgt.s32 v2, $0x0  }
0x323: {  	v2 =	vnsel vm6, $0x0, v2  }
0x324: {  	vm5 =	vgt.s32 v3, $0x0;
	v2 =	vmin.u32 v2, $0x7FF  }
0x325: {  	v3 =	vnsel vm5, $0x0, v3  }
0x326: {  	v3 =	vmin.u32 v3, $0x7FF;
	v0 =	vld.idx.msk [tilespmem:v0+s5+$0x0], $0xffff;
	v1 =	vsub.s32 v4, v1  }
0x327: {  	vm7 =	vgt.s32 v1, $0x0  }
0x328: {  	v1 =	vnsel vm7, $0x0, v1  }
0x329: {  	v2 =	vld.idx.msk [tilespmem:v2+s5+$0x0], $0xffff;
	v1 =	vmin.u32 v1, $0x7FF;
	_ =	sdelay $0x1  }
0x32a: {  	v3 =	vld.idx.msk [tilespmem:v3+s5+$0x0], $0xffff;
	[tilespmem:s28+$0xFFFFFFA0] =	vst v0  }
0x32b: {  	v0 =	vld [tilespmem:s29+$0xFFFFFF30]  }
0x32c: {  	v4 =	vld [tilespmem:s29+$0xFFFFFFB0]  }
0x32d: {  	[tilespmem:s28+$0xFFFFFF20] =	vst v2;
	v1 =	vld.idx.msk [tilespmem:v1+s5+$0x0], $0xffff  }
0x32e: {  	v2 =	vld [tilespmem:s29+$0xFFFFFE30]  }
0x32f: {  	v5 =	vld [tilespmem:s29+$0xFFFFFEB0];
	_ =	sdelay $0x1  }
0x330: {  	[tilespmem:s28+$0x20] =	vst v3  }
0x331: {  	v3 =	vld [tilespmem:s29+$0x30];
	v0 =	vsub.s32 v4, v0  }
0x332: {  	v4 =	vld [tilespmem:s29+$0xB0];
	vm8 =	vgt.s32 v0, $0x0;
	[tilespmem:s28+$0xB0] =	vst v1  }
0x333: {  	v0 =	vnsel vm8, $0x0, v0;
	v2 =	vsub.s32 v5, v2;
	v1 =	vld [tilespmem:s29+$0x140]  }
0x334: {  	v0 =	vmin.u32 v0, $0x7FF;
	v5 =	vld [tilespmem:s29+$0x1C0];
	vm9 =	vgt.s32 v2, $0x0  }
0x335: {  	s30 =	simm.s32 $0xE00;
	v2 =	vnsel vm9, $0x0, v2  }
0x336: {  	v7 =	vld [tilespmem:s30+$0xFFFFFF80];
	v2 =	vmin.u32 v2, $0x7FF  }
0x337: {  	v6 =	vld [tilespmem:s30+$0xFFFFFF00]  }
0x338: {  	v3 =	vsub.s32 v4, v3;
	v4 =	vld [tilespmem:s30+$0x100]  }
0x339: {  	vm10 =	vgt.s32 v3, $0x0;
	v0 =	vld.idx.msk [tilespmem:v0+s5+$0x0], $0xffff;
	v1 =	vsub.s32 v5, v1  }
0x33a: {  	v3 =	vnsel vm10, $0x0, v3;
	v5 =	vld [tilespmem:s30+$0x180];
	vm11 =	vgt.s32 v1, $0x0  }
0x33b: {  	v3 =	vmin.u32 v3, $0x7FF;
	v1 =	vnsel vm11, $0x0, v1;
	v2 =	vld.idx.msk [tilespmem:v2+s5+$0x0], $0xffff  }
0x33c: {  	v8 =	vld [tilespmem:s30+$0x0];
	v1 =	vmin.u32 v1, $0x7FF  }
0x33d: {  	v10 =	vld [tilespmem:s30+$0xFFFFFE80]  }
0x33e: {  	v11 =	vld [tilespmem:s30+$0xFFFFFE00];
	v6 =	vsub.s32 v7, v6  }
0x33f: {  	vm13 =	vgt.s32 v6, $0x0;
	[tilespmem:s28+$0xFFFFFFB0] =	vst v0;
	v4 =	vsub.s32 v5, v4;
	v5 =	vld [tilespmem:s30+$0x80]  }
0x340: {  	v0 =	vld.idx.msk [tilespmem:v3+s5+$0x0], $0xffff;
	[tilespmem:s28+$0xFFFFFF30] =	vst v2;
	v2 =	vnsel vm13, $0x0, v6  }
0x341: {  	v1 =	vld.idx.msk [tilespmem:v1+s5+$0x0], $0xffff;
	v2 =	vmin.u32 v2, $0x7FF  }
0x342: {  	v3 =	vld [tilespmem:s29+$0xFFFFFF40]  }
0x343: {  	v9 =	vld [tilespmem:s29+$0xFFFFFFC0]  }
0x344: {  	vm12 =	vgt.s32 v4, $0x0;
	v6 =	vld [tilespmem:s29+$0xFFFFFE40];
	v5 =	vsub.s32 v5, v8  }
0x345: {  	v4 =	vnsel vm12, $0x0, v4;
	[tilespmem:s28+$0x30] =	vst v0;
	v0 =	vld [tilespmem:s29+$0xFFFFFEC0];
	vm14 =	vgt.s32 v5, $0x0  }
0x346: {  	v5 =	vnsel vm14, $0x0, v5;
	[tilespmem:s28+$0xC0] =	vst v1;
	v1 =	vmin.u32 v4, $0x7FF;
	v2 =	vld.idx.msk [tilespmem:v2+s5+$0x0], $0xffff  }
0x347: {  	v8 =	vsub.s32 v10, v11;
	v5 =	vmin.u32 v5, $0x7FF;
	v4 =	vld [tilespmem:s29+$0x150]  }
0x348: {  	vm1 =	vgt.s32 v8, $0x0;
	v7 =	vld [tilespmem:s29+$0x1D0]  }
0x349: {  	v8 =	vnsel vm1, $0x0, v8  }
0x34a: {  	v47 =	vld [tilespmem:s29+$0xC0];
	v8 =	vmin.u32 v8, $0x7FF  }
0x34b: {  	s2 =	simm.s32 $0x10B00;
	v3 =	vsub.s32 v9, v3;
	v1 =	vld.idx.msk [tilespmem:v1+s5+$0x0], $0xffff  }
0x34c: {  	vm15 =	vgt.s32 v3, $0x0;
	v0 =	vsub.s32 v0, v6;
	v5 =	vld.idx.msk [tilespmem:v5+s5+$0x0], $0xffff;
	[tilespmem:s2+$0xFFFFFF80] =	vst v2  }
0x34d: {  	v3 =	vnsel vm15, $0x0, v3;
	vm5 =	vgt.s32 v0, $0x0;
	v4 =	vsub.s32 v7, v4;
	v2 =	vld [tilespmem:s30+$0xFFFFFF10]  }
0x34e: {  	v3 =	vmin.u32 v3, $0x7FF;
	v0 =	vnsel vm5, $0x0, v0;
	v48 =	vld [tilespmem:s30+$0xFFFFFF90];
	vm4 =	vgt.s32 v4, $0x0  }
0x34f: {  	v0 =	vmin.u32 v0, $0x7FF;
	v8 =	vld.idx.msk [tilespmem:v8+s5+$0x0], $0xffff;
	v4 =	vnsel vm4, $0x0, v4  }
0x350: {  	v7 =	vld [tilespmem:s29+$0x40];
	v4 =	vmin.u32 v4, $0x7FF;
	[tilespmem:s2+$0x80] =	vst v1  }
0x351: {  	v1 =	vld [tilespmem:s30+$0x110]  }
0x352: {  	v6 =	vld [tilespmem:s30+$0x190]  }
0x353: {  	v3 =	vld.idx.msk [tilespmem:v3+s5+$0x0], $0xffff;
	v2 =	vsub.s32 v48, v2  }
0x354: {  	v0 =	vld.idx.msk [tilespmem:v0+s5+$0x0], $0xffff;
	vm8 =	vgt.s32 v2, $0x0  }
0x355: {  	[tilespmem:s2+$0x0] =	vst v5;
	v2 =	vnsel vm8, $0x0, v2;
	v4 =	vld.idx.msk [tilespmem:v4+s5+$0x0], $0xffff  }
0x356: {  	v5 =	vsub.s32 v47, v7;
	v7 =	vld [tilespmem:s30+$0x90];
	v2 =	vmin.u32 v2, $0x7FF  }
0x357: {  	[tilespmem:s2+$0xFFFFFF00] =	vst v8;
	v1 =	vsub.s32 v6, v1;
	v6 =	vld [tilespmem:s30+$0x10]  }
0x358: {  	[tilespmem:s28+$0xFFFFFFC0] =	vst v3;
	v8 =	vld [tilespmem:s30+$0xFFFFFE10];
	vm6 =	vgt.s32 v1, $0x0  }
0x359: {  	v52 =	vld [tilespmem:s29+$0xFFFFFFD0];
	vm7 =	vgt.s32 v5, $0x0;
	v1 =	vnsel vm6, $0x0, v1  }
0x35a: {  	v5 =	vnsel vm7, $0x0, v5;
	v1 =	vmin.u32 v1, $0x7FF;
	[tilespmem:s28+$0xD0] =	vst v4;
	v4 =	vld [tilespmem:s30+$0xFFFFFE90]  }
0x35b: {  	v5 =	vmin.u32 v5, $0x7FF;
	v2 =	vld.idx.msk [tilespmem:v2+s5+$0x0], $0xffff  }
0x35c: {  	v49 =	vld [tilespmem:s29+$0x160];
	v6 =	vsub.s32 v7, v6  }
0x35d: {  	[tilespmem:s28+$0xFFFFFF40] =	vst v0;
	v50 =	vld [tilespmem:s29+$0x1E0];
	vm9 =	vgt.s32 v6, $0x0  }
0x35e: {  	v3 =	vld [tilespmem:s29+$0xFFFFFED0];
	v0 =	vnsel vm9, $0x0, v6  }
0x35f: {  	v1 =	vld.idx.msk [tilespmem:v1+s5+$0x0], $0xffff;
	v4 =	vsub.s32 v4, v8;
	v0 =	vmin.u32 v0, $0x7FF  }
0x360: {  	v5 =	vld.idx.msk [tilespmem:v5+s5+$0x0], $0xffff;
	vm10 =	vgt.s32 v4, $0x0  }
0x361: {  	v7 =	vld [tilespmem:s29+$0xFFFFFF50];
	v4 =	vnsel vm10, $0x0, v4  }
0x362: {  	v6 =	vld [tilespmem:s29+$0xFFFFFE50];
	[tilespmem:s2+$0xFFFFFF90] =	vst v2;
	v8 =	vsub.s32 v50, v49;
	v4 =	vmin.u32 v4, $0x7FF  }
0x363: {  	v53 =	vld [tilespmem:s30+$0xFFFFFFA0];
	vm11 =	vgt.s32 v8, $0x0  }
0x364: {  	v8 =	vnsel vm11, $0x0, v8;
	[tilespmem:s2+$0x90] =	vst v1;
	v0 =	vld.idx.msk [tilespmem:v0+s5+$0x0], $0xffff  }
0x365: {  	v8 =	vmin.u32 v8, $0x7FF;
	v1 =	vld [tilespmem:s30+$0x120]  }
0x366: {  	v51 =	vld [tilespmem:s30+$0x1A0]  }
0x367: {  	[tilespmem:s28+$0x40] =	vst v5;
	v2 =	vld.idx.msk [tilespmem:v4+s5+$0x0], $0xffff  }
0x368: {  	v55 =	vld [tilespmem:s29+$0xD0]  }
0x369: {  	v4 =	vld [tilespmem:s30+$0xFFFFFF20]  }
0x36a: {  	v8 =	vld.idx.msk [tilespmem:v8+s5+$0x0], $0xffff;
	[tilespmem:s2+$0x10] =	vst v0  }
0x36b: {  	v0 =	vld [tilespmem:s30+$0x20]  }
0x36c: {  	v1 =	vsub.s32 v51, v1;
	v54 =	vld [tilespmem:s30+$0xA0];
	[tilespmem:s2+$0xFFFFFF10] =	vst v2  }
0x36d: {  	vm12 =	vgt.s32 v1, $0x0;
	v2 =	vsub.s32 v3, v6;
	v3 =	vld [tilespmem:s30+$0xFFFFFE20]  }
0x36e: {  	v7 =	vsub.s32 v52, v7;
	v1 =	vnsel vm12, $0x0, v1;
	v5 =	vld [tilespmem:s30+$0xFFFFFEA0]  }
0x36f: {  	v4 =	vsub.s32 v53, v4;
	v6 =	vld [tilespmem:s29+$0x50];
	v1 =	vmin.u32 v1, $0x7FF;
	vm13 =	vgt.s32 v2, $0x0  }
0x370: {  	vm15 =	vgt.s32 v7, $0x0;
	vm14 =	vgt.s32 v4, $0x0;
	v2 =	vnsel vm13, $0x0, v2  }
0x371: {  	v4 =	vnsel vm14, $0x0, v4;
	v2 =	vmin.u32 v2, $0x7FF;
	v0 =	vsub.s32 v54, v0  }
0x372: {  	v7 =	vnsel vm15, $0x0, v7;
	[tilespmem:s28+$0xE0] =	vst v8;
	v4 =	vmin.u32 v4, $0x7FF;
	vm4 =	vgt.s32 v0, $0x0  }
0x373: {  	v8 =	vld [tilespmem:s29+$0x170];
	v0 =	vnsel vm4, $0x0, v0;
	v3 =	vsub.s32 v5, v3;
	v5 =	vmin.u32 v7, $0x7FF  }
0x374: {  	v6 =	vsub.s32 v55, v6;
	v1 =	vld.idx.msk [tilespmem:v1+s5+$0x0], $0xffff;
	v0 =	vmin.u32 v0, $0x7FF  }
0x375: {  	v7 =	vld [tilespmem:s29+$0x1F0];
	vm6 =	vgt.s32 v6, $0x0  }
0x376: {  	vm5 =	vgt.s32 v3, $0x0;
	v6 =	vnsel vm6, $0x0, v6;
	v2 =	vld.idx.msk [tilespmem:v2+s5+$0x0], $0xffff  }
0x377: {  	v3 =	vnsel vm5, $0x0, v3;
	v4 =	vld.idx.msk [tilespmem:v4+s5+$0x0], $0xffff;
	v6 =	vmin.u32 v6, $0x7FF  }
0x378: {  	v3 =	vmin.u32 v3, $0x7FF;
	v5 =	vld.idx.msk [tilespmem:v5+s5+$0x0], $0xffff  }
0x379: {  	[tilespmem:s2+$0xA0] =	vst v1;
	v0 =	vld.idx.msk [tilespmem:v0+s5+$0x0], $0xffff  }
0x37a: {  	v1 =	vld [tilespmem:s30+$0x130]  }
0x37b: {  	v56 =	vld [tilespmem:s30+$0x1B0]  }
0x37c: {  	[tilespmem:s28+$0xFFFFFF50] =	vst v2;
	v2 =	vld.idx.msk [tilespmem:v6+s5+$0x0], $0xffff  }
0x37d: {  	[tilespmem:s2+$0xFFFFFFA0] =	vst v4;
	v3 =	vld.idx.msk [tilespmem:v3+s5+$0x0], $0xffff  }
0x37e: {  	v4 =	vld [tilespmem:s30+$0xFFFFFF30]  }
0x37f: {  	v7 =	vsub.s32 v7, v8;
	v57 =	vld [tilespmem:s30+$0xFFFFFFB0]  }
0x380: {  	vm8 =	vgt.s32 v7, $0x0;
	v6 =	vld [tilespmem:s29+$0xFFFFFE60];
	[tilespmem:s2+$0x20] =	vst v0;
	v1 =	vsub.s32 v56, v1  }
0x381: {  	v7 =	vnsel vm8, $0x0, v7;
	[tilespmem:s28+$0xFFFFFFD0] =	vst v5;
	v59 =	vld [tilespmem:s30+$0xB0];
	vm7 =	vgt.s32 v1, $0x0  }
0x382: {  	v5 =	vmin.u32 v7, $0x7FF;
	v7 =	vld [tilespmem:s29+$0xFFFFFF60];
	v1 =	vnsel vm7, $0x0, v1  }
0x383: {  	[tilespmem:s2+$0xFFFFFF20] =	vst v3;
	v0 =	vmin.u32 v1, $0x7FF;
	v1 =	vld [tilespmem:s29+$0xFFFFFEE0]  }
0x384: {  	v58 =	vld [tilespmem:s30+$0xFFFFFE30]  }
0x385: {  	v4 =	vsub.s32 v57, v4;
	v8 =	vld [tilespmem:s30+$0xFFFFFEB0]  }
0x386: {  	[tilespmem:s28+$0x50] =	vst v2;
	v3 =	vld [tilespmem:s30+$0x30];
	vm9 =	vgt.s32 v4, $0x0  }
0x387: {  	v60 =	vld [tilespmem:s29+$0xE0];
	v4 =	vnsel vm9, $0x0, v4  }
0x388: {  	v2 =	vmin.u32 v4, $0x7FF;
	v0 =	vld.idx.msk [tilespmem:v0+s5+$0x0], $0xffff  }
0x389: {  	v4 =	vld [tilespmem:s29+$0xFFFFFFE0];
	v1 =	vsub.s32 v1, v6  }
0x38a: {  	v6 =	vsub.s32 v8, v58;
	v8 =	vld [tilespmem:s29+$0x60];
	vm10 =	vgt.s32 v1, $0x0  }
0x38b: {  	v3 =	vsub.s32 v59, v3;
	vm11 =	vgt.s32 v6, $0x0;
	v1 =	vnsel vm10, $0x0, v1  }
0x38c: {  	v61 =	vld.idx.msk [tilespmem:v5+s5+$0x0], $0xffff;
	vm12 =	vgt.s32 v3, $0x0;
	v6 =	vnsel vm11, $0x0, v6;
	v1 =	vmin.u32 v1, $0x7FF  }
0x38d: {  	v3 =	vnsel vm12, $0x0, v3;
	v2 =	vld.idx.msk [tilespmem:v2+s5+$0x0], $0xffff;
	v5 =	vmin.u32 v6, $0x7FF;
	[tilespmem:s2+$0xB0] =	vst v0  }
0x38e: {  	v0 =	vmin.u32 v3, $0x7FF;
	v3 =	vsub.s32 v4, v7;
	v6 =	vld [tilespmem:s30+$0x140]  }
0x38f: {  	v4 =	vsub.s32 v60, v8;
	vm13 =	vgt.s32 v3, $0x0;
	v7 =	vld [tilespmem:s30+$0x1C0]  }
0x390: {  	vm14 =	vgt.s32 v4, $0x0;
	v3 =	vnsel vm13, $0x0, v3  }
0x391: {  	v4 =	vnsel vm14, $0x0, v4;
	v1 =	vld.idx.msk [tilespmem:v1+s5+$0x0], $0xffff;
	v3 =	vmin.u32 v3, $0x7FF  }
0x392: {  	[tilespmem:s2+$0xFFFFFFB0] =	vst v2;
	v8 =	vld.idx.msk [tilespmem:v5+s5+$0x0], $0xffff;
	v63 =	vmin.u32 v4, $0x7FF  }
0x393: {  	v4 =	vld [tilespmem:s30+$0xFFFFFF40]  }
0x394: {  	v62 =	vld.idx.msk [tilespmem:v0+s5+$0x0], $0xffff;
	v6 =	vsub.s32 v7, v6  }
0x395: {  	v5 =	vld [tilespmem:s30+$0xFFFFFFC0];
	vm15 =	vgt.s32 v6, $0x0  }
0x396: {  	[tilespmem:s28+$0xF0] =	vst v61;
	v2 =	vld.idx.msk [tilespmem:v3+s5+$0x0], $0xffff;
	v3 =	vnsel vm15, $0x0, v6  }
0x397: {  	[tilespmem:s28+$0xFFFFFF60] =	vst v1;
	v1 =	vld.idx.msk [tilespmem:v63+s5+$0x0], $0xffff;
	v6 =	vmin.u32 v3, $0x7FF  }
0x398: {  	[tilespmem:s2+$0xFFFFFF30] =	vst v8;
	v0 =	vld [tilespmem:s29+$0xFFFFFE70]  }
0x399: {  	s31 =	simm.s32 $0x4;
	s3 =	simm.s32 $0x1200;
	s0 =	simm.s32 $0x10B00;
	v3 =	vld [tilespmem:s30+$0xFFFFFE40];
	[tilespmem:s2+$0x30] =	vst v62  }
.LBB2_7:
0x39a: {  	v7 =	vld [tilespmem:s3+$0x100];
	v4 =	vsub.s32 v5, v4  }
0x39b: {  	v5 =	vld [tilespmem:s3+$0x180];
	vm0 =	vgt.s32 v4, $0x0  }
0x39c: {  	v4 =	vnsel vm0, $0x0, v4;
	v6 =	vld.idx.msk [tilespmem:v6+s5+$0x0], $0xffff;
	[tilespmem:s28+$0xFFFFFFE0] =	vst v2  }
0x39d: {  	v2 =	vld [tilespmem:s3+$0xFFFFFE80];
	v4 =	vmin.u32 v4, $0x7FF  }
0x39e: {  	v8 =	vld [tilespmem:s3+$0xFFFFFF00];
	[tilespmem:s28+$0x60] =	vst v1  }
0x39f: {  	v1 =	vld [tilespmem:s3+$0xFFFFFF80]  }
0x3a0: {  	v9 =	vld [tilespmem:s3+$0x0];
	v5 =	vsub.s32 v5, v7  }
0x3a1: {  	v7 =	vld [tilespmem:s3+$0x80];
	vm0 =	vgt.s32 v5, $0x0  }
0x3a2: {  	s31 =	sadd.s32 $0x4, s31;
	v10 =	vld [tilespmem:s3+$0xFFFFFE00];
	v5 =	vnsel vm0, $0x0, v5;
	[tilespmem:s2+$0xC0] =	vst v6  }
0x3a3: {  	p0 =	slt.u32 s31, $0x7C;
	v5 =	vmin.u32 v5, $0x7FF;
	v6 =	vld [tilespmem:s30+$0x150]  }
0x3a4: {  	v1 =	vsub.s32 v1, v8;
	v8 =	vld [tilespmem:s30+$0x1D0]  }
0x3a5: {  	vm0 =	vgt.s32 v1, $0x0;
	v11 =	vld [tilespmem:s30+$0xFFFFFEC0]  }
0x3a6: {  	v1 =	vnsel vm0, $0x0, v1;
	v7 =	vsub.s32 v7, v9;
	v9 =	vld [tilespmem:s30+$0x40]  }
0x3a7: {  	v2 =	vsub.s32 v2, v10;
	v1 =	vmin.u32 v1, $0x7FF;
	vm0 =	vgt.s32 v7, $0x0;
	v10 =	vld [tilespmem:s30+$0xC0]  }
0x3a8: {  	vm1 =	vgt.s32 v2, $0x0;
	v7 =	vnsel vm0, $0x0, v7;
	v5 =	vld.idx.msk [tilespmem:v5+s5+$0x0], $0xffff  }
0x3a9: {  	v2 =	vnsel vm1, $0x0, v2;
	v7 =	vmin.u32 v7, $0x7FF;
	v4 =	vld.idx.msk [tilespmem:v4+s5+$0x0], $0xffff;
	v6 =	vsub.s32 v8, v6  }
0x3aa: {  	v2 =	vmin.u32 v2, $0x7FF;
	v3 =	vsub.s32 v11, v3;
	vm0 =	vgt.s32 v6, $0x0;
	v8 =	vld [tilespmem:s29+$0xFFFFFEF0]  }
0x3ab: {  	vm1 =	vgt.s32 v3, $0x0;
	v6 =	vnsel vm0, $0x0, v6;
	v11 =	vld [tilespmem:s29+$0xFFFFFF70]  }
0x3ac: {  	v1 =	vld.idx.msk [tilespmem:v1+s5+$0x0], $0xffff;
	v3 =	vnsel vm1, $0x0, v3;
	v9 =	vsub.s32 v10, v9;
	v6 =	vmin.u32 v6, $0x7FF  }
0x3ad: {  	s2 =	sadd.s32 $0x200, s2;
	v3 =	vmin.u32 v3, $0x7FF;
	vm0 =	vgt.s32 v9, $0x0;
	v10 =	vld [tilespmem:s29+$0xFFFFFFF0]  }
0x3ae: {  	v7 =	vld.idx.msk [tilespmem:v7+s5+$0x0], $0xffff;
	[tilespmem:s2+$0x80] =	vst v5;
	v5 =	vnsel vm0, $0x0, v9  }
0x3af: {  	v9 =	vld [tilespmem:s3+$0x110];
	[tilespmem:s0+$0xFFFFFFC0] =	vst v4;
	v4 =	vmin.u32 v5, $0x7FF;
	v0 =	vsub.s32 v8, v0  }
0x3b0: {  	v5 =	vld [tilespmem:s3+$0x190];
	vm0 =	vgt.s32 v0, $0x0  }
0x3b1: {  	v6 =	vld.idx.msk [tilespmem:v6+s5+$0x0], $0xffff;
	v0 =	vnsel vm0, $0x0, v0  }
0x3b2: {  	v2 =	vld.idx.msk [tilespmem:v2+s5+$0x0], $0xffff;
	[tilespmem:s2+$0xFFFFFF80] =	vst v1;
	v1 =	vmin.u32 v0, $0x7FF;
	v0 =	vsub.s32 v10, v11  }
0x3b3: {  	v8 =	vld [tilespmem:s3+$0xFFFFFF10];
	vm0 =	vgt.s32 v0, $0x0  }
0x3b4: {  	v10 =	vld [tilespmem:s3+$0xFFFFFF90];
	[tilespmem:s2+$0x0] =	vst v7;
	v0 =	vnsel vm0, $0x0, v0  }
0x3b5: {  	v7 =	vld [tilespmem:s3+$0x10];
	v5 =	vsub.s32 v5, v9;
	v0 =	vmin.u32 v0, $0x7FF  }
0x3b6: {  	v9 =	vld [tilespmem:s3+$0x90];
	vm0 =	vgt.s32 v5, $0x0  }
0x3b7: {  	v5 =	vnsel vm0, $0x0, v5;
	v3 =	vld.idx.msk [tilespmem:v3+s5+$0x0], $0xffff;
	[tilespmem:s0+$0xD0] =	vst v6  }
0x3b8: {  	[tilespmem:s2+$0xFFFFFF00] =	vst v2;
	v2 =	vmin.u32 v5, $0x7FF;
	v5 =	vld [tilespmem:s30+$0x160]  }
0x3b9: {  	v6 =	vsub.s32 v10, v8;
	v8 =	vld [tilespmem:s30+$0x1E0]  }
0x3ba: {  	v10 =	vld [tilespmem:s3+$0xFFFFFE10];
	vm0 =	vgt.s32 v6, $0x0  }
0x3bb: {  	v11 =	vld [tilespmem:s3+$0xFFFFFE90];
	v6 =	vnsel vm0, $0x0, v6;
	v7 =	vsub.s32 v9, v7  }
0x3bc: {  	v6 =	vmin.u32 v6, $0x7FF;
	vm0 =	vgt.s32 v7, $0x0;
	v4 =	vld.idx.msk [tilespmem:v4+s5+$0x0], $0xffff  }
0x3bd: {  	v7 =	vnsel vm0, $0x0, v7;
	v2 =	vld.idx.msk [tilespmem:v2+s5+$0x0], $0xffff;
	[tilespmem:s0+$0xFFFFFF40] =	vst v3  }
0x3be: {  	v3 =	vmin.u32 v7, $0x7FF;
	v7 =	vld [tilespmem:s30+$0xFFFFFE50];
	v5 =	vsub.s32 v8, v5  }
0x3bf: {  	v8 =	vld [tilespmem:s30+$0xFFFFFED0];
	vm0 =	vgt.s32 v5, $0x0  }
0x3c0: {  	v9 =	vsub.s32 v11, v10;
	v10 =	vld [tilespmem:s30+$0xFFFFFF50];
	v5 =	vnsel vm0, $0x0, v5  }
0x3c1: {  	vm0 =	vgt.s32 v9, $0x0;
	v6 =	vld.idx.msk [tilespmem:v6+s5+$0x0], $0xffff;
	v5 =	vmin.u32 v5, $0x7FF  }
0x3c2: {  	v9 =	vnsel vm0, $0x0, v9;
	v11 =	vld [tilespmem:s30+$0xFFFFFFD0];
	[tilespmem:s0+$0x40] =	vst v4  }
0x3c3: {  	v4 =	vmin.u32 v9, $0x7FF;
	v3 =	vld.idx.msk [tilespmem:v3+s5+$0x0], $0xffff;
	[tilespmem:s2+$0x90] =	vst v2  }
0x3c4: {  	v2 =	vld [tilespmem:s3+$0x120];
	v7 =	vsub.s32 v8, v7  }
0x3c5: {  	v8 =	vld [tilespmem:s3+$0x1A0];
	vm0 =	vgt.s32 v7, $0x0  }
0x3c6: {  	v7 =	vnsel vm0, $0x0, v7;
	v5 =	vld.idx.msk [tilespmem:v5+s5+$0x0], $0xffff  }
0x3c7: {  	[tilespmem:s2+$0xFFFFFF90] =	vst v6;
	v6 =	vmin.u32 v7, $0x7FF;
	v7 =	vsub.s32 v11, v10;
	v9 =	vld [tilespmem:s30+$0x50]  }
0x3c8: {  	v4 =	vld.idx.msk [tilespmem:v4+s5+$0x0], $0xffff;
	vm0 =	vgt.s32 v7, $0x0  }
0x3c9: {  	v10 =	vld [tilespmem:s3+$0xFFFFFF20];
	[tilespmem:s2+$0x10] =	vst v3;
	v3 =	vnsel vm0, $0x0, v7  }
0x3ca: {  	v7 =	vld [tilespmem:s3+$0xFFFFFFA0];
	v2 =	vsub.s32 v8, v2;
	v3 =	vmin.u32 v3, $0x7FF  }
0x3cb: {  	v8 =	vld [tilespmem:s3+$0x20];
	vm0 =	vgt.s32 v2, $0x0  }
0x3cc: {  	v11 =	vld [tilespmem:s3+$0xA0];
	v2 =	vnsel vm0, $0x0, v2;
	[tilespmem:s0+$0xE0] =	vst v5  }
0x3cd: {  	v2 =	vmin.u32 v2, $0x7FF;
	v5 =	vld [tilespmem:s30+$0x170]  }
0x3ce: {  	[tilespmem:s2+$0xFFFFFF10] =	vst v4;
	v4 =	vld [tilespmem:s30+$0x1F0]  }
0x3cf: {  	v12 =	vld [tilespmem:s3+$0xFFFFFE20];
	v7 =	vsub.s32 v7, v10  }
0x3d0: {  	v10 =	vld [tilespmem:s3+$0xFFFFFEA0];
	vm0 =	vgt.s32 v7, $0x0  }
0x3d1: {  	v7 =	vnsel vm0, $0x0, v7;
	v8 =	vsub.s32 v11, v8;
	v11 =	vld [tilespmem:s30+$0xD0]  }
0x3d2: {  	v7 =	vmin.u32 v7, $0x7FF;
	vm0 =	vgt.s32 v8, $0x0;
	v2 =	vld.idx.msk [tilespmem:v2+s5+$0x0], $0xffff  }
0x3d3: {  	v8 =	vnsel vm0, $0x0, v8;
	v6 =	vld.idx.msk [tilespmem:v6+s5+$0x0], $0xffff;
	v4 =	vsub.s32 v4, v5  }
0x3d4: {  	v5 =	vmin.u32 v8, $0x7FF;
	v3 =	vld.idx.msk [tilespmem:v3+s5+$0x0], $0xffff;
	vm0 =	vgt.s32 v4, $0x0  }
0x3d5: {  	v8 =	vsub.s32 v10, v12;
	v4 =	vnsel vm0, $0x0, v4;
	v10 =	vld [tilespmem:s29+$0x70]  }
0x3d6: {  	vm0 =	vgt.s32 v8, $0x0;
	v9 =	vsub.s32 v11, v9;
	v4 =	vmin.u32 v4, $0x7FF;
	v11 =	vld [tilespmem:s29+$0xF0];
	s29 =	smov.u32 s30;
	s30 =	smov.u32 s3  }
0x3d7: {  	v8 =	vnsel vm0, $0x0, v8;
	v7 =	vld.idx.msk [tilespmem:v7+s5+$0x0], $0xffff;
	vm0 =	vgt.s32 v9, $0x0  }
0x3d8: {  	v8 =	vmin.u32 v8, $0x7FF;
	[tilespmem:s2+$0xA0] =	vst v2;
	v2 =	vnsel vm0, $0x0, v9;
	v1 =	vld.idx.msk [tilespmem:v1+s5+$0x0], $0xffff  }
0x3d9: {  	v9 =	vld [tilespmem:s3+$0x130];
	[tilespmem:s0+$0xFFFFFF50] =	vst v6;
	v2 =	vmin.u32 v2, $0x7FF  }
0x3da: {  	v6 =	vld [tilespmem:s3+$0x1B0];
	[tilespmem:s0+$0xFFFFFFD0] =	vst v3  }
0x3db: {  	v3 =	vld.idx.msk [tilespmem:v4+s5+$0x0], $0xffff;
	v4 =	vsub.s32 v11, v10  }
0x3dc: {  	v5 =	vld.idx.msk [tilespmem:v5+s5+$0x0], $0xffff;
	vm0 =	vgt.s32 v4, $0x0  }
0x3dd: {  	v8 =	vld.idx.msk [tilespmem:v8+s5+$0x0], $0xffff;
	[tilespmem:s2+$0xFFFFFFA0] =	vst v7;
	v4 =	vnsel vm0, $0x0, v4  }
0x3de: {  	v7 =	vld [tilespmem:s3+$0xFFFFFF30];
	[tilespmem:s28+$0xFFFFFF70] =	vst v1;
	v1 =	vmin.u32 v4, $0x7FF  }
0x3df: {  	v4 =	vld [tilespmem:s3+$0xFFFFFFB0];
	v6 =	vsub.s32 v6, v9  }
0x3e0: {  	vm0 =	vgt.s32 v6, $0x0;
	v2 =	vld.idx.msk [tilespmem:v2+s5+$0x0], $0xffff  }
0x3e1: {  	v6 =	vnsel vm0, $0x0, v6;
	v9 =	vld [tilespmem:s29+$0xFFFFFE60];
	[tilespmem:s0+$0xF0] =	vst v3  }
0x3e2: {  	[tilespmem:s2+$0x20] =	vst v5;
	v3 =	vmin.u32 v6, $0x7FF;
	v5 =	vld [tilespmem:s29+$0xFFFFFEE0]  }
0x3e3: {  	[tilespmem:s2+$0xFFFFFF20] =	vst v8;
	v6 =	vld [tilespmem:s3+$0x30]  }
0x3e4: {  	v8 =	vld [tilespmem:s3+$0xFFFFFE30];
	v4 =	vsub.s32 v4, v7  }
0x3e5: {  	v7 =	vld [tilespmem:s3+$0xFFFFFEB0];
	vm0 =	vgt.s32 v4, $0x0  }
0x3e6: {  	v4 =	vnsel vm0, $0x0, v4;
	v10 =	vld [tilespmem:s3+$0xB0];
	[tilespmem:s0+$0x50] =	vst v2  }
0x3e7: {  	v2 =	vmin.u32 v4, $0x7FF;
	v3 =	vld.idx.msk [tilespmem:v3+s5+$0x0], $0xffff;
	v4 =	vsub.s32 v5, v9  }
0x3e8: {  	vm0 =	vgt.s32 v4, $0x0;
	v5 =	vld [tilespmem:s29+$0xFFFFFF60]  }
0x3e9: {  	v4 =	vnsel vm0, $0x0, v4;
	v9 =	vld [tilespmem:s29+$0xFFFFFFE0]  }
0x3ea: {  	v7 =	vsub.s32 v7, v8;
	v4 =	vmin.u32 v4, $0x7FF;
	v8 =	vld [tilespmem:s29+$0x60]  }
0x3eb: {  	vm0 =	vgt.s32 v7, $0x0;
	v6 =	vsub.s32 v10, v6;
	v10 =	vld [tilespmem:s29+$0xE0]  }
0x3ec: {  	v7 =	vnsel vm0, $0x0, v7;
	v2 =	vld.idx.msk [tilespmem:v2+s5+$0x0], $0xffff;
	vm0 =	vgt.s32 v6, $0x0  }
0x3ed: {  	v7 =	vmin.u32 v7, $0x7FF;
	v6 =	vnsel vm0, $0x0, v6;
	[tilespmem:s2+$0xB0] =	vst v3;
	v0 =	vld.idx.msk [tilespmem:v0+s5+$0x0], $0xffff  }
0x3ee: {  	v3 =	vmin.u32 v6, $0x7FF;
	v6 =	vld [tilespmem:s3+$0x140];
	v5 =	vsub.s32 v9, v5  }
0x3ef: {  	v9 =	vld [tilespmem:s3+$0x1C0];
	vm0 =	vgt.s32 v5, $0x0  }
0x3f0: {  	v11 =	vld.idx.msk [tilespmem:v4+s5+$0x0], $0xffff;
	v4 =	vnsel vm0, $0x0, v5;
	v5 =	vsub.s32 v10, v8  }
0x3f1: {  	v8 =	vmin.u32 v4, $0x7FF;
	vm0 =	vgt.s32 v5, $0x0;
	v1 =	vld.idx.msk [tilespmem:v1+s5+$0x0], $0xffff  }
0x3f2: {  	v7 =	vld.idx.msk [tilespmem:v7+s5+$0x0], $0xffff;
	[tilespmem:s2+$0xFFFFFFB0] =	vst v2;
	v2 =	vnsel vm0, $0x0, v5  }
0x3f3: {  	v10 =	vld.idx.msk [tilespmem:v3+s5+$0x0], $0xffff;
	v3 =	vmin.u32 v2, $0x7FF;
	[tilespmem:s28+$0xFFFFFFF0] =	vst v0  }
0x3f4: {  	v4 =	vld [tilespmem:s3+$0xFFFFFF40];
	v0 =	vsub.s32 v9, v6  }
.Ltmp4:
0x3f5: {  	v5 =	vld [tilespmem:s3+$0xFFFFFFC0];
	vm0 =	vgt.s32 v0, $0x0;
	(pc) =	sbr.rel @p0 .LBB2_7-.Ltmp4, $4  }
0x3f6: {  	v0 =	vnsel vm0, $0x0, v0;
	[tilespmem:s0+$0xFFFFFF60] =	vst v11;
	v2 =	vld.idx.msk [tilespmem:v8+s5+$0x0], $0xffff  }
0x3f7: {  	v6 =	vmin.u32 v0, $0x7FF;
	v0 =	vld [tilespmem:s29+$0xFFFFFE70];
	[tilespmem:s28+$0x70] =	vst v1;
	s28 =	smov.u32 s0;
	s0 =	smov.u32 s2  }
0x3f8: {  	[tilespmem:s2+$0xFFFFFF30] =	vst v7;
	v1 =	vld.idx.msk [tilespmem:v3+s5+$0x0], $0xffff  }
0x3f9: {  	s3 =	sadd.s32 $0x400, s3;
	v3 =	vld [tilespmem:s30+$0xFFFFFE40];
	[tilespmem:s2+$0x30] =	vst v10  }
0x3fa: {  	v7 =	vld [tilespmem:s30+$0xFFFFFEC0];
	_ =	sdelay $0x2  }
0x3fb: {  	v8 =	vld [tilespmem:s30+$0x40]  }
0x3fc: {  	v9 =	vld [tilespmem:s30+$0xC0]  }
0x3fd: {  	v6 =	vld.idx.msk [tilespmem:v6+s5+$0x0], $0xffff;
	v3 =	vsub.s32 v7, v3  }
0x3fe: {  	vm0 =	vgt.s32 v3, $0x0  }
0x3ff: {  	v4 =	vsub.s32 v5, v4;
	v3 =	vnsel vm0, $0x0, v3  }
0x400: {  	vm14 =	vgt.s32 v4, $0x0;
	v3 =	vmin.u32 v3, $0x7FF  }
0x401: {  	v4 =	vnsel vm14, $0x0, v4;
	v5 =	vsub.s32 v9, v8  }
0x402: {  	v4 =	vmin.u32 v4, $0x7FF;
	[tilespmem:s2+$0xC0] =	vst v6;
	vm15 =	vgt.s32 v5, $0x0  }
0x403: {  	v6 =	vld [tilespmem:s30+$0x150];
	v5 =	vnsel vm15, $0x0, v5  }
0x404: {  	v7 =	vld [tilespmem:s30+$0x1D0];
	v5 =	vmin.u32 v5, $0x7FF  }
0x405: {  	v3 =	vld.idx.msk [tilespmem:v3+s5+$0x0], $0xffff;
	_ =	sdelay $0x1  }
0x406: {  	v4 =	vld.idx.msk [tilespmem:v4+s5+$0x0], $0xffff;
	_ =	sdelay $0x1  }
0x407: {  	v6 =	vsub.s32 v7, v6;
	v5 =	vld.idx.msk [tilespmem:v5+s5+$0x0], $0xffff  }
0x408: {  	vm4 =	vgt.s32 v6, $0x0;
	[tilespmem:s0+$0xFFFFFF40] =	vst v3  }
0x409: {  	v3 =	vnsel vm4, $0x0, v6;
	v6 =	vld [tilespmem:s30+$0xFFFFFE50]  }
0x40a: {  	[tilespmem:s0+$0xFFFFFFC0] =	vst v4;
	v3 =	vmin.u32 v3, $0x7FF;
	v4 =	vld [tilespmem:s30+$0xFFFFFED0]  }
0x40b: {  	v7 =	vld [tilespmem:s30+$0xFFFFFF50]  }
0x40c: {  	v8 =	vld [tilespmem:s30+$0xFFFFFFD0];
	[tilespmem:s0+$0x40] =	vst v5  }
0x40d: {  	v5 =	vld [tilespmem:s30+$0x50]  }
0x40e: {  	v41 =	vld [tilespmem:s30+$0xD0]  }
0x40f: {  	v3 =	vld.idx.msk [tilespmem:v3+s5+$0x0], $0xffff;
	v4 =	vsub.s32 v4, v6  }
0x410: {  	vm5 =	vgt.s32 v4, $0x0  }
0x411: {  	v6 =	vsub.s32 v8, v7;
	v4 =	vnsel vm5, $0x0, v4  }
0x412: {  	vm6 =	vgt.s32 v6, $0x0;
	v4 =	vmin.u32 v4, $0x7FF  }
0x413: {  	v5 =	vsub.s32 v41, v5;
	v6 =	vnsel vm6, $0x0, v6  }
0x414: {  	vm7 =	vgt.s32 v5, $0x0;
	[tilespmem:s0+$0xD0] =	vst v3;
	v3 =	vmin.u32 v6, $0x7FF  }
0x415: {  	v5 =	vnsel vm7, $0x0, v5;
	v6 =	vld [tilespmem:s30+$0x160]  }
0x416: {  	v5 =	vmin.u32 v5, $0x7FF;
	v7 =	vld [tilespmem:s30+$0x1E0]  }
0x417: {  	v4 =	vld.idx.msk [tilespmem:v4+s5+$0x0], $0xffff;
	_ =	sdelay $0x1  }
0x418: {  	v3 =	vld.idx.msk [tilespmem:v3+s5+$0x0], $0xffff;
	_ =	sdelay $0x1  }
0x419: {  	v5 =	vld.idx.msk [tilespmem:v5+s5+$0x0], $0xffff  }
0x41a: {  	v6 =	vsub.s32 v7, v6;
	[tilespmem:s0+$0xFFFFFF50] =	vst v4  }
0x41b: {  	vm8 =	vgt.s32 v6, $0x0;
	v4 =	vld [tilespmem:s30+$0xFFFFFE60]  }
0x41c: {  	v6 =	vnsel vm8, $0x0, v6;
	[tilespmem:s0+$0xFFFFFFD0] =	vst v3;
	v3 =	vld [tilespmem:s30+$0xFFFFFEE0]  }
0x41d: {  	v6 =	vmin.u32 v6, $0x7FF;
	v7 =	vld [tilespmem:s30+$0xFFFFFF60]  }
0x41e: {  	[tilespmem:s0+$0x50] =	vst v5;
	v5 =	vld [tilespmem:s30+$0xFFFFFFE0]  }
0x41f: {  	v8 =	vld [tilespmem:s30+$0x60]  }
0x420: {  	v42 =	vld [tilespmem:s30+$0xE0]  }
0x421: {  	v3 =	vsub.s32 v3, v4  }
0x422: {  	v4 =	vld.idx.msk [tilespmem:v6+s5+$0x0], $0xffff;
	vm9 =	vgt.s32 v3, $0x0  }
0x423: {  	v5 =	vsub.s32 v5, v7;
	v3 =	vnsel vm9, $0x0, v3  }
0x424: {  	[tilespmem:s28+$0xFFFFFFE0] =	vst v2;
	vm10 =	vgt.s32 v5, $0x0;
	v3 =	vmin.u32 v3, $0x7FF  }
0x425: {  	v2 =	vld [tilespmem:s29+$0xFFFFFEF0];
	[tilespmem:s28+$0x60] =	vst v1;
	v6 =	vsub.s32 v42, v8;
	v5 =	vnsel vm10, $0x0, v5  }
0x426: {  	v10 =	vld [tilespmem:s29+$0xF0];
	vm11 =	vgt.s32 v6, $0x0;
	v5 =	vmin.u32 v5, $0x7FF  }
0x427: {  	v8 =	vld [tilespmem:s29+$0xFFFFFFF0];
	[tilespmem:s0+$0xE0] =	vst v4;
	v4 =	vnsel vm11, $0x0, v6  }
0x428: {  	v7 =	vld [tilespmem:s29+$0xFFFFFF70];
	v4 =	vmin.u32 v4, $0x7FF  }
0x429: {  	v3 =	vld.idx.msk [tilespmem:v3+s5+$0x0], $0xffff  }
0x42a: {  	v6 =	vld [tilespmem:s30+$0x170]  }
0x42b: {  	v1 =	vld.idx.msk [tilespmem:v5+s5+$0x0], $0xffff  }
0x42c: {  	v43 =	vld [tilespmem:s30+$0x1F0]  }
0x42d: {  	v4 =	vld.idx.msk [tilespmem:v4+s5+$0x0], $0xffff  }
0x42e: {  	v5 =	vld [tilespmem:s29+$0x70];
	[tilespmem:s0+$0xFFFFFF60] =	vst v3  }
0x42f: {  	v3 =	vld [tilespmem:s30+$0xFFFFFE70]  }
0x430: {  	[tilespmem:s0+$0xFFFFFFE0] =	vst v1;
	v1 =	vld [tilespmem:s30+$0xFFFFFEF0]  }
0x431: {  	v0 =	vsub.s32 v2, v0;
	v2 =	vld [tilespmem:s30+$0xFFFFFF70]  }
0x432: {  	vm12 =	vgt.s32 v0, $0x0;
	[tilespmem:s0+$0x60] =	vst v4;
	v4 =	vld [tilespmem:s30+$0xFFFFFFF0]  }
0x433: {  	v0 =	vnsel vm12, $0x0, v0;
	v7 =	vsub.s32 v8, v7;
	v8 =	vld [tilespmem:s30+$0x70]  }
0x434: {  	v0 =	vmin.u32 v0, $0x7FF;
	vm13 =	vgt.s32 v7, $0x0;
	v6 =	vsub.s32 v43, v6;
	v44 =	vld [tilespmem:s30+$0xF0]  }
0x435: {  	v7 =	vnsel vm13, $0x0, v7;
	vm14 =	vgt.s32 v6, $0x0;
	v5 =	vsub.s32 v10, v5  }
0x436: {  	v7 =	vmin.u32 v7, $0x7FF;
	v6 =	vnsel vm14, $0x0, v6;
	vm15 =	vgt.s32 v5, $0x0  }
0x437: {  	v6 =	vmin.u32 v6, $0x7FF;
	v5 =	vnsel vm15, $0x0, v5;
	v1 =	vsub.s32 v1, v3  }
0x438: {  	v3 =	vmin.u32 v5, $0x7FF;
	vm4 =	vgt.s32 v1, $0x0;
	v2 =	vsub.s32 v4, v2  }
0x439: {  	v1 =	vnsel vm4, $0x0, v1;
	vm5 =	vgt.s32 v2, $0x0;
	v4 =	vsub.s32 v44, v8  }
0x43a: {  	v1 =	vmin.u32 v1, $0x7FF;
	v2 =	vnsel vm5, $0x0, v2;
	vm6 =	vgt.s32 v4, $0x0  }
0x43b: {  	v0 =	vld.idx.msk [tilespmem:v0+s5+$0x0], $0xffff;
	v2 =	vmin.u32 v2, $0x7FF;
	v4 =	vnsel vm6, $0x0, v4  }
0x43c: {  	v5 =	vld.idx.msk [tilespmem:v6+s5+$0x0], $0xffff;
	v4 =	vmin.u32 v4, $0x7FF  }
0x43d: {  	v6 =	vld.idx.msk [tilespmem:v7+s5+$0x0], $0xffff  }
0x43e: {  	v3 =	vld.idx.msk [tilespmem:v3+s5+$0x0], $0xffff  }
0x43f: {  	v1 =	vld.idx.msk [tilespmem:v1+s5+$0x0], $0xffff  }
0x440: {  	[tilespmem:s28+$0xFFFFFF70] =	vst v0;
	v0 =	vld.idx.msk [tilespmem:v2+s5+$0x0], $0xffff  }
0x441: {  	[tilespmem:s0+$0xF0] =	vst v5;
	v2 =	vld.idx.msk [tilespmem:v4+s5+$0x0], $0xffff  }
0x442: {  	[tilespmem:s28+$0xFFFFFFF0] =	vst v6  }
0x443: {  	[tilespmem:s28+$0x70] =	vst v3  }
0x444: {  	[tilespmem:s0+$0xFFFFFF70] =	vst v1  }
0x445: {  	s3 =	sshll.u32 s26, $0xC;
	p0 =	seq.s32 s26, $0x7;
	s28 =	sshll.u32 s26, $0x8;
	[tilespmem:s0+$0xFFFFFFF0] =	vst v0  }
0x446: {  	s16 =	sadd.s32 s3, s9;
	[tilespmem:s0+$0x70] =	vst v2;
	s0 =	sadd.s32 @!p0 s28, s13  }
0x447: {  	[hbm4b:s16+s5] =	stream.linear.scatter [tilespmem:s20], [sflag:$0x3], $0x4000, $0x38;
	[tilespmem:$0x18800] =	vst v63  }
0x448: {  	s0 =	sshll.u32 @!p0 s0, $0x5  }
0x449: {  	s0 =	sand.u32 @!p0 $0x1FFFE000, s0  }
0x44a: {  	s3 =	simm.s32 @!p0 $0x800;
	s2 =	simm.s32 @!p0 $0x0;
	s0 =	sadd.s32 @!p0 s1, s0  }
0x44b: {  	[tilespmem:s3], [sflag:$0x1] =	stream.linear.gather @!p0 [hbm4b:s0+s2], $0x8000, $0x38;
	[tilespmem:$0x18800] =	vst v63  }
0x44c: {  	_ =	swait.ge [sflag:s21], $0x8000  }
0x44d: {  	[sflag:s21] =	ssyncset.done $0x0  }
0x44e: {  	[sflag:s21] =	ssyncadd.s32 $0xFFFF8000  }
0x44f: {  	_ =	swait.ge [sflag:s24], $0x4000  }
0x450: {  	[sflag:s24] =	ssyncset.done $0x0  }
0x451: {  	s30 =	simm.s32 $0x8BF0;
	[sflag:s24] =	ssyncadd.s32 $0xFFFFC000  }
0x452: {  	v0 =	vld [tilespmem:s30+$0xFFFFFF10]  }
0x453: {  	v1 =	vld [tilespmem:s30+$0xFFFFFF90];
	_ =	sdelay $0x4  }
0x454: {  	v0 =	vsub.s32 v1, v0  }
0x455: {  	vm7 =	vgt.s32 v0, $0x0  }
0x456: {  	v0 =	vnsel vm7, $0x0, v0  }
0x457: {  	v0 =	vmin.u32 v0, $0x7FF  }
0x458: {  	v2 =	vld [tilespmem:s30+$0xFFFFFD90]  }
0x459: {  	v1 =	vld [tilespmem:s30+$0xFFFFFD10]  }
0x45a: {  	v3 =	vld [tilespmem:s30+$0xFFFFFE10]  }
0x45b: {  	v4 =	vld [tilespmem:s30+$0xFFFFFE90]  }
0x45c: {  	v0 =	vld.idx.msk [tilespmem:v0+s5+$0x0], $0xffff  }
0x45d: {  	v5 =	vld [tilespmem:s30+$0xFFFFFC90]  }
0x45e: {  	v6 =	vld [tilespmem:s30+$0xFFFFFC10];
	v1 =	vsub.s32 v2, v1  }
0x45f: {  	vm8 =	vgt.s32 v1, $0x0  }
0x460: {  	s29 =	simm.s32 $0x149F0;
	v2 =	vsub.s32 v4, v3;
	v1 =	vnsel vm8, $0x0, v1  }
0x461: {  	vm9 =	vgt.s32 v2, $0x0;
	v1 =	vmin.u32 v1, $0x7FF;
	[tilespmem:s29+$0xFFFFFF90] =	vst v0  }
0x462: {  	v0 =	vnsel vm9, $0x0, v2;
	v2 =	vld [tilespmem:s30+$0xFFFFFF20]  }
0x463: {  	v3 =	vsub.s32 v5, v6;
	v0 =	vmin.u32 v0, $0x7FF;
	v4 =	vld [tilespmem:s30+$0xFFFFFFA0]  }
0x464: {  	vm10 =	vgt.s32 v3, $0x0  }
0x465: {  	v3 =	vnsel vm10, $0x0, v3  }
0x466: {  	v3 =	vmin.u32 v3, $0x7FF;
	v1 =	vld.idx.msk [tilespmem:v1+s5+$0x0], $0xffff;
	_ =	sdelay $0x1  }
0x467: {  	v0 =	vld.idx.msk [tilespmem:v0+s5+$0x0], $0xffff;
	v2 =	vsub.s32 v4, v2  }
0x468: {  	vm11 =	vgt.s32 v2, $0x0  }
0x469: {  	v2 =	vnsel vm11, $0x0, v2  }
0x46a: {  	v3 =	vld.idx.msk [tilespmem:v3+s5+$0x0], $0xffff;
	[tilespmem:s29+$0xFFFFFE90] =	vst v1;
	v1 =	vmin.u32 v2, $0x7FF  }
0x46b: {  	v4 =	vld [tilespmem:s30+$0xFFFFFDA0]  }
0x46c: {  	v2 =	vld [tilespmem:s30+$0xFFFFFD20];
	[tilespmem:s29+$0xFFFFFF10] =	vst v0  }
0x46d: {  	v0 =	vld [tilespmem:s30+$0xFFFFFE20]  }
0x46e: {  	v5 =	vld [tilespmem:s30+$0xFFFFFEA0]  }
0x46f: {  	[tilespmem:s29+$0xFFFFFE10] =	vst v3;
	v1 =	vld.idx.msk [tilespmem:v1+s5+$0x0], $0xffff  }
0x470: {  	v3 =	vld [tilespmem:s30+$0xFFFFFC20]  }
0x471: {  	v2 =	vsub.s32 v4, v2;
	v4 =	vld [tilespmem:s30+$0xFFFFFCA0]  }
0x472: {  	vm12 =	vgt.s32 v2, $0x0  }
0x473: {  	v2 =	vnsel vm12, $0x0, v2;
	v0 =	vsub.s32 v5, v0  }
0x474: {  	v2 =	vmin.u32 v2, $0x7FF;
	vm13 =	vgt.s32 v0, $0x0;
	[tilespmem:s29+$0xFFFFFFA0] =	vst v1  }
0x475: {  	v0 =	vnsel vm13, $0x0, v0;
	v1 =	vld [tilespmem:s30+$0xFFFFFF30]  }
0x476: {  	v3 =	vsub.s32 v4, v3;
	v0 =	vmin.u32 v0, $0x7FF;
	v4 =	vld [tilespmem:s30+$0xFFFFFFB0]  }
0x477: {  	vm14 =	vgt.s32 v3, $0x0  }
0x478: {  	v3 =	vnsel vm14, $0x0, v3  }
0x479: {  	v2 =	vld.idx.msk [tilespmem:v2+s5+$0x0], $0xffff;
	v3 =	vmin.u32 v3, $0x7FF;
	_ =	sdelay $0x1  }
0x47a: {  	v0 =	vld.idx.msk [tilespmem:v0+s5+$0x0], $0xffff;
	v1 =	vsub.s32 v4, v1  }
0x47b: {  	vm15 =	vgt.s32 v1, $0x0  }
0x47c: {  	v1 =	vnsel vm15, $0x0, v1  }
0x47d: {  	[tilespmem:s29+$0xFFFFFEA0] =	vst v2;
	v2 =	vld.idx.msk [tilespmem:v3+s5+$0x0], $0xffff;
	v1 =	vmin.u32 v1, $0x7FF  }
0x47e: {  	v3 =	vld [tilespmem:s30+$0xFFFFFD30]  }
0x47f: {  	[tilespmem:s29+$0xFFFFFF20] =	vst v0;
	v0 =	vld [tilespmem:s30+$0xFFFFFDB0]  }
0x480: {  	v4 =	vld [tilespmem:s30+$0xFFFFFE30]  }
0x481: {  	v5 =	vld [tilespmem:s30+$0xFFFFFEB0]  }
0x482: {  	[tilespmem:s29+$0xFFFFFE20] =	vst v2;
	v1 =	vld.idx.msk [tilespmem:v1+s5+$0x0], $0xffff  }
0x483: {  	v2 =	vld [tilespmem:s30+$0xFFFFFC30]  }
0x484: {  	v6 =	vld [tilespmem:s30+$0xFFFFFCB0];
	_ =	sdelay $0x1  }
0x485: {  	v0 =	vsub.s32 v0, v3  }
0x486: {  	vm4 =	vgt.s32 v0, $0x0;
	[tilespmem:s29+$0xFFFFFFB0] =	vst v1  }
0x487: {  	v0 =	vnsel vm4, $0x0, v0;
	v1 =	vld [tilespmem:s30+$0xFFFFFF40]  }
0x488: {  	v3 =	vsub.s32 v5, v4;
	v0 =	vmin.u32 v0, $0x7FF;
	v2 =	vsub.s32 v6, v2;
	v4 =	vld [tilespmem:s30+$0xFFFFFFC0]  }
0x489: {  	vm6 =	vgt.s32 v2, $0x0  }
0x48a: {  	v2 =	vnsel vm6, $0x0, v2  }
0x48b: {  	vm5 =	vgt.s32 v3, $0x0;
	v2 =	vmin.u32 v2, $0x7FF  }
0x48c: {  	v3 =	vnsel vm5, $0x0, v3  }
0x48d: {  	v3 =	vmin.u32 v3, $0x7FF;
	v0 =	vld.idx.msk [tilespmem:v0+s5+$0x0], $0xffff;
	v1 =	vsub.s32 v4, v1  }
0x48e: {  	vm7 =	vgt.s32 v1, $0x0  }
0x48f: {  	v1 =	vnsel vm7, $0x0, v1  }
0x490: {  	v2 =	vld.idx.msk [tilespmem:v2+s5+$0x0], $0xffff;
	v1 =	vmin.u32 v1, $0x7FF;
	_ =	sdelay $0x1  }
0x491: {  	v3 =	vld.idx.msk [tilespmem:v3+s5+$0x0], $0xffff;
	[tilespmem:s29+$0xFFFFFEB0] =	vst v0  }
0x492: {  	v0 =	vld [tilespmem:s30+$0xFFFFFD40]  }
0x493: {  	v4 =	vld [tilespmem:s30+$0xFFFFFDC0]  }
0x494: {  	[tilespmem:s29+$0xFFFFFE30] =	vst v2;
	v1 =	vld.idx.msk [tilespmem:v1+s5+$0x0], $0xffff  }
0x495: {  	v2 =	vld [tilespmem:s30+$0xFFFFFC40]  }
0x496: {  	v5 =	vld [tilespmem:s30+$0xFFFFFCC0];
	_ =	sdelay $0x1  }
0x497: {  	[tilespmem:s29+$0xFFFFFF30] =	vst v3  }
0x498: {  	v3 =	vld [tilespmem:s30+$0xFFFFFE40];
	v0 =	vsub.s32 v4, v0  }
0x499: {  	v4 =	vld [tilespmem:s30+$0xFFFFFEC0];
	vm8 =	vgt.s32 v0, $0x0;
	[tilespmem:s29+$0xFFFFFFC0] =	vst v1  }
0x49a: {  	v0 =	vnsel vm8, $0x0, v0;
	v2 =	vsub.s32 v5, v2;
	v1 =	vld [tilespmem:s30+$0xFFFFFF50]  }
0x49b: {  	v0 =	vmin.u32 v0, $0x7FF;
	v5 =	vld [tilespmem:s30+$0xFFFFFFD0];
	vm9 =	vgt.s32 v2, $0x0  }
0x49c: {  	s31 =	simm.s32 $0x8FF0;
	v2 =	vnsel vm9, $0x0, v2  }
0x49d: {  	v7 =	vld [tilespmem:s31+$0xFFFFFD90];
	v2 =	vmin.u32 v2, $0x7FF  }
0x49e: {  	v6 =	vld [tilespmem:s31+$0xFFFFFD10]  }
0x49f: {  	v3 =	vsub.s32 v4, v3;
	v4 =	vld [tilespmem:s31+$0xFFFFFF10]  }
0x4a0: {  	vm10 =	vgt.s32 v3, $0x0;
	v0 =	vld.idx.msk [tilespmem:v0+s5+$0x0], $0xffff;
	v1 =	vsub.s32 v5, v1  }
0x4a1: {  	v3 =	vnsel vm10, $0x0, v3;
	v5 =	vld [tilespmem:s31+$0xFFFFFF90];
	vm11 =	vgt.s32 v1, $0x0  }
0x4a2: {  	v3 =	vmin.u32 v3, $0x7FF;
	v1 =	vnsel vm11, $0x0, v1;
	v2 =	vld.idx.msk [tilespmem:v2+s5+$0x0], $0xffff  }
0x4a3: {  	v8 =	vld [tilespmem:s31+$0xFFFFFE10];
	v1 =	vmin.u32 v1, $0x7FF  }
0x4a4: {  	v46 =	vld [tilespmem:s31+$0xFFFFFC90]  }
0x4a5: {  	v11 =	vld [tilespmem:s31+$0xFFFFFC10];
	v6 =	vsub.s32 v7, v6  }
0x4a6: {  	vm13 =	vgt.s32 v6, $0x0;
	[tilespmem:s29+$0xFFFFFEC0] =	vst v0;
	v4 =	vsub.s32 v5, v4;
	v5 =	vld [tilespmem:s31+$0xFFFFFE90]  }
0x4a7: {  	v0 =	vld.idx.msk [tilespmem:v3+s5+$0x0], $0xffff;
	[tilespmem:s29+$0xFFFFFE40] =	vst v2;
	v2 =	vnsel vm13, $0x0, v6  }
0x4a8: {  	v1 =	vld.idx.msk [tilespmem:v1+s5+$0x0], $0xffff;
	v2 =	vmin.u32 v2, $0x7FF  }
0x4a9: {  	v3 =	vld [tilespmem:s30+$0xFFFFFD50]  }
0x4aa: {  	v45 =	vld [tilespmem:s30+$0xFFFFFDD0]  }
0x4ab: {  	vm12 =	vgt.s32 v4, $0x0;
	v6 =	vld [tilespmem:s30+$0xFFFFFC50];
	v5 =	vsub.s32 v5, v8  }
0x4ac: {  	v4 =	vnsel vm12, $0x0, v4;
	[tilespmem:s29+$0xFFFFFF40] =	vst v0;
	v0 =	vld [tilespmem:s30+$0xFFFFFCD0];
	vm14 =	vgt.s32 v5, $0x0  }
0x4ad: {  	v5 =	vnsel vm14, $0x0, v5;
	[tilespmem:s29+$0xFFFFFFD0] =	vst v1;
	v1 =	vmin.u32 v4, $0x7FF;
	v2 =	vld.idx.msk [tilespmem:v2+s5+$0x0], $0xffff  }
0x4ae: {  	v8 =	vsub.s32 v46, v11;
	v5 =	vmin.u32 v5, $0x7FF;
	v4 =	vld [tilespmem:s30+$0xFFFFFF60]  }
0x4af: {  	vm1 =	vgt.s32 v8, $0x0;
	v7 =	vld [tilespmem:s30+$0xFFFFFFE0]  }
0x4b0: {  	v8 =	vnsel vm1, $0x0, v8  }
0x4b1: {  	v47 =	vld [tilespmem:s30+$0xFFFFFED0];
	v8 =	vmin.u32 v8, $0x7FF  }
0x4b2: {  	s2 =	simm.s32 $0x14BF0;
	v3 =	vsub.s32 v45, v3;
	v1 =	vld.idx.msk [tilespmem:v1+s5+$0x0], $0xffff  }
0x4b3: {  	vm15 =	vgt.s32 v3, $0x0;
	v0 =	vsub.s32 v0, v6;
	v5 =	vld.idx.msk [tilespmem:v5+s5+$0x0], $0xffff;
	[tilespmem:s2+$0xFFFFFE90] =	vst v2  }
0x4b4: {  	v3 =	vnsel vm15, $0x0, v3;
	vm5 =	vgt.s32 v0, $0x0;
	v4 =	vsub.s32 v7, v4;
	v2 =	vld [tilespmem:s31+$0xFFFFFD20]  }
0x4b5: {  	v3 =	vmin.u32 v3, $0x7FF;
	v0 =	vnsel vm5, $0x0, v0;
	v48 =	vld [tilespmem:s31+$0xFFFFFDA0];
	vm4 =	vgt.s32 v4, $0x0  }
0x4b6: {  	v0 =	vmin.u32 v0, $0x7FF;
	v8 =	vld.idx.msk [tilespmem:v8+s5+$0x0], $0xffff;
	v4 =	vnsel vm4, $0x0, v4  }
0x4b7: {  	v7 =	vld [tilespmem:s30+$0xFFFFFE50];
	v4 =	vmin.u32 v4, $0x7FF;
	[tilespmem:s2+$0xFFFFFF90] =	vst v1  }
0x4b8: {  	v1 =	vld [tilespmem:s31+$0xFFFFFF20]  }
0x4b9: {  	v6 =	vld [tilespmem:s31+$0xFFFFFFA0]  }
0x4ba: {  	v3 =	vld.idx.msk [tilespmem:v3+s5+$0x0], $0xffff;
	v2 =	vsub.s32 v48, v2  }
0x4bb: {  	v0 =	vld.idx.msk [tilespmem:v0+s5+$0x0], $0xffff;
	vm8 =	vgt.s32 v2, $0x0  }
0x4bc: {  	[tilespmem:s2+$0xFFFFFF10] =	vst v5;
	v2 =	vnsel vm8, $0x0, v2;
	v4 =	vld.idx.msk [tilespmem:v4+s5+$0x0], $0xffff  }
0x4bd: {  	v5 =	vsub.s32 v47, v7;
	v7 =	vld [tilespmem:s31+$0xFFFFFEA0];
	v2 =	vmin.u32 v2, $0x7FF  }
0x4be: {  	[tilespmem:s2+$0xFFFFFE10] =	vst v8;
	v1 =	vsub.s32 v6, v1;
	v6 =	vld [tilespmem:s31+$0xFFFFFE20]  }
0x4bf: {  	[tilespmem:s29+$0xFFFFFED0] =	vst v3;
	v8 =	vld [tilespmem:s31+$0xFFFFFC20];
	vm6 =	vgt.s32 v1, $0x0  }
0x4c0: {  	v52 =	vld [tilespmem:s30+$0xFFFFFDE0];
	vm7 =	vgt.s32 v5, $0x0;
	v1 =	vnsel vm6, $0x0, v1  }
0x4c1: {  	v5 =	vnsel vm7, $0x0, v5;
	v1 =	vmin.u32 v1, $0x7FF;
	[tilespmem:s29+$0xFFFFFFE0] =	vst v4;
	v4 =	vld [tilespmem:s31+$0xFFFFFCA0]  }
0x4c2: {  	v5 =	vmin.u32 v5, $0x7FF;
	v2 =	vld.idx.msk [tilespmem:v2+s5+$0x0], $0xffff  }
0x4c3: {  	v49 =	vld [tilespmem:s30+$0xFFFFFF70];
	v6 =	vsub.s32 v7, v6  }
0x4c4: {  	[tilespmem:s29+$0xFFFFFE50] =	vst v0;
	v50 =	vld [tilespmem:s30+$0xFFFFFFF0];
	vm9 =	vgt.s32 v6, $0x0  }
0x4c5: {  	v3 =	vld [tilespmem:s30+$0xFFFFFCE0];
	v0 =	vnsel vm9, $0x0, v6  }
0x4c6: {  	v1 =	vld.idx.msk [tilespmem:v1+s5+$0x0], $0xffff;
	v4 =	vsub.s32 v4, v8;
	v0 =	vmin.u32 v0, $0x7FF  }
0x4c7: {  	v5 =	vld.idx.msk [tilespmem:v5+s5+$0x0], $0xffff;
	vm10 =	vgt.s32 v4, $0x0  }
0x4c8: {  	v7 =	vld [tilespmem:s30+$0xFFFFFD60];
	v4 =	vnsel vm10, $0x0, v4  }
0x4c9: {  	v6 =	vld [tilespmem:s30+$0xFFFFFC60];
	[tilespmem:s2+$0xFFFFFEA0] =	vst v2;
	v8 =	vsub.s32 v50, v49;
	v4 =	vmin.u32 v4, $0x7FF  }
0x4ca: {  	v53 =	vld [tilespmem:s31+$0xFFFFFDB0];
	vm11 =	vgt.s32 v8, $0x0  }
0x4cb: {  	v8 =	vnsel vm11, $0x0, v8;
	[tilespmem:s2+$0xFFFFFFA0] =	vst v1;
	v0 =	vld.idx.msk [tilespmem:v0+s5+$0x0], $0xffff  }
0x4cc: {  	v8 =	vmin.u32 v8, $0x7FF;
	v1 =	vld [tilespmem:s31+$0xFFFFFF30]  }
0x4cd: {  	v51 =	vld [tilespmem:s31+$0xFFFFFFB0]  }
0x4ce: {  	[tilespmem:s29+$0xFFFFFF50] =	vst v5;
	v2 =	vld.idx.msk [tilespmem:v4+s5+$0x0], $0xffff  }
0x4cf: {  	v55 =	vld [tilespmem:s30+$0xFFFFFEE0]  }
0x4d0: {  	v4 =	vld [tilespmem:s31+$0xFFFFFD30]  }
0x4d1: {  	v8 =	vld.idx.msk [tilespmem:v8+s5+$0x0], $0xffff;
	[tilespmem:s2+$0xFFFFFF20] =	vst v0  }
0x4d2: {  	v0 =	vld [tilespmem:s31+$0xFFFFFE30]  }
0x4d3: {  	v1 =	vsub.s32 v51, v1;
	v54 =	vld [tilespmem:s31+$0xFFFFFEB0];
	[tilespmem:s2+$0xFFFFFE20] =	vst v2  }
0x4d4: {  	vm12 =	vgt.s32 v1, $0x0;
	v2 =	vsub.s32 v3, v6;
	v3 =	vld [tilespmem:s31+$0xFFFFFC30]  }
0x4d5: {  	v7 =	vsub.s32 v52, v7;
	v1 =	vnsel vm12, $0x0, v1;
	v5 =	vld [tilespmem:s31+$0xFFFFFCB0]  }
0x4d6: {  	v4 =	vsub.s32 v53, v4;
	v6 =	vld [tilespmem:s30+$0xFFFFFE60];
	v1 =	vmin.u32 v1, $0x7FF;
	vm13 =	vgt.s32 v2, $0x0  }
0x4d7: {  	vm15 =	vgt.s32 v7, $0x0;
	vm14 =	vgt.s32 v4, $0x0;
	v2 =	vnsel vm13, $0x0, v2  }
0x4d8: {  	v4 =	vnsel vm14, $0x0, v4;
	v2 =	vmin.u32 v2, $0x7FF;
	v0 =	vsub.s32 v54, v0  }
0x4d9: {  	v7 =	vnsel vm15, $0x0, v7;
	[tilespmem:s29+$0xFFFFFFF0] =	vst v8;
	v4 =	vmin.u32 v4, $0x7FF;
	vm4 =	vgt.s32 v0, $0x0  }
0x4da: {  	v8 =	vld [tilespmem:s30+$0xFFFFFF80];
	v0 =	vnsel vm4, $0x0, v0;
	v3 =	vsub.s32 v5, v3;
	v5 =	vmin.u32 v7, $0x7FF  }
0x4db: {  	v6 =	vsub.s32 v55, v6;
	v1 =	vld.idx.msk [tilespmem:v1+s5+$0x0], $0xffff;
	v0 =	vmin.u32 v0, $0x7FF  }
0x4dc: {  	v7 =	vld [tilespmem:s30+$0x0];
	vm6 =	vgt.s32 v6, $0x0  }
0x4dd: {  	vm5 =	vgt.s32 v3, $0x0;
	v6 =	vnsel vm6, $0x0, v6;
	v2 =	vld.idx.msk [tilespmem:v2+s5+$0x0], $0xffff  }
0x4de: {  	v3 =	vnsel vm5, $0x0, v3;
	v4 =	vld.idx.msk [tilespmem:v4+s5+$0x0], $0xffff;
	v6 =	vmin.u32 v6, $0x7FF  }
0x4df: {  	v3 =	vmin.u32 v3, $0x7FF;
	v5 =	vld.idx.msk [tilespmem:v5+s5+$0x0], $0xffff  }
0x4e0: {  	[tilespmem:s2+$0xFFFFFFB0] =	vst v1;
	v0 =	vld.idx.msk [tilespmem:v0+s5+$0x0], $0xffff  }
0x4e1: {  	v1 =	vld [tilespmem:s31+$0xFFFFFF40]  }
0x4e2: {  	v56 =	vld [tilespmem:s31+$0xFFFFFFC0]  }
0x4e3: {  	[tilespmem:s29+$0xFFFFFE60] =	vst v2;
	v2 =	vld.idx.msk [tilespmem:v6+s5+$0x0], $0xffff  }
0x4e4: {  	[tilespmem:s2+$0xFFFFFEB0] =	vst v4;
	v3 =	vld.idx.msk [tilespmem:v3+s5+$0x0], $0xffff  }
0x4e5: {  	v4 =	vld [tilespmem:s31+$0xFFFFFD40]  }
0x4e6: {  	v7 =	vsub.s32 v7, v8;
	v57 =	vld [tilespmem:s31+$0xFFFFFDC0]  }
0x4e7: {  	vm8 =	vgt.s32 v7, $0x0;
	v6 =	vld [tilespmem:s30+$0xFFFFFC70];
	[tilespmem:s2+$0xFFFFFF30] =	vst v0;
	v1 =	vsub.s32 v56, v1  }
0x4e8: {  	v7 =	vnsel vm8, $0x0, v7;
	[tilespmem:s29+$0xFFFFFEE0] =	vst v5;
	v59 =	vld [tilespmem:s31+$0xFFFFFEC0];
	vm7 =	vgt.s32 v1, $0x0  }
0x4e9: {  	v5 =	vmin.u32 v7, $0x7FF;
	v7 =	vld [tilespmem:s30+$0xFFFFFD70];
	v1 =	vnsel vm7, $0x0, v1  }
0x4ea: {  	[tilespmem:s2+$0xFFFFFE30] =	vst v3;
	v0 =	vmin.u32 v1, $0x7FF;
	v1 =	vld [tilespmem:s30+$0xFFFFFCF0]  }
0x4eb: {  	v58 =	vld [tilespmem:s31+$0xFFFFFC40]  }
0x4ec: {  	v4 =	vsub.s32 v57, v4;
	v8 =	vld [tilespmem:s31+$0xFFFFFCC0]  }
0x4ed: {  	[tilespmem:s29+$0xFFFFFF60] =	vst v2;
	v3 =	vld [tilespmem:s31+$0xFFFFFE40];
	vm9 =	vgt.s32 v4, $0x0  }
0x4ee: {  	v60 =	vld [tilespmem:s30+$0xFFFFFEF0];
	v4 =	vnsel vm9, $0x0, v4  }
0x4ef: {  	v2 =	vmin.u32 v4, $0x7FF;
	v0 =	vld.idx.msk [tilespmem:v0+s5+$0x0], $0xffff  }
0x4f0: {  	v4 =	vld [tilespmem:s30+$0xFFFFFDF0];
	v1 =	vsub.s32 v1, v6  }
0x4f1: {  	v6 =	vsub.s32 v8, v58;
	v8 =	vld [tilespmem:s30+$0xFFFFFE70];
	vm10 =	vgt.s32 v1, $0x0  }
0x4f2: {  	v3 =	vsub.s32 v59, v3;
	vm11 =	vgt.s32 v6, $0x0;
	v1 =	vnsel vm10, $0x0, v1  }
0x4f3: {  	v61 =	vld.idx.msk [tilespmem:v5+s5+$0x0], $0xffff;
	vm12 =	vgt.s32 v3, $0x0;
	v6 =	vnsel vm11, $0x0, v6;
	v1 =	vmin.u32 v1, $0x7FF  }
0x4f4: {  	v3 =	vnsel vm12, $0x0, v3;
	v2 =	vld.idx.msk [tilespmem:v2+s5+$0x0], $0xffff;
	v5 =	vmin.u32 v6, $0x7FF;
	[tilespmem:s2+$0xFFFFFFC0] =	vst v0  }
0x4f5: {  	v0 =	vmin.u32 v3, $0x7FF;
	v3 =	vsub.s32 v4, v7;
	v6 =	vld [tilespmem:s31+$0xFFFFFF50]  }
0x4f6: {  	v4 =	vsub.s32 v60, v8;
	vm13 =	vgt.s32 v3, $0x0;
	v7 =	vld [tilespmem:s31+$0xFFFFFFD0]  }
0x4f7: {  	vm14 =	vgt.s32 v4, $0x0;
	v3 =	vnsel vm13, $0x0, v3  }
0x4f8: {  	v4 =	vnsel vm14, $0x0, v4;
	v1 =	vld.idx.msk [tilespmem:v1+s5+$0x0], $0xffff;
	v3 =	vmin.u32 v3, $0x7FF  }
0x4f9: {  	[tilespmem:s2+$0xFFFFFEC0] =	vst v2;
	v8 =	vld.idx.msk [tilespmem:v5+s5+$0x0], $0xffff;
	v63 =	vmin.u32 v4, $0x7FF  }
0x4fa: {  	v4 =	vld [tilespmem:s31+$0xFFFFFD50]  }
0x4fb: {  	v62 =	vld.idx.msk [tilespmem:v0+s5+$0x0], $0xffff;
	v6 =	vsub.s32 v7, v6  }
0x4fc: {  	v5 =	vld [tilespmem:s31+$0xFFFFFDD0];
	vm15 =	vgt.s32 v6, $0x0  }
0x4fd: {  	[tilespmem:s29+$0x0] =	vst v61;
	v2 =	vld.idx.msk [tilespmem:v3+s5+$0x0], $0xffff;
	v3 =	vnsel vm15, $0x0, v6  }
0x4fe: {  	[tilespmem:s29+$0xFFFFFE70] =	vst v1;
	v1 =	vld.idx.msk [tilespmem:v63+s5+$0x0], $0xffff;
	v6 =	vmin.u32 v3, $0x7FF  }
0x4ff: {  	[tilespmem:s2+$0xFFFFFE40] =	vst v8;
	v0 =	vld [tilespmem:s30+$0xFFFFFC80]  }
0x500: {  	s16 =	simm.s32 $0x93F0;
	s3 =	simm.s32 $0x4;
	s0 =	simm.s32 $0x14BF0;
	v3 =	vld [tilespmem:s31+$0xFFFFFC50];
	[tilespmem:s2+$0xFFFFFF40] =	vst v62  }
.LBB2_9:
0x501: {  	v7 =	vld [tilespmem:s16+$0xFFFFFF10];
	v4 =	vsub.s32 v5, v4  }
0x502: {  	v5 =	vld [tilespmem:s16+$0xFFFFFF90];
	vm0 =	vgt.s32 v4, $0x0  }
0x503: {  	v4 =	vnsel vm0, $0x0, v4;
	v6 =	vld.idx.msk [tilespmem:v6+s5+$0x0], $0xffff;
	[tilespmem:s29+$0xFFFFFEF0] =	vst v2  }
0x504: {  	v2 =	vld [tilespmem:s16+$0xFFFFFC90];
	v4 =	vmin.u32 v4, $0x7FF  }
0x505: {  	v8 =	vld [tilespmem:s16+$0xFFFFFD10];
	[tilespmem:s29+$0xFFFFFF70] =	vst v1  }
0x506: {  	v1 =	vld [tilespmem:s16+$0xFFFFFD90]  }
0x507: {  	v9 =	vld [tilespmem:s16+$0xFFFFFE10];
	v5 =	vsub.s32 v5, v7  }
0x508: {  	v7 =	vld [tilespmem:s16+$0xFFFFFE90];
	vm0 =	vgt.s32 v5, $0x0  }
0x509: {  	s3 =	sadd.s32 $0x4, s3;
	v10 =	vld [tilespmem:s16+$0xFFFFFC10];
	v5 =	vnsel vm0, $0x0, v5;
	[tilespmem:s2+$0xFFFFFFD0] =	vst v6  }
0x50a: {  	p1 =	slt.u32 s3, $0x7C;
	v5 =	vmin.u32 v5, $0x7FF;
	v6 =	vld [tilespmem:s31+$0xFFFFFF60]  }
0x50b: {  	v1 =	vsub.s32 v1, v8;
	v8 =	vld [tilespmem:s31+$0xFFFFFFE0]  }
0x50c: {  	vm0 =	vgt.s32 v1, $0x0;
	v11 =	vld [tilespmem:s31+$0xFFFFFCD0]  }
0x50d: {  	v1 =	vnsel vm0, $0x0, v1;
	v7 =	vsub.s32 v7, v9;
	v9 =	vld [tilespmem:s31+$0xFFFFFE50]  }
0x50e: {  	v2 =	vsub.s32 v2, v10;
	v1 =	vmin.u32 v1, $0x7FF;
	vm0 =	vgt.s32 v7, $0x0;
	v10 =	vld [tilespmem:s31+$0xFFFFFED0]  }
0x50f: {  	vm1 =	vgt.s32 v2, $0x0;
	v7 =	vnsel vm0, $0x0, v7;
	v5 =	vld.idx.msk [tilespmem:v5+s5+$0x0], $0xffff  }
0x510: {  	v2 =	vnsel vm1, $0x0, v2;
	v7 =	vmin.u32 v7, $0x7FF;
	v4 =	vld.idx.msk [tilespmem:v4+s5+$0x0], $0xffff;
	v6 =	vsub.s32 v8, v6  }
0x511: {  	v2 =	vmin.u32 v2, $0x7FF;
	v3 =	vsub.s32 v11, v3;
	vm0 =	vgt.s32 v6, $0x0;
	v8 =	vld [tilespmem:s30+$0xFFFFFD00]  }
0x512: {  	vm1 =	vgt.s32 v3, $0x0;
	v6 =	vnsel vm0, $0x0, v6;
	v11 =	vld [tilespmem:s30+$0xFFFFFD80]  }
0x513: {  	v1 =	vld.idx.msk [tilespmem:v1+s5+$0x0], $0xffff;
	v3 =	vnsel vm1, $0x0, v3;
	v9 =	vsub.s32 v10, v9;
	v6 =	vmin.u32 v6, $0x7FF  }
0x514: {  	s2 =	sadd.s32 $0x200, s2;
	v3 =	vmin.u32 v3, $0x7FF;
	vm0 =	vgt.s32 v9, $0x0;
	v10 =	vld [tilespmem:s30+$0xFFFFFE00]  }
0x515: {  	v7 =	vld.idx.msk [tilespmem:v7+s5+$0x0], $0xffff;
	[tilespmem:s2+$0xFFFFFF90] =	vst v5;
	v5 =	vnsel vm0, $0x0, v9  }
0x516: {  	v9 =	vld [tilespmem:s16+$0xFFFFFF20];
	[tilespmem:s0+$0xFFFFFED0] =	vst v4;
	v4 =	vmin.u32 v5, $0x7FF;
	v0 =	vsub.s32 v8, v0  }
0x517: {  	v5 =	vld [tilespmem:s16+$0xFFFFFFA0];
	vm0 =	vgt.s32 v0, $0x0  }
0x518: {  	v6 =	vld.idx.msk [tilespmem:v6+s5+$0x0], $0xffff;
	v0 =	vnsel vm0, $0x0, v0  }
0x519: {  	v2 =	vld.idx.msk [tilespmem:v2+s5+$0x0], $0xffff;
	[tilespmem:s2+$0xFFFFFE90] =	vst v1;
	v1 =	vmin.u32 v0, $0x7FF;
	v0 =	vsub.s32 v10, v11  }
0x51a: {  	v8 =	vld [tilespmem:s16+$0xFFFFFD20];
	vm0 =	vgt.s32 v0, $0x0  }
0x51b: {  	v10 =	vld [tilespmem:s16+$0xFFFFFDA0];
	[tilespmem:s2+$0xFFFFFF10] =	vst v7;
	v0 =	vnsel vm0, $0x0, v0  }
0x51c: {  	v7 =	vld [tilespmem:s16+$0xFFFFFE20];
	v5 =	vsub.s32 v5, v9;
	v0 =	vmin.u32 v0, $0x7FF  }
0x51d: {  	v9 =	vld [tilespmem:s16+$0xFFFFFEA0];
	vm0 =	vgt.s32 v5, $0x0  }
0x51e: {  	v5 =	vnsel vm0, $0x0, v5;
	v3 =	vld.idx.msk [tilespmem:v3+s5+$0x0], $0xffff;
	[tilespmem:s0+$0xFFFFFFE0] =	vst v6  }
0x51f: {  	[tilespmem:s2+$0xFFFFFE10] =	vst v2;
	v2 =	vmin.u32 v5, $0x7FF;
	v5 =	vld [tilespmem:s31+$0xFFFFFF70]  }
0x520: {  	v6 =	vsub.s32 v10, v8;
	v8 =	vld [tilespmem:s31+$0xFFFFFFF0]  }
0x521: {  	v10 =	vld [tilespmem:s16+$0xFFFFFC20];
	vm0 =	vgt.s32 v6, $0x0  }
0x522: {  	v11 =	vld [tilespmem:s16+$0xFFFFFCA0];
	v6 =	vnsel vm0, $0x0, v6;
	v7 =	vsub.s32 v9, v7  }
0x523: {  	v6 =	vmin.u32 v6, $0x7FF;
	vm0 =	vgt.s32 v7, $0x0;
	v4 =	vld.idx.msk [tilespmem:v4+s5+$0x0], $0xffff  }
0x524: {  	v7 =	vnsel vm0, $0x0, v7;
	v2 =	vld.idx.msk [tilespmem:v2+s5+$0x0], $0xffff;
	[tilespmem:s0+$0xFFFFFE50] =	vst v3  }
0x525: {  	v3 =	vmin.u32 v7, $0x7FF;
	v7 =	vld [tilespmem:s31+$0xFFFFFC60];
	v5 =	vsub.s32 v8, v5  }
0x526: {  	v8 =	vld [tilespmem:s31+$0xFFFFFCE0];
	vm0 =	vgt.s32 v5, $0x0  }
0x527: {  	v9 =	vsub.s32 v11, v10;
	v10 =	vld [tilespmem:s31+$0xFFFFFD60];
	v5 =	vnsel vm0, $0x0, v5  }
0x528: {  	vm0 =	vgt.s32 v9, $0x0;
	v6 =	vld.idx.msk [tilespmem:v6+s5+$0x0], $0xffff;
	v5 =	vmin.u32 v5, $0x7FF  }
0x529: {  	v9 =	vnsel vm0, $0x0, v9;
	v11 =	vld [tilespmem:s31+$0xFFFFFDE0];
	[tilespmem:s0+$0xFFFFFF50] =	vst v4  }
0x52a: {  	v4 =	vmin.u32 v9, $0x7FF;
	v3 =	vld.idx.msk [tilespmem:v3+s5+$0x0], $0xffff;
	[tilespmem:s2+$0xFFFFFFA0] =	vst v2  }
0x52b: {  	v2 =	vld [tilespmem:s16+$0xFFFFFF30];
	v7 =	vsub.s32 v8, v7  }
0x52c: {  	v8 =	vld [tilespmem:s16+$0xFFFFFFB0];
	vm0 =	vgt.s32 v7, $0x0  }
0x52d: {  	v7 =	vnsel vm0, $0x0, v7;
	v5 =	vld.idx.msk [tilespmem:v5+s5+$0x0], $0xffff  }
0x52e: {  	[tilespmem:s2+$0xFFFFFEA0] =	vst v6;
	v6 =	vmin.u32 v7, $0x7FF;
	v7 =	vsub.s32 v11, v10;
	v9 =	vld [tilespmem:s31+$0xFFFFFE60]  }
0x52f: {  	v4 =	vld.idx.msk [tilespmem:v4+s5+$0x0], $0xffff;
	vm0 =	vgt.s32 v7, $0x0  }
0x530: {  	v10 =	vld [tilespmem:s16+$0xFFFFFD30];
	[tilespmem:s2+$0xFFFFFF20] =	vst v3;
	v3 =	vnsel vm0, $0x0, v7  }
0x531: {  	v7 =	vld [tilespmem:s16+$0xFFFFFDB0];
	v2 =	vsub.s32 v8, v2;
	v3 =	vmin.u32 v3, $0x7FF  }
0x532: {  	v8 =	vld [tilespmem:s16+$0xFFFFFE30];
	vm0 =	vgt.s32 v2, $0x0  }
0x533: {  	v11 =	vld [tilespmem:s16+$0xFFFFFEB0];
	v2 =	vnsel vm0, $0x0, v2;
	[tilespmem:s0+$0xFFFFFFF0] =	vst v5  }
0x534: {  	v2 =	vmin.u32 v2, $0x7FF;
	v5 =	vld [tilespmem:s31+$0xFFFFFF80]  }
0x535: {  	[tilespmem:s2+$0xFFFFFE20] =	vst v4;
	v4 =	vld [tilespmem:s31+$0x0]  }
0x536: {  	v12 =	vld [tilespmem:s16+$0xFFFFFC30];
	v7 =	vsub.s32 v7, v10  }
0x537: {  	v10 =	vld [tilespmem:s16+$0xFFFFFCB0];
	vm0 =	vgt.s32 v7, $0x0  }
0x538: {  	v7 =	vnsel vm0, $0x0, v7;
	v8 =	vsub.s32 v11, v8;
	v11 =	vld [tilespmem:s31+$0xFFFFFEE0]  }
0x539: {  	v7 =	vmin.u32 v7, $0x7FF;
	vm0 =	vgt.s32 v8, $0x0;
	v2 =	vld.idx.msk [tilespmem:v2+s5+$0x0], $0xffff  }
0x53a: {  	v8 =	vnsel vm0, $0x0, v8;
	v6 =	vld.idx.msk [tilespmem:v6+s5+$0x0], $0xffff;
	v4 =	vsub.s32 v4, v5  }
0x53b: {  	v5 =	vmin.u32 v8, $0x7FF;
	v3 =	vld.idx.msk [tilespmem:v3+s5+$0x0], $0xffff;
	vm0 =	vgt.s32 v4, $0x0  }
0x53c: {  	v8 =	vsub.s32 v10, v12;
	v4 =	vnsel vm0, $0x0, v4;
	v10 =	vld [tilespmem:s30+$0xFFFFFE80]  }
0x53d: {  	vm0 =	vgt.s32 v8, $0x0;
	v9 =	vsub.s32 v11, v9;
	v4 =	vmin.u32 v4, $0x7FF;
	v11 =	vld [tilespmem:s30+$0xFFFFFF00];
	s30 =	smov.u32 s31;
	s31 =	smov.u32 s16  }
0x53e: {  	v8 =	vnsel vm0, $0x0, v8;
	v7 =	vld.idx.msk [tilespmem:v7+s5+$0x0], $0xffff;
	vm0 =	vgt.s32 v9, $0x0  }
0x53f: {  	v8 =	vmin.u32 v8, $0x7FF;
	[tilespmem:s2+$0xFFFFFFB0] =	vst v2;
	v2 =	vnsel vm0, $0x0, v9;
	v1 =	vld.idx.msk [tilespmem:v1+s5+$0x0], $0xffff  }
0x540: {  	v9 =	vld [tilespmem:s16+$0xFFFFFF40];
	[tilespmem:s0+$0xFFFFFE60] =	vst v6;
	v2 =	vmin.u32 v2, $0x7FF  }
0x541: {  	v6 =	vld [tilespmem:s16+$0xFFFFFFC0];
	[tilespmem:s0+$0xFFFFFEE0] =	vst v3  }
0x542: {  	v3 =	vld.idx.msk [tilespmem:v4+s5+$0x0], $0xffff;
	v4 =	vsub.s32 v11, v10  }
0x543: {  	v5 =	vld.idx.msk [tilespmem:v5+s5+$0x0], $0xffff;
	vm0 =	vgt.s32 v4, $0x0  }
0x544: {  	v8 =	vld.idx.msk [tilespmem:v8+s5+$0x0], $0xffff;
	[tilespmem:s2+$0xFFFFFEB0] =	vst v7;
	v4 =	vnsel vm0, $0x0, v4  }
0x545: {  	v7 =	vld [tilespmem:s16+$0xFFFFFD40];
	[tilespmem:s29+$0xFFFFFE80] =	vst v1;
	v1 =	vmin.u32 v4, $0x7FF  }
0x546: {  	v4 =	vld [tilespmem:s16+$0xFFFFFDC0];
	v6 =	vsub.s32 v6, v9  }
0x547: {  	vm0 =	vgt.s32 v6, $0x0;
	v2 =	vld.idx.msk [tilespmem:v2+s5+$0x0], $0xffff  }
0x548: {  	v6 =	vnsel vm0, $0x0, v6;
	v9 =	vld [tilespmem:s30+$0xFFFFFC70];
	[tilespmem:s0+$0x0] =	vst v3  }
0x549: {  	[tilespmem:s2+$0xFFFFFF30] =	vst v5;
	v3 =	vmin.u32 v6, $0x7FF;
	v5 =	vld [tilespmem:s30+$0xFFFFFCF0]  }
0x54a: {  	[tilespmem:s2+$0xFFFFFE30] =	vst v8;
	v6 =	vld [tilespmem:s16+$0xFFFFFE40]  }
0x54b: {  	v8 =	vld [tilespmem:s16+$0xFFFFFC40];
	v4 =	vsub.s32 v4, v7  }
0x54c: {  	v7 =	vld [tilespmem:s16+$0xFFFFFCC0];
	vm0 =	vgt.s32 v4, $0x0  }
0x54d: {  	v4 =	vnsel vm0, $0x0, v4;
	v10 =	vld [tilespmem:s16+$0xFFFFFEC0];
	[tilespmem:s0+$0xFFFFFF60] =	vst v2  }
0x54e: {  	v2 =	vmin.u32 v4, $0x7FF;
	v3 =	vld.idx.msk [tilespmem:v3+s5+$0x0], $0xffff;
	v4 =	vsub.s32 v5, v9  }
0x54f: {  	vm0 =	vgt.s32 v4, $0x0;
	v5 =	vld [tilespmem:s30+$0xFFFFFD70]  }
0x550: {  	v4 =	vnsel vm0, $0x0, v4;
	v9 =	vld [tilespmem:s30+$0xFFFFFDF0]  }
0x551: {  	v7 =	vsub.s32 v7, v8;
	v4 =	vmin.u32 v4, $0x7FF;
	v8 =	vld [tilespmem:s30+$0xFFFFFE70]  }
0x552: {  	vm0 =	vgt.s32 v7, $0x0;
	v6 =	vsub.s32 v10, v6;
	v10 =	vld [tilespmem:s30+$0xFFFFFEF0]  }
0x553: {  	v7 =	vnsel vm0, $0x0, v7;
	v2 =	vld.idx.msk [tilespmem:v2+s5+$0x0], $0xffff;
	vm0 =	vgt.s32 v6, $0x0  }
0x554: {  	v7 =	vmin.u32 v7, $0x7FF;
	v6 =	vnsel vm0, $0x0, v6;
	[tilespmem:s2+$0xFFFFFFC0] =	vst v3;
	v0 =	vld.idx.msk [tilespmem:v0+s5+$0x0], $0xffff  }
0x555: {  	v3 =	vmin.u32 v6, $0x7FF;
	v6 =	vld [tilespmem:s16+$0xFFFFFF50];
	v5 =	vsub.s32 v9, v5  }
0x556: {  	v9 =	vld [tilespmem:s16+$0xFFFFFFD0];
	vm0 =	vgt.s32 v5, $0x0  }
0x557: {  	v11 =	vld.idx.msk [tilespmem:v4+s5+$0x0], $0xffff;
	v4 =	vnsel vm0, $0x0, v5;
	v5 =	vsub.s32 v10, v8  }
0x558: {  	v8 =	vmin.u32 v4, $0x7FF;
	vm0 =	vgt.s32 v5, $0x0;
	v1 =	vld.idx.msk [tilespmem:v1+s5+$0x0], $0xffff  }
0x559: {  	v7 =	vld.idx.msk [tilespmem:v7+s5+$0x0], $0xffff;
	[tilespmem:s2+$0xFFFFFEC0] =	vst v2;
	v2 =	vnsel vm0, $0x0, v5  }
0x55a: {  	v10 =	vld.idx.msk [tilespmem:v3+s5+$0x0], $0xffff;
	v3 =	vmin.u32 v2, $0x7FF;
	[tilespmem:s29+$0xFFFFFF00] =	vst v0  }
0x55b: {  	v4 =	vld [tilespmem:s16+$0xFFFFFD50];
	v0 =	vsub.s32 v9, v6  }
.Ltmp5:
0x55c: {  	v5 =	vld [tilespmem:s16+$0xFFFFFDD0];
	vm0 =	vgt.s32 v0, $0x0;
	(pc) =	sbr.rel @p1 .LBB2_9-.Ltmp5, $4  }
0x55d: {  	v0 =	vnsel vm0, $0x0, v0;
	[tilespmem:s0+$0xFFFFFE70] =	vst v11;
	v2 =	vld.idx.msk [tilespmem:v8+s5+$0x0], $0xffff  }
0x55e: {  	v6 =	vmin.u32 v0, $0x7FF;
	v0 =	vld [tilespmem:s30+$0xFFFFFC80];
	[tilespmem:s29+$0xFFFFFF80] =	vst v1;
	s29 =	smov.u32 s0;
	s0 =	smov.u32 s2  }
0x55f: {  	[tilespmem:s2+$0xFFFFFE40] =	vst v7;
	v1 =	vld.idx.msk [tilespmem:v3+s5+$0x0], $0xffff  }
0x560: {  	s16 =	sadd.s32 $0x400, s16;
	v3 =	vld [tilespmem:s31+$0xFFFFFC50];
	[tilespmem:s2+$0xFFFFFF40] =	vst v10  }
0x561: {  	v7 =	vld [tilespmem:s31+$0xFFFFFCD0]  }
0x562: {  	v8 =	vld [tilespmem:s31+$0xFFFFFE50]  }
0x563: {  	v9 =	vld [tilespmem:s31+$0xFFFFFED0]  }
0x564: {  	v4 =	vsub.s32 v5, v4  }
0x565: {  	v30 =	vld.idx.msk [tilespmem:v6+s5+$0x0], $0xffff;
	vm12 =	vgt.s32 v4, $0x0  }
0x566: {  	v4 =	vnsel vm12, $0x0, v4;
	v3 =	vsub.s32 v7, v3  }
0x567: {  	v4 =	vmin.u32 v4, $0x7FF;
	vm0 =	vgt.s32 v3, $0x0  }
0x568: {  	v31 =	vsub.s32 v9, v8;
	v3 =	vnsel vm0, $0x0, v3  }
0x569: {  	vm13 =	vgt.s32 v31, $0x0;
	v3 =	vmin.u32 v3, $0x7FF  }
0x56a: {  	[tilespmem:s2+$0xFFFFFFD0] =	vst v30;
	v6 =	vnsel vm13, $0x0, v31  }
0x56b: {  	v33 =	vld [tilespmem:s31+$0xFFFFFF60];
	v32 =	vmin.u32 v6, $0x7FF  }
0x56c: {  	v4 =	vld.idx.msk [tilespmem:v4+s5+$0x0], $0xffff  }
0x56d: {  	v34 =	vld [tilespmem:s31+$0xFFFFFFE0]  }
0x56e: {  	v3 =	vld.idx.msk [tilespmem:v3+s5+$0x0], $0xffff;
	_ =	sdelay $0x1  }
0x56f: {  	v5 =	vld.idx.msk [tilespmem:v32+s5+$0x0], $0xffff  }
0x570: {  	[tilespmem:s0+$0xFFFFFED0] =	vst v4  }
0x571: {  	v37 =	vld [tilespmem:s31+$0xFFFFFD60]  }
0x572: {  	v6 =	vsub.s32 v34, v33;
	v38 =	vld [tilespmem:s31+$0xFFFFFDE0];
	[tilespmem:s0+$0xFFFFFE50] =	vst v3  }
0x573: {  	vm14 =	vgt.s32 v6, $0x0;
	v3 =	vld [tilespmem:s31+$0xFFFFFC60]  }
0x574: {  	v36 =	vnsel vm14, $0x0, v6;
	[tilespmem:s0+$0xFFFFFF50] =	vst v5;
	v35 =	vld [tilespmem:s31+$0xFFFFFCE0]  }
0x575: {  	v4 =	vmin.u32 v36, $0x7FF;
	v5 =	vld [tilespmem:s31+$0xFFFFFE60]  }
0x576: {  	v39 =	vld [tilespmem:s31+$0xFFFFFEE0]  }
0x577: {  	v6 =	vsub.s32 v38, v37  }
0x578: {  	vm4 =	vgt.s32 v6, $0x0  }
0x579: {  	v6 =	vnsel vm4, $0x0, v6;
	v3 =	vsub.s32 v35, v3  }
0x57a: {  	v4 =	vld.idx.msk [tilespmem:v4+s5+$0x0], $0xffff;
	v6 =	vmin.u32 v6, $0x7FF;
	vm15 =	vgt.s32 v3, $0x0  }
0x57b: {  	v5 =	vsub.s32 v39, v5;
	v3 =	vnsel vm15, $0x0, v3  }
0x57c: {  	vm5 =	vgt.s32 v5, $0x0;
	v3 =	vmin.u32 v3, $0x7FF  }
0x57d: {  	v5 =	vnsel vm5, $0x0, v5  }
0x57e: {  	v40 =	vmin.u32 v5, $0x7FF  }
0x57f: {  	[tilespmem:s0+$0xFFFFFFE0] =	vst v4;
	v6 =	vld.idx.msk [tilespmem:v6+s5+$0x0], $0xffff  }
0x580: {  	v41 =	vld [tilespmem:s31+$0xFFFFFF70]  }
0x581: {  	v3 =	vld.idx.msk [tilespmem:v3+s5+$0x0], $0xffff  }
0x582: {  	v42 =	vld [tilespmem:s31+$0xFFFFFFF0]  }
0x583: {  	v43 =	vld.idx.msk [tilespmem:v40+s5+$0x0], $0xffff  }
0x584: {  	[tilespmem:s0+$0xFFFFFEE0] =	vst v6  }
0x585: {  	v6 =	vld [tilespmem:s31+$0xFFFFFD70]  }
0x586: {  	v46 =	vld [tilespmem:s31+$0xFFFFFDF0];
	[tilespmem:s0+$0xFFFFFE60] =	vst v3  }
0x587: {  	v44 =	vld [tilespmem:s31+$0xFFFFFC70]  }
0x588: {  	v5 =	vsub.s32 v42, v41;
	[tilespmem:s0+$0xFFFFFF60] =	vst v43;
	v45 =	vld [tilespmem:s31+$0xFFFFFCF0]  }
0x589: {  	vm6 =	vgt.s32 v5, $0x0;
	v48 =	vld [tilespmem:s31+$0xFFFFFE70]  }
0x58a: {  	v5 =	vnsel vm6, $0x0, v5;
	v49 =	vld [tilespmem:s31+$0xFFFFFEF0]  }
0x58b: {  	v5 =	vmin.u32 v5, $0x7FF;
	v6 =	vsub.s32 v46, v6  }
0x58c: {  	vm8 =	vgt.s32 v6, $0x0  }
0x58d: {  	v6 =	vnsel vm8, $0x0, v6;
	v47 =	vsub.s32 v45, v44  }
0x58e: {  	v50 =	vld [tilespmem:s30+$0xFFFFFD00];
	[tilespmem:s29+$0xFFFFFEF0] =	vst v2;
	v6 =	vmin.u32 v6, $0x7FF;
	vm7 =	vgt.s32 v47, $0x0  }
0x58f: {  	v51 =	vld [tilespmem:s30+$0xFFFFFD80];
	v4 =	vsub.s32 v49, v48;
	v3 =	vnsel vm7, $0x0, v47  }
0x590: {  	v5 =	vld.idx.msk [tilespmem:v5+s5+$0x0], $0xffff;
	vm9 =	vgt.s32 v4, $0x0;
	v3 =	vmin.u32 v3, $0x7FF  }
0x591: {  	v52 =	vld [tilespmem:s30+$0xFFFFFE00];
	[tilespmem:s29+$0xFFFFFF70] =	vst v1;
	v4 =	vnsel vm9, $0x0, v4  }
0x592: {  	v55 =	vld [tilespmem:s30+$0xFFFFFE80];
	v4 =	vmin.u32 v4, $0x7FF  }
0x593: {  	v54 =	vld.idx.msk [tilespmem:v6+s5+$0x0], $0xffff  }
0x594: {  	v10 =	vld [tilespmem:s30+$0xFFFFFF00]  }
0x595: {  	[tilespmem:s0+$0xFFFFFFF0] =	vst v5;
	v3 =	vld.idx.msk [tilespmem:v3+s5+$0x0], $0xffff  }
0x596: {  	v5 =	vld [tilespmem:s31+$0xFFFFFF80]  }
0x597: {  	v4 =	vld.idx.msk [tilespmem:v4+s5+$0x0], $0xffff  }
0x598: {  	v53 =	vld [tilespmem:s31+$0x0];
	[tilespmem:s0+$0xFFFFFEF0] =	vst v54  }
0x599: {  	v11 =	vld [tilespmem:s31+$0xFFFFFD80]  }
0x59a: {  	v12 =	vld [tilespmem:s31+$0xFFFFFE00];
	[tilespmem:s0+$0xFFFFFE70] =	vst v3  }
0x59b: {  	v0 =	vsub.s32 v50, v0;
	v3 =	vld [tilespmem:s31+$0xFFFFFC80]  }
0x59c: {  	vm10 =	vgt.s32 v0, $0x0;
	[tilespmem:s0+$0xFFFFFF70] =	vst v4;
	v56 =	vld [tilespmem:s31+$0xFFFFFD00]  }
0x59d: {  	v57 =	vsub.s32 v52, v51;
	v0 =	vnsel vm10, $0x0, v0;
	v59 =	vld [tilespmem:s31+$0xFFFFFE80]  }
0x59e: {  	v0 =	vmin.u32 v0, $0x7FF;
	vm1 =	vgt.s32 v57, $0x0;
	v6 =	vsub.s32 v10, v55;
	v60 =	vld [tilespmem:s31+$0xFFFFFF00]  }
0x59f: {  	v2 =	vnsel vm1, $0x0, v57;
	vm12 =	vgt.s32 v6, $0x0;
	v58 =	vsub.s32 v53, v5  }
0x5a0: {  	v2 =	vmin.u32 v2, $0x7FF;
	v6 =	vnsel vm12, $0x0, v6;
	vm11 =	vgt.s32 v58, $0x0  }
0x5a1: {  	v6 =	vmin.u32 v6, $0x7FF;
	v4 =	vnsel vm11, $0x0, v58;
	v61 =	vsub.s32 v12, v11  }
0x5a2: {  	v4 =	vmin.u32 v4, $0x7FF;
	vm14 =	vgt.s32 v61, $0x0;
	v1 =	vsub.s32 v56, v3  }
0x5a3: {  	v62 =	vnsel vm14, $0x0, v61;
	v3 =	vsub.s32 v60, v59;
	vm13 =	vgt.s32 v1, $0x0  }
0x5a4: {  	v5 =	vmin.u32 v62, $0x7FF;
	vm15 =	vgt.s32 v3, $0x0;
	v1 =	vnsel vm13, $0x0, v1  }
0x5a5: {  	v0 =	vld.idx.msk [tilespmem:v0+s5+$0x0], $0xffff;
	v3 =	vnsel vm15, $0x0, v3;
	v1 =	vmin.u32 v1, $0x7FF  }
0x5a6: {  	v2 =	vld.idx.msk [tilespmem:v2+s5+$0x0], $0xffff;
	v3 =	vmin.u32 v3, $0x7FF  }
0x5a7: {  	v6 =	vld.idx.msk [tilespmem:v6+s5+$0x0], $0xffff  }
0x5a8: {  	v4 =	vld.idx.msk [tilespmem:v4+s5+$0x0], $0xffff  }
0x5a9: {  	v63 =	vld.idx.msk [tilespmem:v5+s5+$0x0], $0xffff  }
0x5aa: {  	[tilespmem:s29+$0xFFFFFE80] =	vst v0;
	v1 =	vld.idx.msk [tilespmem:v1+s5+$0x0], $0xffff  }
0x5ab: {  	[tilespmem:s29+$0xFFFFFF00] =	vst v2;
	v3 =	vld.idx.msk [tilespmem:v3+s5+$0x0], $0xffff  }
0x5ac: {  	s30 =	sadd.s32 s28, s6;
	[tilespmem:s29+$0xFFFFFF80] =	vst v6  }
.Ltmp6:
0x5ad: {  	s2 =	sshll.u32 s30, $0x4;
	[tilespmem:s0+$0x0] =	vst v4;
	(pc) =	sbr.rel @p0 .LBB2_12-.Ltmp6, $4  }
0x5ae: {  	s2 =	sadd.s32 $0x800, s2;
	[tilespmem:s0+$0xFFFFFF00] =	vst v63  }
0x5af: {  	s2 =	sand.u32 $0x1FFFF800, s2;
	[tilespmem:s0+$0xFFFFFE80] =	vst v1  }
0x5b0: {  	s31 =	sadd.s32 s4, s2;
	[tilespmem:s0+$0xFFFFFF80] =	vst v3  }
0x5b1: {  	[hbm4b:s31+s5] =	stream.linear.scatter [tilespmem:s22], [sflag:$0x4], $0x4000, $0x38;
	[tilespmem:$0x18800] =	vst v63  }
.Ltmp7:
0x5b2: {  	s0 =	sadd.s32 s28, s14;
	(pc) =	sbr.rel .LBB2_6-.Ltmp7, $4  }
0x5b3: {  	s0 =	sshll.u32 s0, $0x5  }
0x5b4: {  	s0 =	sand.u32 $0x1FFFF000, s0  }
0x5b5: {  	s26 =	sadd.s32 $0x1, s26;
	s0 =	sadd.s32 s1, s0  }
0x5b6: {  	[tilespmem:s17], [sflag:$0x2] =	stream.linear.gather [hbm4b:s0+s5], $0x8000, $0x38;
	[tilespmem:$0x18800] =	vst v63  }
.LBB2_13:
0x5b7: {  	_ =	sfence.sel $0x180000  }
0x5b8: {  	[bflag:$0x0] =	sbarrier.arrive $0xFFFF  }
0x5b9: {  	_ =	strace $0x90000047  }
0x5ba: {  	s0 =	stileid.u32;
	[bflag:$0x2] =	sbarrier.arrive $0xFFFF  }
0x5bb: {  	p0 =	sne.s32 s0, $0x0;
	s0 =	rddreg [dreg:$0x3]  }
0x5bc: {  	s0 =	sadd.s32 @!p0 $0x100000, s0  }
0x5bd: {  	[sflag:s0] =	ssyncadd.tile.s32 @!p0 $0x1;
	_ =	shalt  }
.Lfunc_end2:
_tile_overlayer_lowered:
.L_overlay_start_2:
0x5be: {  	(tag) =	ssettag $0x2  }
0x5bf: {  	s0 =	rddreg [dreg:$0x0];
	s2 =	stileid.u32  }
0x5c0: {  	s1 =	rddreg [dreg:$0x1];
	p0 =	sne.s32 s2, $0x0  }
0x5c1: {  	s3 =	rddreg [dreg:$0x2];
	[bflag:$0x3] =	sbarrier.arrive $0xFFFF;
	s2 =	simm.s32 @!p0 $0x1C05  }
0x5c2: {  	[timem:s3], [sflag:s2] =	dma.local @!p0 [hbm:s0], s1  }
0x5c3: {  	s0 =	simm.s32 @!p0 $0x5  }
0x5c4: {  	_ =	swait.ge @!p0 [sflag:s0], s1  }
0x5c5: {  	s1 =	ssub.s32 @!p0 $0x0, s1;
	[sflag:s0] =	ssyncset.done @!p0 $0x0  }
0x5c6: {  	[sflag:s0] =	ssyncadd.s32 @!p0 s1  }
0x5c7: {  	[bflag:$0x3] =	sbarrier.arrive $0xFFFF  }
0x5c8: {  	_ =	shalt  }

</sc_bundles>
